<compile_context>
chip_gen: v7x
topology: tpu7x:2x2x1
jax: 0.10.2.dev20260603
libtpu: 0.0.44.dev20260713+nightly
codegen_flags: <defaults>
</compile_context>

<pallas_src>
import functools

import jax
import jax.numpy as jnp
from jax import lax
from jax.experimental import pallas as pl
from jax.experimental.pallas import tpu as pltpu
from jax.experimental.pallas import tpu_sc as plsc

_N = 32768
_D = 2048
_K = 1638
_RANK = _D - _K
_NC = 2
_NS = 16
_NW = _NC * _NS
_GROUP = 16
_DC = 1920
_UNROLL = 16


def _sc_body(x_hbm, o_hbm, xin, keys, hist, ssq, in_sem, out_sem):
    lane = lax.iota(jnp.int32, 16)
    ones = jnp.ones((16,), jnp.int32)
    zeros_i = jnp.zeros((16,), jnp.int32)
    rank0 = jnp.full((16,), _RANK, jnp.int32)

    wid = lax.axis_index("s") * _NC + lax.axis_index("c")
    rows_per_worker = _N // _NW
    groups = rows_per_worker // _GROUP
    base = wid * rows_per_worker

    def in_copy(g, r):
        par16 = (g & 1) * _GROUP
        row0 = base + g * _GROUP
        return (x_hbm.at[row0 + r],
                xin.at[pl.ds(pl.multiple_of((par16 + r) * _D, _D), _D)])

    def out_copy(g, r):
        par16 = (g & 1) * _GROUP
        row0 = base + g * _GROUP
        return (xin.at[pl.ds(pl.multiple_of((par16 + r) * _D, _D), _D)],
                o_hbm.at[row0 + r])

    def issue_in(g):
        def body(r, c):
            src, dst = in_copy(g, r)
            pltpu.async_copy(src, dst, in_sem)
            return c
        lax.fori_loop(0, _GROUP, body, 0)

    def wait_in(g):
        def body(r, c):
            src, dst = in_copy(g, r)
            pltpu.make_async_copy(src, dst, in_sem).wait()
            return c
        lax.fori_loop(0, _GROUP, body, 0)

    def issue_out(g):
        def body(r, c):
            src, dst = out_copy(g, r)
            pltpu.async_copy(src, dst, out_sem)
            return c
        lax.fori_loop(0, _GROUP, body, 0)

    def wait_out(g):
        def body(r, c):
            src, dst = out_copy(g, r)
            pltpu.make_async_copy(src, dst, out_sem).wait()
            return c
        lax.fori_loop(0, _GROUP, body, 0)

    def _z(j, c):
        hist[j, :] = zeros_i
        return c
    lax.fori_loop(0, 256, _z, 0)

    def scan_level(rvec):
        @plsc.parallel_loop(0, 256, 1, unroll=8,
                            carry=(zeros_i, zeros_i, zeros_i))
        def res(j, c):
            cum, nb, cumlt = c
            h = hist[j, :]
            hist[j, :] = zeros_i
            cum2 = cum + h
            le = cum2 <= rvec
            return cum2, nb + jnp.where(le, 1, 0), jnp.where(le, cum2, cumlt)
        _, nb, cumlt = res
        return nb, rvec - cumlt

    issue_in(0)

    def group_body(g, c):
        par16 = (g & 1) * _GROUP
        rowflat = (lane + par16) * _D

        wait_in(g)

        ssq[...] = jnp.zeros((16,), jnp.float32)

        @plsc.parallel_loop(0, _DC, 1, unroll=_UNROLL)
        def _p1(j):
            idx = rowflat + jnp.bitwise_and(lane + j, _D - 1)
            xv = plsc.load_gather(xin, [idx])
            plsc.addupdate(ssq.at[pl.ds(0, 16)], xv * xv)
            b = lax.bitcast_convert_type(xv, jnp.int32)
            s = jnp.right_shift(b, 31)
            kb = jnp.bitwise_xor(b, jnp.bitwise_and(s, jnp.int32(0x7FFFFFFF)))
            keys[pl.ds(pl.multiple_of(j * 16, 16), 16)] = kb
            d1 = jnp.right_shift(kb, 24) + 128
            plsc.addupdate_scatter(hist, [d1, lane], ones)

        @plsc.parallel_loop(_DC, _D, 1, unroll=_UNROLL)
        def _p1t(j):
            idx = rowflat + jnp.bitwise_and(lane + j, _D - 1)
            xv = plsc.load_gather(xin, [idx])
            plsc.addupdate(ssq.at[pl.ds(0, 16)], xv * xv)
            b = lax.bitcast_convert_type(xv, jnp.int32)
            s = jnp.right_shift(b, 31)
            kb = jnp.bitwise_xor(b, jnp.bitwise_and(s, jnp.int32(0x7FFFFFFF)))
            d1 = jnp.right_shift(kb, 24) + 128
            plsc.addupdate_scatter(hist, [d1, lane], ones)

        b1, r1 = scan_level(rank0)
        b1s = b1 - 128

        @pl.when(g > 0)
        def _drain_out():
            wait_out(g - 1)

        @pl.when(g + 1 < groups)
        def _prefetch():
            issue_in(g + 1)

        @plsc.parallel_loop(0, _DC, 1, unroll=_UNROLL)
        def _p2(j):
            kb = keys[pl.ds(pl.multiple_of(j * 16, 16), 16)]
            m = jnp.right_shift(kb, 24) == b1s
            d2 = jnp.bitwise_and(jnp.right_shift(kb, 16), 255)
            plsc.addupdate_scatter(hist, [d2, lane], ones, mask=m)

        @plsc.parallel_loop(_DC, _D, 1, unroll=_UNROLL)
        def _p2t(j):
            idx = rowflat + jnp.bitwise_and(lane + j, _D - 1)
            xv = plsc.load_gather(xin, [idx])
            b = lax.bitcast_convert_type(xv, jnp.int32)
            s = jnp.right_shift(b, 31)
            kb = jnp.bitwise_xor(b, jnp.bitwise_and(s, jnp.int32(0x7FFFFFFF)))
            m = jnp.right_shift(kb, 24) == b1s
            d2 = jnp.bitwise_and(jnp.right_shift(kb, 16), 255)
            plsc.addupdate_scatter(hist, [d2, lane], ones, mask=m)

        b2, r2 = scan_level(r1)
        p2s = b1s * 256 + b2

        @plsc.parallel_loop(0, _DC, 1, unroll=_UNROLL)
        def _p3(j):
            kb = keys[pl.ds(pl.multiple_of(j * 16, 16), 16)]
            m = jnp.right_shift(kb, 16) == p2s
            d3 = jnp.bitwise_and(jnp.right_shift(kb, 8), 255)
            plsc.addupdate_scatter(hist, [d3, lane], ones, mask=m)

        @plsc.parallel_loop(_DC, _D, 1, unroll=_UNROLL)
        def _p3t(j):
            idx = rowflat + jnp.bitwise_and(lane + j, _D - 1)
            xv = plsc.load_gather(xin, [idx])
            b = lax.bitcast_convert_type(xv, jnp.int32)
            s = jnp.right_shift(b, 31)
            kb = jnp.bitwise_xor(b, jnp.bitwise_and(s, jnp.int32(0x7FFFFFFF)))
            m = jnp.right_shift(kb, 16) == p2s
            d3 = jnp.bitwise_and(jnp.right_shift(kb, 8), 255)
            plsc.addupdate_scatter(hist, [d3, lane], ones, mask=m)

        b3, _ = scan_level(r2)
        p3s = p2s * 256 + b3
        ks_t = p3s * 256

        tf = lax.bitcast_convert_type(
            jnp.bitwise_xor(
                ks_t,
                jnp.bitwise_and(jnp.right_shift(ks_t, 31),
                                jnp.int32(0x7FFFFFFF))),
            jnp.float32)

        s = ssq[...]
        y = lax.bitcast_convert_type(
            jnp.int32(0x5F3759DF)
            - jnp.right_shift(lax.bitcast_convert_type(s, jnp.int32), 1),
            jnp.float32)
        half = 0.5 * s
        for _ in range(3):
            y = y * (1.5 - half * y * y)
        boost = jnp.exp(jnp.float32(_K) * y)

        @plsc.parallel_loop(0, _D, 1, unroll=_UNROLL)
        def _po(j):
            idx = rowflat + jnp.bitwise_and(lane + j, _D - 1)
            xv = plsc.load_gather(xin, [idx])
            ov = jnp.where(xv >= tf, xv * boost, jnp.float32(0.0))
            plsc.store_scatter(xin, [idx], ov)

        issue_out(g)
        return c

    lax.fori_loop(0, groups, group_body, 0)

    wait_out(groups - 1)


@functools.partial(jax.jit, static_argnames=())
def kernel(inputs):
    n, d = inputs.shape
    assert (n, d) == (_N, _D)
    mesh = plsc.VectorSubcoreMesh(
        core_axis_name="c", subcore_axis_name="s",
        num_cores=_NC, num_subcores=_NS)
    f = pl.kernel(
        _sc_body,
        out_type=jax.ShapeDtypeStruct((_N, _D), jnp.float32),
        mesh=mesh,
        scratch_types=[
            pltpu.VMEM((2 * _GROUP * _D,), jnp.float32),
            pltpu.VMEM((_DC * 16,), jnp.int32),
            pltpu.VMEM((256, 16), jnp.int32),
            pltpu.VMEM((16,), jnp.float32),
            pltpu.SemaphoreType.DMA,
            pltpu.SemaphoreType.DMA,
        ],
        compiler_params=pltpu.CompilerParams(
            use_tc_tiling_on_sc=True, needs_layout_passes=False,
            skip_device_barrier=True),
    )
    return f(inputs)

# --- scband reference (transcript-rebuilt; emitter-appended) ---
"""Pipeline reference for scband-activation-sparsity-13125420056600 (READ-ONLY COPY).

The authoritative reference and input builder live on the scoring server;
editing this copy changes nothing except your own understanding.
"""

import jax, jax.numpy as jnp
import numpy as np
import math


def setup_inputs(seed: int = 0) -> dict:
    key = jax.random.key(seed)
    inputs = jax.random.normal(key, (32768, 2048), dtype=jnp.float32)
    return {"inputs": inputs}


def reference(inputs):
    # Faithful port of ActivationSparsity.forward in eval-style (prev_duty_cycle
    # initialized to zeros, as on the first call of the torch module; duty-cycle
    # update only mutates state and does not affect this call's output).
    out_shape = inputs.shape
    x = inputs.reshape(inputs.shape[0], -1)
    D = x.shape[-1]
    prev_duty_cycle = jnp.zeros((D,), dtype=x.dtype)
    k = math.floor(0.8 * D)  # act_sparsity * in_features
    beta = 1.0
    target = k / jnp.linalg.norm(x, axis=-1, keepdims=True)
    boost_coefficient = jnp.exp(beta * (target - prev_duty_cycle))
    boosted = boost_coefficient * x
    values, indices = jax.lax.top_k(boosted, k)
    row_idx = jnp.arange(x.shape[0], dtype=indices.dtype)[:, None]
    outputs = jnp.zeros_like(x).at[row_idx, indices].set(values)
    return outputs.reshape(out_shape)

if __name__ == "__main__":
    import jax
    _d = setup_inputs()
    print(jax.jit(kernel)(*tuple(_d.values())))

</pallas_src>

<mosaic_0001>
#map = affine_map<(d0, d1) -> (0, 0)>
module attributes {stable_mosaic.version = 14 : i64} {
  func.func @_sc_body(%arg0: i32, %arg1: i32, %arg2: memref<32768x2048xf32, #tpu.memory_space<hbm>>, %arg3: memref<32768x2048xf32, #tpu.memory_space<hbm>>, %arg4: memref<65536xf32, #tpu.memory_space<vmem>>, %arg5: memref<30720xi32, #tpu.memory_space<vmem>>, %arg6: memref<256x16xi32, #tpu.memory_space<vmem>>, %arg7: memref<16xf32, #tpu.memory_space<vmem>>, %arg8: memref<!tpu.dma_semaphore, #tpu.memory_space<semaphore_mem>>, %arg9: memref<!tpu.dma_semaphore, #tpu.memory_space<semaphore_mem>>) attributes {dimension_semantics = [#tpu.dimension_semantics<core_parallel>, #tpu.dimension_semantics<subcore_parallel>], iteration_bounds = array<i64: 2, 16>, scalar_prefetch = 0 : i64, scratch_operands = 6 : i64, tpu.core_type = #tpu.core_type<sc_vector_subcore>, window_params = [{transform_indices = #map}, {transform_indices = #map}]} {
    %iota3A = tpu.iota {dimensions = array<i32: 0>} : vector<16xi32>
    %broadcast_in_dim3A = arith.constant 1 : i32
    %broadcast_in_dim3A_0 = vector.broadcast %broadcast_in_dim3A : i32 to vector<16xi32>
    %broadcast_in_dim3A_1 = arith.constant 0 : i32
    %broadcast_in_dim3A_2 = vector.broadcast %broadcast_in_dim3A_1 : i32 to vector<16xi32>
    %broadcast_in_dim3A_3 = arith.constant 410 : i32
    %broadcast_in_dim3A_4 = vector.broadcast %broadcast_in_dim3A_3 : i32 to vector<16xi32>
    %mul3A = arith.constant 2 : i32
    %mul3A_5 = arith.muli %arg1, %mul3A : i32
    %add3A = arith.addi %mul3A_5, %arg0 : i32
    %mul3A_6 = arith.constant 1024 : i32
    %mul3A_7 = arith.muli %add3A, %mul3A_6 : i32
    %scan3A = arith.constant 0 : i32
    %scan3A_8 = arith.constant 0 : i32
    %scan3A_9 = arith.constant 256 : i32
    %scan3A_10 = arith.addi %scan3A_8, %scan3A_9 : i32
    %scan3A_11 = arith.constant 1 : i32
    scf.for %scan3A_31 = %scan3A_8 to %scan3A_10 step %scan3A_11  : i32 {
      %swap3A = arith.index_cast %scan3A_31 : i32 to index
      %swap3A_32 = arith.constant 0 : index
      %swap3A_33 = tpu.vector_load %arg6[%swap3A, %swap3A_32] {strides = array<i32>} : memref<256x16xi32, #tpu.memory_space<vmem>>, vector<16xi32>,
      tpu.vector_store %arg6[%swap3A, %swap3A_32], %broadcast_in_dim3A_2 {strides = array<i32>} : memref<256x16xi32, #tpu.memory_space<vmem>>, vector<16xi32>,
    }
    %scan3A_12 = arith.constant 256 : i32
    %scan3A_13 = arith.constant 0 : i32
    %scan3A_14 = arith.constant 0 : i32
    %scan3A_15 = arith.constant 16 : i32
    %scan3A_16 = arith.addi %scan3A_14, %scan3A_15 : i32
    %scan3A_17 = arith.constant 1 : i32
    scf.for %scan3A_31 = %scan3A_14 to %scan3A_16 step %scan3A_17  : i32 {
      %add3A_32 = arith.constant 0 : i32
      %add3A_33 = arith.addi %mul3A_7, %add3A_32 : i32
      %add3A_34 = arith.addi %add3A_33, %scan3A_31 : i32
      %add3A_35 = arith.constant 0 : i32
      %add3A_36 = arith.addi %add3A_35, %scan3A_31 : i32
      %mul3A_37 = arith.constant 2048 : i32
      %mul3A_38 = arith.muli %add3A_36, %mul3A_37 : i32
      %multiple_of3A = tpu.assume_multiple %mul3A_38, 2048 : i32
      %dma_start3A = tpu.memref_slice %arg4[%multiple_of3A] : memref<65536xf32, #tpu.memory_space<vmem>> -> memref<2048xf32, #tpu.memory_space<vmem>>
      %dma_start3A_39 = arith.constant 0 : i32
      %dma_start3A_40 = tpu.memref_slice %arg2[%add3A_34, %dma_start3A_39] : memref<32768x2048xf32, #tpu.memory_space<hbm>> -> memref<1x2048xf32, #tpu.memory_space<hbm>>
      %dma_start3A_41 = tpu.memref_squeeze %dma_start3A_40 : memref<1x2048xf32, #tpu.memory_space<hbm>> -> memref<2048xf32, #tpu.memory_space<hbm>>
      %dma_start3A_42 = tpu.memref_slice %arg4[%multiple_of3A] : memref<65536xf32, #tpu.memory_space<vmem>> -> memref<2048xf32, #tpu.memory_space<vmem>>
      %dma_start3A_43 = arith.constant 0 : i32
      %dma_start3A_44 = tpu.memref_slice %arg2[%add3A_34, %dma_start3A_43] : memref<32768x2048xf32, #tpu.memory_space<hbm>> -> memref<1x2048xf32, #tpu.memory_space<hbm>>
      %dma_start3A_45 = tpu.memref_squeeze %dma_start3A_44 : memref<1x2048xf32, #tpu.memory_space<hbm>> -> memref<2048xf32, #tpu.memory_space<hbm>>
      tpu.enqueue_dma source(%dma_start3A_45 : memref<2048xf32, #tpu.memory_space<hbm>>) target(%dma_start3A_42 : memref<2048xf32, #tpu.memory_space<vmem>>) target_semaphore(%arg8 : memref<!tpu.dma_semaphore, #tpu.memory_space<semaphore_mem>>)
    }
    %scan3A_18 = arith.constant 16 : i32
    %scan3A_19 = arith.constant 0 : i32
    %scan3A_20 = arith.constant 0 : i32
    %scan3A_21 = arith.constant 64 : i32
    %scan3A_22 = arith.addi %scan3A_20, %scan3A_21 : i32
    %scan3A_23 = arith.constant 1 : i32
    scf.for %scan3A_31 = %scan3A_20 to %scan3A_22 step %scan3A_23  : i32 {
      %and3A = arith.constant 1 : i32
      %and3A_32 = arith.andi %scan3A_31, %and3A : i32
      %mul3A_33 = arith.constant 16 : i32
      %mul3A_34 = arith.muli %and3A_32, %mul3A_33 : i32
      %add3A_35 = vector.broadcast %mul3A_34 : i32 to vector<16xi32>
      %add3A_36 = arith.addi %iota3A, %add3A_35 : vector<16xi32>
      %mul3A_37 = arith.constant 2048 : i32
      %mul3A_38 = vector.broadcast %mul3A_37 : i32 to vector<16xi32>
      %mul3A_39 = arith.muli %add3A_36, %mul3A_38 : vector<16xi32>
      %scan3A_40 = arith.constant 0 : i32
      %scan3A_41 = arith.constant 0 : i32
      %scan3A_42 = arith.constant 16 : i32
      %scan3A_43 = arith.addi %scan3A_41, %scan3A_42 : i32
      %scan3A_44 = arith.constant 1 : i32
      scf.for %scan3A_149 = %scan3A_41 to %scan3A_43 step %scan3A_44  : i32 {
        %and3A_150 = arith.constant 1 : i32
        %and3A_151 = arith.andi %scan3A_31, %and3A_150 : i32
        %mul3A_152 = arith.constant 16 : i32
        %mul3A_153 = arith.muli %and3A_151, %mul3A_152 : i32
        %mul3A_154 = arith.constant 16 : i32
        %mul3A_155 = arith.muli %scan3A_31, %mul3A_154 : i32
        %add3A_156 = arith.addi %mul3A_7, %mul3A_155 : i32
        %add3A_157 = arith.addi %add3A_156, %scan3A_149 : i32
        %add3A_158 = arith.addi %mul3A_153, %scan3A_149 : i32
        %mul3A_159 = arith.constant 2048 : i32
        %mul3A_160 = arith.muli %add3A_158, %mul3A_159 : i32
        %multiple_of3A = tpu.assume_multiple %mul3A_160, 2048 : i32
        %dma_wait3A = tpu.memref_slice %arg4[%multiple_of3A] : memref<65536xf32, #tpu.memory_space<vmem>> -> memref<2048xf32, #tpu.memory_space<vmem>>
        %dma_wait3A_161 = arith.constant 0 : i32
        %dma_wait3A_162 = tpu.memref_slice %arg2[%add3A_157, %dma_wait3A_161] : memref<32768x2048xf32, #tpu.memory_space<hbm>> -> memref<1x2048xf32, #tpu.memory_space<hbm>>
        %dma_wait3A_163 = tpu.memref_squeeze %dma_wait3A_162 : memref<1x2048xf32, #tpu.memory_space<hbm>> -> memref<2048xf32, #tpu.memory_space<hbm>>
        %dma_wait3A_164 = tpu.memref_slice %arg4[%multiple_of3A] : memref<65536xf32, #tpu.memory_space<vmem>> -> memref<2048xf32, #tpu.memory_space<vmem>>
        %dma_wait3A_165 = arith.constant 0 : i32
        %dma_wait3A_166 = tpu.memref_slice %arg2[%add3A_157, %dma_wait3A_165] : memref<32768x2048xf32, #tpu.memory_space<hbm>> -> memref<1x2048xf32, #tpu.memory_space<hbm>>
        %dma_wait3A_167 = tpu.memref_squeeze %dma_wait3A_166 : memref<1x2048xf32, #tpu.memory_space<hbm>> -> memref<2048xf32, #tpu.memory_space<hbm>>
        tpu.wait_dma2 semaphore(%arg8 : memref<!tpu.dma_semaphore, #tpu.memory_space<semaphore_mem>>) src(%dma_wait3A_167 : memref<2048xf32, #tpu.memory_space<hbm>>) dst(%dma_wait3A_164 : memref<2048xf32, #tpu.memory_space<vmem>>)
      }
      %scan3A_45 = arith.constant 16 : i32
      %broadcast_in_dim3A_46 = arith.constant 0.000000e+00 : f32
      %broadcast_in_dim3A_47 = vector.broadcast %broadcast_in_dim3A_46 : f32 to vector<16xf32>
      %swap3A = arith.constant 0 : index
      %swap3A_48 = tpu.vector_load %arg7[%swap3A] {strides = array<i32>} : memref<16xf32, #tpu.memory_space<vmem>>, vector<16xf32>,
      tpu.vector_store %arg7[%swap3A], %broadcast_in_dim3A_47 {strides = array<i32>} : memref<16xf32, #tpu.memory_space<vmem>>, vector<16xf32>,
      %parallel_loop3A = arith.constant 0 : i32
      %parallel_loop3A_49 = arith.constant 1920 : i32
      %parallel_loop3A_50 = arith.constant 1 : i32
      scf.for %parallel_loop3A_149 = %parallel_loop3A to %parallel_loop3A_49 step %parallel_loop3A_50  : i32 {
        %parallel_loop3A_150 = vector.broadcast %parallel_loop3A_149 : i32 to vector<16xi32>
        %parallel_loop3A_151 = arith.addi %iota3A, %parallel_loop3A_150 : vector<16xi32>
        %parallel_loop3A_152 = arith.constant 2047 : i32
        %parallel_loop3A_153 = vector.broadcast %parallel_loop3A_152 : i32 to vector<16xi32>
        %parallel_loop3A_154 = arith.andi %parallel_loop3A_151, %parallel_loop3A_153 : vector<16xi32>
        %parallel_loop3A_155 = arith.addi %mul3A_39, %parallel_loop3A_154 : vector<16xi32>
        %parallel_loop3A_156 = tpu.vector_load_idx %arg4[%parallel_loop3A_155] : memref<65536xf32, #tpu.memory_space<vmem>>[vector<16xi32>], vector<16xf32>,
        %parallel_loop3A_157 = arith.mulf %parallel_loop3A_156, %parallel_loop3A_156 : vector<16xf32>
        %parallel_loop3A_158 = arith.constant 0 : index
        %parallel_loop3A_159 = tpu.vector_load %arg7[%parallel_loop3A_158] {strides = array<i32>} : memref<16xf32, #tpu.memory_space<vmem>>, vector<16xf32>,
        tpu.vector_store %arg7[%parallel_loop3A_158], %parallel_loop3A_157 {add = true, strides = array<i32>} : memref<16xf32, #tpu.memory_space<vmem>>, vector<16xf32>,
        %parallel_loop3A_160 = tpu.bitcast %parallel_loop3A_156 : vector<16xf32> -> vector<16xi32>
        %parallel_loop3A_161 = arith.constant 31 : i32
        %parallel_loop3A_162 = vector.broadcast %parallel_loop3A_161 : i32 to vector<16xi32>
        %parallel_loop3A_163 = arith.shrsi %parallel_loop3A_160, %parallel_loop3A_162 : vector<16xi32>
        %parallel_loop3A_164 = arith.constant 2147483647 : i32
        %parallel_loop3A_165 = vector.broadcast %parallel_loop3A_164 : i32 to vector<16xi32>
        %parallel_loop3A_166 = arith.andi %parallel_loop3A_163, %parallel_loop3A_165 : vector<16xi32>
        %parallel_loop3A_167 = arith.xori %parallel_loop3A_160, %parallel_loop3A_166 : vector<16xi32>
        %parallel_loop3A_168 = arith.constant 16 : i32
        %parallel_loop3A_169 = arith.muli %parallel_loop3A_149, %parallel_loop3A_168 : i32
        %parallel_loop3A_170 = tpu.assume_multiple %parallel_loop3A_169, 16 : i32
        %parallel_loop3A_171 = arith.index_cast %parallel_loop3A_170 : i32 to index
        %parallel_loop3A_172 = tpu.vector_load %arg5[%parallel_loop3A_171] {strides = array<i32>} : memref<30720xi32, #tpu.memory_space<vmem>>, vector<16xi32>,
        tpu.vector_store %arg5[%parallel_loop3A_171], %parallel_loop3A_167 {strides = array<i32>} : memref<30720xi32, #tpu.memory_space<vmem>>, vector<16xi32>,
        %parallel_loop3A_173 = arith.constant 24 : i32
        %parallel_loop3A_174 = vector.broadcast %parallel_loop3A_173 : i32 to vector<16xi32>
        %parallel_loop3A_175 = arith.shrsi %parallel_loop3A_167, %parallel_loop3A_174 : vector<16xi32>
        %parallel_loop3A_176 = arith.constant 128 : i32
        %parallel_loop3A_177 = vector.broadcast %parallel_loop3A_176 : i32 to vector<16xi32>
        %parallel_loop3A_178 = arith.addi %parallel_loop3A_175, %parallel_loop3A_177 : vector<16xi32>
        tpu.vector_store_idx %arg6[%parallel_loop3A_178, %iota3A], %broadcast_in_dim3A_0 {add = true} : memref<256x16xi32, #tpu.memory_space<vmem>>[vector<16xi32>, vector<16xi32>], vector<16xi32>,
      } {sc.loop_unroll_factor = 16 : i64, sc.parallel_access}
      %parallel_loop3A_51 = arith.constant 1920 : i32
      %parallel_loop3A_52 = arith.constant 2048 : i32
      %parallel_loop3A_53 = arith.constant 1 : i32
      scf.for %parallel_loop3A_149 = %parallel_loop3A_51 to %parallel_loop3A_52 step %parallel_loop3A_53  : i32 {
        %parallel_loop3A_150 = vector.broadcast %parallel_loop3A_149 : i32 to vector<16xi32>
        %parallel_loop3A_151 = arith.addi %iota3A, %parallel_loop3A_150 : vector<16xi32>
        %parallel_loop3A_152 = arith.constant 2047 : i32
        %parallel_loop3A_153 = vector.broadcast %parallel_loop3A_152 : i32 to vector<16xi32>
        %parallel_loop3A_154 = arith.andi %parallel_loop3A_151, %parallel_loop3A_153 : vector<16xi32>
        %parallel_loop3A_155 = arith.addi %mul3A_39, %parallel_loop3A_154 : vector<16xi32>
        %parallel_loop3A_156 = tpu.vector_load_idx %arg4[%parallel_loop3A_155] : memref<65536xf32, #tpu.memory_space<vmem>>[vector<16xi32>], vector<16xf32>,
        %parallel_loop3A_157 = arith.mulf %parallel_loop3A_156, %parallel_loop3A_156 : vector<16xf32>
        %parallel_loop3A_158 = arith.constant 0 : index
        %parallel_loop3A_159 = tpu.vector_load %arg7[%parallel_loop3A_158] {strides = array<i32>} : memref<16xf32, #tpu.memory_space<vmem>>, vector<16xf32>,
        tpu.vector_store %arg7[%parallel_loop3A_158], %parallel_loop3A_157 {add = true, strides = array<i32>} : memref<16xf32, #tpu.memory_space<vmem>>, vector<16xf32>,
        %parallel_loop3A_160 = tpu.bitcast %parallel_loop3A_156 : vector<16xf32> -> vector<16xi32>
        %parallel_loop3A_161 = arith.constant 31 : i32
        %parallel_loop3A_162 = vector.broadcast %parallel_loop3A_161 : i32 to vector<16xi32>
        %parallel_loop3A_163 = arith.shrsi %parallel_loop3A_160, %parallel_loop3A_162 : vector<16xi32>
        %parallel_loop3A_164 = arith.constant 2147483647 : i32
        %parallel_loop3A_165 = vector.broadcast %parallel_loop3A_164 : i32 to vector<16xi32>
        %parallel_loop3A_166 = arith.andi %parallel_loop3A_163, %parallel_loop3A_165 : vector<16xi32>
        %parallel_loop3A_167 = arith.xori %parallel_loop3A_160, %parallel_loop3A_166 : vector<16xi32>
        %parallel_loop3A_168 = arith.constant 24 : i32
        %parallel_loop3A_169 = vector.broadcast %parallel_loop3A_168 : i32 to vector<16xi32>
        %parallel_loop3A_170 = arith.shrsi %parallel_loop3A_167, %parallel_loop3A_169 : vector<16xi32>
        %parallel_loop3A_171 = arith.constant 128 : i32
        %parallel_loop3A_172 = vector.broadcast %parallel_loop3A_171 : i32 to vector<16xi32>
        %parallel_loop3A_173 = arith.addi %parallel_loop3A_170, %parallel_loop3A_172 : vector<16xi32>
        tpu.vector_store_idx %arg6[%parallel_loop3A_173, %iota3A], %broadcast_in_dim3A_0 {add = true} : memref<256x16xi32, #tpu.memory_space<vmem>>[vector<16xi32>, vector<16xi32>], vector<16xi32>,
      } {sc.loop_unroll_factor = 16 : i64, sc.parallel_access}
      %parallel_loop3A_54 = arith.constant 0 : i32
      %parallel_loop3A_55 = arith.constant 256 : i32
      %parallel_loop3A_56 = arith.constant 1 : i32
      %parallel_loop3A_57:3 = scf.for %parallel_loop3A_149 = %parallel_loop3A_54 to %parallel_loop3A_55 step %parallel_loop3A_56 iter_args(%parallel_loop3A_150 = %broadcast_in_dim3A_2, %parallel_loop3A_151 = %broadcast_in_dim3A_2, %parallel_loop3A_152 = %broadcast_in_dim3A_2) -> (vector<16xi32>, vector<16xi32>, vector<16xi32>)  : i32 {
        %parallel_loop3A_153 = arith.index_cast %parallel_loop3A_149 : i32 to index
        %parallel_loop3A_154 = arith.constant 0 : index
        %parallel_loop3A_155 = tpu.vector_load %arg6[%parallel_loop3A_153, %parallel_loop3A_154] {strides = array<i32>} : memref<256x16xi32, #tpu.memory_space<vmem>>, vector<16xi32>,
        %parallel_loop3A_156 = arith.index_cast %parallel_loop3A_149 : i32 to index
        %parallel_loop3A_157 = arith.constant 0 : index
        %parallel_loop3A_158 = tpu.vector_load %arg6[%parallel_loop3A_156, %parallel_loop3A_157] {strides = array<i32>} : memref<256x16xi32, #tpu.memory_space<vmem>>, vector<16xi32>,
        tpu.vector_store %arg6[%parallel_loop3A_156, %parallel_loop3A_157], %broadcast_in_dim3A_2 {strides = array<i32>} : memref<256x16xi32, #tpu.memory_space<vmem>>, vector<16xi32>,
        %parallel_loop3A_159 = arith.addi %parallel_loop3A_150, %parallel_loop3A_155 : vector<16xi32>
        %parallel_loop3A_160 = arith.cmpi sle, %parallel_loop3A_159, %broadcast_in_dim3A_4 : vector<16xi32>
        %parallel_loop3A_161 = arith.constant 1 : i32
        %parallel_loop3A_162 = arith.constant 0 : i32
        %parallel_loop3A_163 = vector.broadcast %parallel_loop3A_161 : i32 to vector<16xi32>
        %parallel_loop3A_164 = vector.broadcast %parallel_loop3A_162 : i32 to vector<16xi32>
        %parallel_loop3A_165 = arith.select %parallel_loop3A_160, %parallel_loop3A_163, %parallel_loop3A_164 : vector<16xi1>, vector<16xi32>
        %parallel_loop3A_166 = arith.addi %parallel_loop3A_151, %parallel_loop3A_165 : vector<16xi32>
        %parallel_loop3A_167 = arith.select %parallel_loop3A_160, %parallel_loop3A_159, %parallel_loop3A_152 : vector<16xi1>, vector<16xi32>
        scf.yield %parallel_loop3A_159, %parallel_loop3A_166, %parallel_loop3A_167 : vector<16xi32>, vector<16xi32>, vector<16xi32>
      } {sc.loop_unroll_factor = 8 : i64, sc.parallel_access}
      %sub3A = arith.subi %broadcast_in_dim3A_4, %parallel_loop3A_57#2 : vector<16xi32>
      %sub3A_58 = arith.constant 128 : i32
      %sub3A_59 = vector.broadcast %sub3A_58 : i32 to vector<16xi32>
      %sub3A_60 = arith.subi %parallel_loop3A_57#1, %sub3A_59 : vector<16xi32>
      %gt3A = arith.constant 0 : i32
      %gt3A_61 = arith.cmpi sgt, %scan3A_31, %gt3A : i32
      %convert_element_type3A = arith.extui %gt3A_61 : i1 to i32
      %cond3A = arith.constant 0 : i32
      %cond3A_62 = arith.cmpi ne, %convert_element_type3A, %cond3A : i32
      scf.if %cond3A_62 {
        %sub3A_149 = arith.constant 1 : i32
        %sub3A_150 = arith.subi %scan3A_31, %sub3A_149 : i32
        %scan3A_151 = arith.constant 0 : i32
        %scan3A_152 = arith.constant 0 : i32
        %scan3A_153 = arith.constant 16 : i32
        %scan3A_154 = arith.addi %scan3A_152, %scan3A_153 : i32
        %scan3A_155 = arith.constant 1 : i32
        scf.for %scan3A_157 = %scan3A_152 to %scan3A_154 step %scan3A_155  : i32 {
          %and3A_158 = arith.constant 1 : i32
          %and3A_159 = arith.andi %sub3A_150, %and3A_158 : i32
          %mul3A_160 = arith.constant 16 : i32
          %mul3A_161 = arith.muli %and3A_159, %mul3A_160 : i32
          %mul3A_162 = arith.constant 16 : i32
          %mul3A_163 = arith.muli %sub3A_150, %mul3A_162 : i32
          %add3A_164 = arith.addi %mul3A_7, %mul3A_163 : i32
          %add3A_165 = arith.addi %mul3A_161, %scan3A_157 : i32
          %mul3A_166 = arith.constant 2048 : i32
          %mul3A_167 = arith.muli %add3A_165, %mul3A_166 : i32
          %multiple_of3A = tpu.assume_multiple %mul3A_167, 2048 : i32
          %add3A_168 = arith.addi %add3A_164, %scan3A_157 : i32
          %dma_wait3A = tpu.memref_slice %arg4[%multiple_of3A] : memref<65536xf32, #tpu.memory_space<vmem>> -> memref<2048xf32, #tpu.memory_space<vmem>>
          %dma_wait3A_169 = arith.constant 0 : i32
          %dma_wait3A_170 = tpu.memref_slice %arg3[%add3A_168, %dma_wait3A_169] : memref<32768x2048xf32, #tpu.memory_space<hbm>> -> memref<1x2048xf32, #tpu.memory_space<hbm>>
          %dma_wait3A_171 = tpu.memref_squeeze %dma_wait3A_170 : memref<1x2048xf32, #tpu.memory_space<hbm>> -> memref<2048xf32, #tpu.memory_space<hbm>>
          %dma_wait3A_172 = arith.constant 0 : i32
          %dma_wait3A_173 = tpu.memref_slice %arg3[%add3A_168, %dma_wait3A_172] : memref<32768x2048xf32, #tpu.memory_space<hbm>> -> memref<1x2048xf32, #tpu.memory_space<hbm>>
          %dma_wait3A_174 = tpu.memref_squeeze %dma_wait3A_173 : memref<1x2048xf32, #tpu.memory_space<hbm>> -> memref<2048xf32, #tpu.memory_space<hbm>>
          %dma_wait3A_175 = tpu.memref_slice %arg4[%multiple_of3A] : memref<65536xf32, #tpu.memory_space<vmem>> -> memref<2048xf32, #tpu.memory_space<vmem>>
          tpu.wait_dma2 semaphore(%arg9 : memref<!tpu.dma_semaphore, #tpu.memory_space<semaphore_mem>>) src(%dma_wait3A_175 : memref<2048xf32, #tpu.memory_space<vmem>>) dst(%dma_wait3A_174 : memref<2048xf32, #tpu.memory_space<hbm>>)
        }
        %scan3A_156 = arith.constant 16 : i32
      } else {
      }
      %add3A_63 = arith.constant 1 : i32
      %add3A_64 = arith.addi %scan3A_31, %add3A_63 : i32
      %lt3A = arith.constant 64 : i32
      %lt3A_65 = arith.cmpi slt, %add3A_64, %lt3A : i32
      %convert_element_type3A_66 = arith.extui %lt3A_65 : i1 to i32
      %cond3A_67 = arith.constant 0 : i32
      %cond3A_68 = arith.cmpi ne, %convert_element_type3A_66, %cond3A_67 : i32
      scf.if %cond3A_68 {
        %add3A_149 = arith.constant 1 : i32
        %add3A_150 = arith.addi %scan3A_31, %add3A_149 : i32
        %scan3A_151 = arith.constant 0 : i32
        %scan3A_152 = arith.constant 0 : i32
        %scan3A_153 = arith.constant 16 : i32
        %scan3A_154 = arith.addi %scan3A_152, %scan3A_153 : i32
        %scan3A_155 = arith.constant 1 : i32
        scf.for %scan3A_157 = %scan3A_152 to %scan3A_154 step %scan3A_155  : i32 {
          %and3A_158 = arith.constant 1 : i32
          %and3A_159 = arith.andi %add3A_150, %and3A_158 : i32
          %mul3A_160 = arith.constant 16 : i32
          %mul3A_161 = arith.muli %and3A_159, %mul3A_160 : i32
          %mul3A_162 = arith.constant 16 : i32
          %mul3A_163 = arith.muli %add3A_150, %mul3A_162 : i32
          %add3A_164 = arith.addi %mul3A_7, %mul3A_163 : i32
          %add3A_165 = arith.addi %add3A_164, %scan3A_157 : i32
          %add3A_166 = arith.addi %mul3A_161, %scan3A_157 : i32
          %mul3A_167 = arith.constant 2048 : i32
          %mul3A_168 = arith.muli %add3A_166, %mul3A_167 : i32
          %multiple_of3A = tpu.assume_multiple %mul3A_168, 2048 : i32
          %dma_start3A = tpu.memref_slice %arg4[%multiple_of3A] : memref<65536xf32, #tpu.memory_space<vmem>> -> memref<2048xf32, #tpu.memory_space<vmem>>
          %dma_start3A_169 = arith.constant 0 : i32
          %dma_start3A_170 = tpu.memref_slice %arg2[%add3A_165, %dma_start3A_169] : memref<32768x2048xf32, #tpu.memory_space<hbm>> -> memref<1x2048xf32, #tpu.memory_space<hbm>>
          %dma_start3A_171 = tpu.memref_squeeze %dma_start3A_170 : memref<1x2048xf32, #tpu.memory_space<hbm>> -> memref<2048xf32, #tpu.memory_space<hbm>>
          %dma_start3A_172 = tpu.memref_slice %arg4[%multiple_of3A] : memref<65536xf32, #tpu.memory_space<vmem>> -> memref<2048xf32, #tpu.memory_space<vmem>>
          %dma_start3A_173 = arith.constant 0 : i32
          %dma_start3A_174 = tpu.memref_slice %arg2[%add3A_165, %dma_start3A_173] : memref<32768x2048xf32, #tpu.memory_space<hbm>> -> memref<1x2048xf32, #tpu.memory_space<hbm>>
          %dma_start3A_175 = tpu.memref_squeeze %dma_start3A_174 : memref<1x2048xf32, #tpu.memory_space<hbm>> -> memref<2048xf32, #tpu.memory_space<hbm>>
          tpu.enqueue_dma source(%dma_start3A_175 : memref<2048xf32, #tpu.memory_space<hbm>>) target(%dma_start3A_172 : memref<2048xf32, #tpu.memory_space<vmem>>) target_semaphore(%arg8 : memref<!tpu.dma_semaphore, #tpu.memory_space<semaphore_mem>>)
        }
        %scan3A_156 = arith.constant 16 : i32
      } else {
      }
      %parallel_loop3A_69 = arith.constant 0 : i32
      %parallel_loop3A_70 = arith.constant 1920 : i32
      %parallel_loop3A_71 = arith.constant 1 : i32
      scf.for %parallel_loop3A_149 = %parallel_loop3A_69 to %parallel_loop3A_70 step %parallel_loop3A_71  : i32 {
        %parallel_loop3A_150 = arith.constant 16 : i32
        %parallel_loop3A_151 = arith.muli %parallel_loop3A_149, %parallel_loop3A_150 : i32
        %parallel_loop3A_152 = tpu.assume_multiple %parallel_loop3A_151, 16 : i32
        %parallel_loop3A_153 = arith.index_cast %parallel_loop3A_152 : i32 to index
        %parallel_loop3A_154 = tpu.vector_load %arg5[%parallel_loop3A_153] {strides = array<i32>} : memref<30720xi32, #tpu.memory_space<vmem>>, vector<16xi32>,
        %parallel_loop3A_155 = arith.constant 24 : i32
        %parallel_loop3A_156 = vector.broadcast %parallel_loop3A_155 : i32 to vector<16xi32>
        %parallel_loop3A_157 = arith.shrsi %parallel_loop3A_154, %parallel_loop3A_156 : vector<16xi32>
        %parallel_loop3A_158 = arith.cmpi eq, %parallel_loop3A_157, %sub3A_60 : vector<16xi32>
        %parallel_loop3A_159 = arith.constant 16 : i32
        %parallel_loop3A_160 = vector.broadcast %parallel_loop3A_159 : i32 to vector<16xi32>
        %parallel_loop3A_161 = arith.shrsi %parallel_loop3A_154, %parallel_loop3A_160 : vector<16xi32>
        %parallel_loop3A_162 = arith.constant 255 : i32
        %parallel_loop3A_163 = vector.broadcast %parallel_loop3A_162 : i32 to vector<16xi32>
        %parallel_loop3A_164 = arith.andi %parallel_loop3A_161, %parallel_loop3A_163 : vector<16xi32>
        tpu.vector_store_idx %arg6[%parallel_loop3A_164, %iota3A], %broadcast_in_dim3A_0 masked %parallel_loop3A_158 {add = true} : memref<256x16xi32, #tpu.memory_space<vmem>>[vector<16xi32>, vector<16xi32>], vector<16xi32>, vector<16xi1>
      } {sc.loop_unroll_factor = 16 : i64, sc.parallel_access}
      %parallel_loop3A_72 = arith.constant 1920 : i32
      %parallel_loop3A_73 = arith.constant 2048 : i32
      %parallel_loop3A_74 = arith.constant 1 : i32
      scf.for %parallel_loop3A_149 = %parallel_loop3A_72 to %parallel_loop3A_73 step %parallel_loop3A_74  : i32 {
        %parallel_loop3A_150 = vector.broadcast %parallel_loop3A_149 : i32 to vector<16xi32>
        %parallel_loop3A_151 = arith.addi %iota3A, %parallel_loop3A_150 : vector<16xi32>
        %parallel_loop3A_152 = arith.constant 2047 : i32
        %parallel_loop3A_153 = vector.broadcast %parallel_loop3A_152 : i32 to vector<16xi32>
        %parallel_loop3A_154 = arith.andi %parallel_loop3A_151, %parallel_loop3A_153 : vector<16xi32>
        %parallel_loop3A_155 = arith.addi %mul3A_39, %parallel_loop3A_154 : vector<16xi32>
        %parallel_loop3A_156 = tpu.vector_load_idx %arg4[%parallel_loop3A_155] : memref<65536xf32, #tpu.memory_space<vmem>>[vector<16xi32>], vector<16xf32>,
        %parallel_loop3A_157 = tpu.bitcast %parallel_loop3A_156 : vector<16xf32> -> vector<16xi32>
        %parallel_loop3A_158 = arith.constant 31 : i32
        %parallel_loop3A_159 = vector.broadcast %parallel_loop3A_158 : i32 to vector<16xi32>
        %parallel_loop3A_160 = arith.shrsi %parallel_loop3A_157, %parallel_loop3A_159 : vector<16xi32>
        %parallel_loop3A_161 = arith.constant 2147483647 : i32
        %parallel_loop3A_162 = vector.broadcast %parallel_loop3A_161 : i32 to vector<16xi32>
        %parallel_loop3A_163 = arith.andi %parallel_loop3A_160, %parallel_loop3A_162 : vector<16xi32>
        %parallel_loop3A_164 = arith.xori %parallel_loop3A_157, %parallel_loop3A_163 : vector<16xi32>
        %parallel_loop3A_165 = arith.constant 24 : i32
        %parallel_loop3A_166 = vector.broadcast %parallel_loop3A_165 : i32 to vector<16xi32>
        %parallel_loop3A_167 = arith.shrsi %parallel_loop3A_164, %parallel_loop3A_166 : vector<16xi32>
        %parallel_loop3A_168 = arith.cmpi eq, %parallel_loop3A_167, %sub3A_60 : vector<16xi32>
        %parallel_loop3A_169 = arith.constant 16 : i32
        %parallel_loop3A_170 = vector.broadcast %parallel_loop3A_169 : i32 to vector<16xi32>
        %parallel_loop3A_171 = arith.shrsi %parallel_loop3A_164, %parallel_loop3A_170 : vector<16xi32>
        %parallel_loop3A_172 = arith.constant 255 : i32
        %parallel_loop3A_173 = vector.broadcast %parallel_loop3A_172 : i32 to vector<16xi32>
        %parallel_loop3A_174 = arith.andi %parallel_loop3A_171, %parallel_loop3A_173 : vector<16xi32>
        tpu.vector_store_idx %arg6[%parallel_loop3A_174, %iota3A], %broadcast_in_dim3A_0 masked %parallel_loop3A_168 {add = true} : memref<256x16xi32, #tpu.memory_space<vmem>>[vector<16xi32>, vector<16xi32>], vector<16xi32>, vector<16xi1>
      } {sc.loop_unroll_factor = 16 : i64, sc.parallel_access}
      %parallel_loop3A_75 = arith.constant 0 : i32
      %parallel_loop3A_76 = arith.constant 256 : i32
      %parallel_loop3A_77 = arith.constant 1 : i32
      %parallel_loop3A_78:3 = scf.for %parallel_loop3A_149 = %parallel_loop3A_75 to %parallel_loop3A_76 step %parallel_loop3A_77 iter_args(%parallel_loop3A_150 = %broadcast_in_dim3A_2, %parallel_loop3A_151 = %broadcast_in_dim3A_2, %parallel_loop3A_152 = %broadcast_in_dim3A_2) -> (vector<16xi32>, vector<16xi32>, vector<16xi32>)  : i32 {
        %parallel_loop3A_153 = arith.index_cast %parallel_loop3A_149 : i32 to index
        %parallel_loop3A_154 = arith.constant 0 : index
        %parallel_loop3A_155 = tpu.vector_load %arg6[%parallel_loop3A_153, %parallel_loop3A_154] {strides = array<i32>} : memref<256x16xi32, #tpu.memory_space<vmem>>, vector<16xi32>,
        %parallel_loop3A_156 = arith.index_cast %parallel_loop3A_149 : i32 to index
        %parallel_loop3A_157 = arith.constant 0 : index
        %parallel_loop3A_158 = tpu.vector_load %arg6[%parallel_loop3A_156, %parallel_loop3A_157] {strides = array<i32>} : memref<256x16xi32, #tpu.memory_space<vmem>>, vector<16xi32>,
        tpu.vector_store %arg6[%parallel_loop3A_156, %parallel_loop3A_157], %broadcast_in_dim3A_2 {strides = array<i32>} : memref<256x16xi32, #tpu.memory_space<vmem>>, vector<16xi32>,
        %parallel_loop3A_159 = arith.addi %parallel_loop3A_150, %parallel_loop3A_155 : vector<16xi32>
        %parallel_loop3A_160 = arith.cmpi sle, %parallel_loop3A_159, %sub3A : vector<16xi32>
        %parallel_loop3A_161 = arith.constant 1 : i32
        %parallel_loop3A_162 = arith.constant 0 : i32
        %parallel_loop3A_163 = vector.broadcast %parallel_loop3A_161 : i32 to vector<16xi32>
        %parallel_loop3A_164 = vector.broadcast %parallel_loop3A_162 : i32 to vector<16xi32>
        %parallel_loop3A_165 = arith.select %parallel_loop3A_160, %parallel_loop3A_163, %parallel_loop3A_164 : vector<16xi1>, vector<16xi32>
        %parallel_loop3A_166 = arith.addi %parallel_loop3A_151, %parallel_loop3A_165 : vector<16xi32>
        %parallel_loop3A_167 = arith.select %parallel_loop3A_160, %parallel_loop3A_159, %parallel_loop3A_152 : vector<16xi1>, vector<16xi32>
        scf.yield %parallel_loop3A_159, %parallel_loop3A_166, %parallel_loop3A_167 : vector<16xi32>, vector<16xi32>, vector<16xi32>
      } {sc.loop_unroll_factor = 8 : i64, sc.parallel_access}
      %sub3A_79 = arith.subi %sub3A, %parallel_loop3A_78#2 : vector<16xi32>
      %mul3A_80 = arith.constant 256 : i32
      %mul3A_81 = vector.broadcast %mul3A_80 : i32 to vector<16xi32>
      %mul3A_82 = arith.muli %sub3A_60, %mul3A_81 : vector<16xi32>
      %add3A_83 = arith.addi %mul3A_82, %parallel_loop3A_78#1 : vector<16xi32>
      %parallel_loop3A_84 = arith.constant 0 : i32
      %parallel_loop3A_85 = arith.constant 1920 : i32
      %parallel_loop3A_86 = arith.constant 1 : i32
      scf.for %parallel_loop3A_149 = %parallel_loop3A_84 to %parallel_loop3A_85 step %parallel_loop3A_86  : i32 {
        %parallel_loop3A_150 = arith.constant 16 : i32
        %parallel_loop3A_151 = arith.muli %parallel_loop3A_149, %parallel_loop3A_150 : i32
        %parallel_loop3A_152 = tpu.assume_multiple %parallel_loop3A_151, 16 : i32
        %parallel_loop3A_153 = arith.index_cast %parallel_loop3A_152 : i32 to index
        %parallel_loop3A_154 = tpu.vector_load %arg5[%parallel_loop3A_153] {strides = array<i32>} : memref<30720xi32, #tpu.memory_space<vmem>>, vector<16xi32>,
        %parallel_loop3A_155 = arith.constant 16 : i32
        %parallel_loop3A_156 = vector.broadcast %parallel_loop3A_155 : i32 to vector<16xi32>
        %parallel_loop3A_157 = arith.shrsi %parallel_loop3A_154, %parallel_loop3A_156 : vector<16xi32>
        %parallel_loop3A_158 = arith.cmpi eq, %parallel_loop3A_157, %add3A_83 : vector<16xi32>
        %parallel_loop3A_159 = arith.constant 8 : i32
        %parallel_loop3A_160 = vector.broadcast %parallel_loop3A_159 : i32 to vector<16xi32>
        %parallel_loop3A_161 = arith.shrsi %parallel_loop3A_154, %parallel_loop3A_160 : vector<16xi32>
        %parallel_loop3A_162 = arith.constant 255 : i32
        %parallel_loop3A_163 = vector.broadcast %parallel_loop3A_162 : i32 to vector<16xi32>
        %parallel_loop3A_164 = arith.andi %parallel_loop3A_161, %parallel_loop3A_163 : vector<16xi32>
        tpu.vector_store_idx %arg6[%parallel_loop3A_164, %iota3A], %broadcast_in_dim3A_0 masked %parallel_loop3A_158 {add = true} : memref<256x16xi32, #tpu.memory_space<vmem>>[vector<16xi32>, vector<16xi32>], vector<16xi32>, vector<16xi1>
      } {sc.loop_unroll_factor = 16 : i64, sc.parallel_access}
      %parallel_loop3A_87 = arith.constant 1920 : i32
      %parallel_loop3A_88 = arith.constant 2048 : i32
      %parallel_loop3A_89 = arith.constant 1 : i32
      scf.for %parallel_loop3A_149 = %parallel_loop3A_87 to %parallel_loop3A_88 step %parallel_loop3A_89  : i32 {
        %parallel_loop3A_150 = vector.broadcast %parallel_loop3A_149 : i32 to vector<16xi32>
        %parallel_loop3A_151 = arith.addi %iota3A, %parallel_loop3A_150 : vector<16xi32>
        %parallel_loop3A_152 = arith.constant 2047 : i32
        %parallel_loop3A_153 = vector.broadcast %parallel_loop3A_152 : i32 to vector<16xi32>
        %parallel_loop3A_154 = arith.andi %parallel_loop3A_151, %parallel_loop3A_153 : vector<16xi32>
        %parallel_loop3A_155 = arith.addi %mul3A_39, %parallel_loop3A_154 : vector<16xi32>
        %parallel_loop3A_156 = tpu.vector_load_idx %arg4[%parallel_loop3A_155] : memref<65536xf32, #tpu.memory_space<vmem>>[vector<16xi32>], vector<16xf32>,
        %parallel_loop3A_157 = tpu.bitcast %parallel_loop3A_156 : vector<16xf32> -> vector<16xi32>
        %parallel_loop3A_158 = arith.constant 31 : i32
        %parallel_loop3A_159 = vector.broadcast %parallel_loop3A_158 : i32 to vector<16xi32>
        %parallel_loop3A_160 = arith.shrsi %parallel_loop3A_157, %parallel_loop3A_159 : vector<16xi32>
        %parallel_loop3A_161 = arith.constant 2147483647 : i32
        %parallel_loop3A_162 = vector.broadcast %parallel_loop3A_161 : i32 to vector<16xi32>
        %parallel_loop3A_163 = arith.andi %parallel_loop3A_160, %parallel_loop3A_162 : vector<16xi32>
        %parallel_loop3A_164 = arith.xori %parallel_loop3A_157, %parallel_loop3A_163 : vector<16xi32>
        %parallel_loop3A_165 = arith.constant 16 : i32
        %parallel_loop3A_166 = vector.broadcast %parallel_loop3A_165 : i32 to vector<16xi32>
        %parallel_loop3A_167 = arith.shrsi %parallel_loop3A_164, %parallel_loop3A_166 : vector<16xi32>
        %parallel_loop3A_168 = arith.cmpi eq, %parallel_loop3A_167, %add3A_83 : vector<16xi32>
        %parallel_loop3A_169 = arith.constant 8 : i32
        %parallel_loop3A_170 = vector.broadcast %parallel_loop3A_169 : i32 to vector<16xi32>
        %parallel_loop3A_171 = arith.shrsi %parallel_loop3A_164, %parallel_loop3A_170 : vector<16xi32>
        %parallel_loop3A_172 = arith.constant 255 : i32
        %parallel_loop3A_173 = vector.broadcast %parallel_loop3A_172 : i32 to vector<16xi32>
        %parallel_loop3A_174 = arith.andi %parallel_loop3A_171, %parallel_loop3A_173 : vector<16xi32>
        tpu.vector_store_idx %arg6[%parallel_loop3A_174, %iota3A], %broadcast_in_dim3A_0 masked %parallel_loop3A_168 {add = true} : memref<256x16xi32, #tpu.memory_space<vmem>>[vector<16xi32>, vector<16xi32>], vector<16xi32>, vector<16xi1>
      } {sc.loop_unroll_factor = 16 : i64, sc.parallel_access}
      %parallel_loop3A_90 = arith.constant 0 : i32
      %parallel_loop3A_91 = arith.constant 256 : i32
      %parallel_loop3A_92 = arith.constant 1 : i32
      %parallel_loop3A_93:3 = scf.for %parallel_loop3A_149 = %parallel_loop3A_90 to %parallel_loop3A_91 step %parallel_loop3A_92 iter_args(%parallel_loop3A_150 = %broadcast_in_dim3A_2, %parallel_loop3A_151 = %broadcast_in_dim3A_2, %parallel_loop3A_152 = %broadcast_in_dim3A_2) -> (vector<16xi32>, vector<16xi32>, vector<16xi32>)  : i32 {
        %parallel_loop3A_153 = arith.index_cast %parallel_loop3A_149 : i32 to index
        %parallel_loop3A_154 = arith.constant 0 : index
        %parallel_loop3A_155 = tpu.vector_load %arg6[%parallel_loop3A_153, %parallel_loop3A_154] {strides = array<i32>} : memref<256x16xi32, #tpu.memory_space<vmem>>, vector<16xi32>,
        %parallel_loop3A_156 = arith.index_cast %parallel_loop3A_149 : i32 to index
        %parallel_loop3A_157 = arith.constant 0 : index
        %parallel_loop3A_158 = tpu.vector_load %arg6[%parallel_loop3A_156, %parallel_loop3A_157] {strides = array<i32>} : memref<256x16xi32, #tpu.memory_space<vmem>>, vector<16xi32>,
        tpu.vector_store %arg6[%parallel_loop3A_156, %parallel_loop3A_157], %broadcast_in_dim3A_2 {strides = array<i32>} : memref<256x16xi32, #tpu.memory_space<vmem>>, vector<16xi32>,
        %parallel_loop3A_159 = arith.addi %parallel_loop3A_150, %parallel_loop3A_155 : vector<16xi32>
        %parallel_loop3A_160 = arith.cmpi sle, %parallel_loop3A_159, %sub3A_79 : vector<16xi32>
        %parallel_loop3A_161 = arith.constant 1 : i32
        %parallel_loop3A_162 = arith.constant 0 : i32
        %parallel_loop3A_163 = vector.broadcast %parallel_loop3A_161 : i32 to vector<16xi32>
        %parallel_loop3A_164 = vector.broadcast %parallel_loop3A_162 : i32 to vector<16xi32>
        %parallel_loop3A_165 = arith.select %parallel_loop3A_160, %parallel_loop3A_163, %parallel_loop3A_164 : vector<16xi1>, vector<16xi32>
        %parallel_loop3A_166 = arith.addi %parallel_loop3A_151, %parallel_loop3A_165 : vector<16xi32>
        %parallel_loop3A_167 = arith.select %parallel_loop3A_160, %parallel_loop3A_159, %parallel_loop3A_152 : vector<16xi1>, vector<16xi32>
        scf.yield %parallel_loop3A_159, %parallel_loop3A_166, %parallel_loop3A_167 : vector<16xi32>, vector<16xi32>, vector<16xi32>
      } {sc.loop_unroll_factor = 8 : i64, sc.parallel_access}
      %sub3A_94 = arith.subi %sub3A_79, %parallel_loop3A_93#2 : vector<16xi32>
      %mul3A_95 = arith.constant 256 : i32
      %mul3A_96 = vector.broadcast %mul3A_95 : i32 to vector<16xi32>
      %mul3A_97 = arith.muli %add3A_83, %mul3A_96 : vector<16xi32>
      %add3A_98 = arith.addi %mul3A_97, %parallel_loop3A_93#1 : vector<16xi32>
      %mul3A_99 = arith.constant 256 : i32
      %mul3A_100 = vector.broadcast %mul3A_99 : i32 to vector<16xi32>
      %mul3A_101 = arith.muli %add3A_98, %mul3A_100 : vector<16xi32>
      %shift_right_arithmetic3A = arith.constant 31 : i32
      %shift_right_arithmetic3A_102 = vector.broadcast %shift_right_arithmetic3A : i32 to vector<16xi32>
      %shift_right_arithmetic3A_103 = arith.shrsi %mul3A_101, %shift_right_arithmetic3A_102 : vector<16xi32>
      %and3A_104 = arith.constant 2147483647 : i32
      %and3A_105 = vector.broadcast %and3A_104 : i32 to vector<16xi32>
      %and3A_106 = arith.andi %shift_right_arithmetic3A_103, %and3A_105 : vector<16xi32>
      %xor3A = arith.xori %mul3A_101, %and3A_106 : vector<16xi32>
      %bitcast_convert_type3A = tpu.bitcast %xor3A : vector<16xi32> -> vector<16xf32>
      %get3A = arith.constant 0 : index
      %get3A_107 = tpu.vector_load %arg7[%get3A] {strides = array<i32>} : memref<16xf32, #tpu.memory_space<vmem>>, vector<16xf32>,
      %bitcast_convert_type3A_108 = tpu.bitcast %get3A_107 : vector<16xf32> -> vector<16xi32>
      %shift_right_arithmetic3A_109 = arith.constant 1 : i32
      %shift_right_arithmetic3A_110 = vector.broadcast %shift_right_arithmetic3A_109 : i32 to vector<16xi32>
      %shift_right_arithmetic3A_111 = arith.shrsi %bitcast_convert_type3A_108, %shift_right_arithmetic3A_110 : vector<16xi32>
      %sub3A_112 = arith.constant 1597463007 : i32
      %sub3A_113 = vector.broadcast %sub3A_112 : i32 to vector<16xi32>
      %sub3A_114 = arith.subi %sub3A_113, %shift_right_arithmetic3A_111 : vector<16xi32>
      %bitcast_convert_type3A_115 = tpu.bitcast %sub3A_114 : vector<16xi32> -> vector<16xf32>
      %mul3A_116 = arith.constant 5.000000e-01 : f32
      %mul3A_117 = vector.broadcast %mul3A_116 : f32 to vector<16xf32>
      %mul3A_118 = arith.mulf %mul3A_117, %get3A_107 : vector<16xf32>
      %mul3A_119 = arith.mulf %mul3A_118, %bitcast_convert_type3A_115 : vector<16xf32>
      %mul3A_120 = arith.mulf %mul3A_119, %bitcast_convert_type3A_115 : vector<16xf32>
      %sub3A_121 = arith.constant 1.500000e+00 : f32
      %sub3A_122 = vector.broadcast %sub3A_121 : f32 to vector<16xf32>
      %sub3A_123 = arith.subf %sub3A_122, %mul3A_120 : vector<16xf32>
      %mul3A_124 = arith.mulf %bitcast_convert_type3A_115, %sub3A_123 : vector<16xf32>
      %mul3A_125 = arith.mulf %mul3A_118, %mul3A_124 : vector<16xf32>
      %mul3A_126 = arith.mulf %mul3A_125, %mul3A_124 : vector<16xf32>
      %sub3A_127 = arith.constant 1.500000e+00 : f32
      %sub3A_128 = vector.broadcast %sub3A_127 : f32 to vector<16xf32>
      %sub3A_129 = arith.subf %sub3A_128, %mul3A_126 : vector<16xf32>
      %mul3A_130 = arith.mulf %mul3A_124, %sub3A_129 : vector<16xf32>
      %mul3A_131 = arith.mulf %mul3A_118, %mul3A_130 : vector<16xf32>
      %mul3A_132 = arith.mulf %mul3A_131, %mul3A_130 : vector<16xf32>
      %sub3A_133 = arith.constant 1.500000e+00 : f32
      %sub3A_134 = vector.broadcast %sub3A_133 : f32 to vector<16xf32>
      %sub3A_135 = arith.subf %sub3A_134, %mul3A_132 : vector<16xf32>
      %mul3A_136 = arith.mulf %mul3A_130, %sub3A_135 : vector<16xf32>
      %mul3A_137 = arith.constant 1.638000e+03 : f32
      %mul3A_138 = vector.broadcast %mul3A_137 : f32 to vector<16xf32>
      %mul3A_139 = arith.mulf %mul3A_138, %mul3A_136 : vector<16xf32>
      %exp3A = math.exp %mul3A_139 : vector<16xf32>
      %parallel_loop3A_140 = arith.constant 0 : i32
      %parallel_loop3A_141 = arith.constant 2048 : i32
      %parallel_loop3A_142 = arith.constant 1 : i32
      scf.for %parallel_loop3A_149 = %parallel_loop3A_140 to %parallel_loop3A_141 step %parallel_loop3A_142  : i32 {
        %parallel_loop3A_150 = vector.broadcast %parallel_loop3A_149 : i32 to vector<16xi32>
        %parallel_loop3A_151 = arith.addi %iota3A, %parallel_loop3A_150 : vector<16xi32>
        %parallel_loop3A_152 = arith.constant 2047 : i32
        %parallel_loop3A_153 = vector.broadcast %parallel_loop3A_152 : i32 to vector<16xi32>
        %parallel_loop3A_154 = arith.andi %parallel_loop3A_151, %parallel_loop3A_153 : vector<16xi32>
        %parallel_loop3A_155 = arith.addi %mul3A_39, %parallel_loop3A_154 : vector<16xi32>
        %parallel_loop3A_156 = tpu.vector_load_idx %arg4[%parallel_loop3A_155] : memref<65536xf32, #tpu.memory_space<vmem>>[vector<16xi32>], vector<16xf32>,
        %parallel_loop3A_157 = arith.cmpf oge, %parallel_loop3A_156, %bitcast_convert_type3A : vector<16xf32>
        %parallel_loop3A_158 = arith.mulf %parallel_loop3A_156, %exp3A : vector<16xf32>
        %parallel_loop3A_159 = arith.constant 0.000000e+00 : f32
        %parallel_loop3A_160 = vector.broadcast %parallel_loop3A_159 : f32 to vector<16xf32>
        %parallel_loop3A_161 = arith.select %parallel_loop3A_157, %parallel_loop3A_158, %parallel_loop3A_160 : vector<16xi1>, vector<16xf32>
        tpu.vector_store_idx %arg4[%parallel_loop3A_155], %parallel_loop3A_161 : memref<65536xf32, #tpu.memory_space<vmem>>[vector<16xi32>], vector<16xf32>,
      } {sc.loop_unroll_factor = 16 : i64, sc.parallel_access}
      %scan3A_143 = arith.constant 0 : i32
      %scan3A_144 = arith.constant 0 : i32
      %scan3A_145 = arith.constant 16 : i32
      %scan3A_146 = arith.addi %scan3A_144, %scan3A_145 : i32
      %scan3A_147 = arith.constant 1 : i32
      scf.for %scan3A_149 = %scan3A_144 to %scan3A_146 step %scan3A_147  : i32 {
        %and3A_150 = arith.constant 1 : i32
        %and3A_151 = arith.andi %scan3A_31, %and3A_150 : i32
        %mul3A_152 = arith.constant 16 : i32
        %mul3A_153 = arith.muli %and3A_151, %mul3A_152 : i32
        %mul3A_154 = arith.constant 16 : i32
        %mul3A_155 = arith.muli %scan3A_31, %mul3A_154 : i32
        %add3A_156 = arith.addi %mul3A_7, %mul3A_155 : i32
        %add3A_157 = arith.addi %mul3A_153, %scan3A_149 : i32
        %mul3A_158 = arith.constant 2048 : i32
        %mul3A_159 = arith.muli %add3A_157, %mul3A_158 : i32
        %multiple_of3A = tpu.assume_multiple %mul3A_159, 2048 : i32
        %add3A_160 = arith.addi %add3A_156, %scan3A_149 : i32
        %dma_start3A = tpu.memref_slice %arg4[%multiple_of3A] : memref<65536xf32, #tpu.memory_space<vmem>> -> memref<2048xf32, #tpu.memory_space<vmem>>
        %dma_start3A_161 = arith.constant 0 : i32
        %dma_start3A_162 = tpu.memref_slice %arg3[%add3A_160, %dma_start3A_161] : memref<32768x2048xf32, #tpu.memory_space<hbm>> -> memref<1x2048xf32, #tpu.memory_space<hbm>>
        %dma_start3A_163 = tpu.memref_squeeze %dma_start3A_162 : memref<1x2048xf32, #tpu.memory_space<hbm>> -> memref<2048xf32, #tpu.memory_space<hbm>>
        %dma_start3A_164 = arith.constant 0 : i32
        %dma_start3A_165 = tpu.memref_slice %arg3[%add3A_160, %dma_start3A_164] : memref<32768x2048xf32, #tpu.memory_space<hbm>> -> memref<1x2048xf32, #tpu.memory_space<hbm>>
        %dma_start3A_166 = tpu.memref_squeeze %dma_start3A_165 : memref<1x2048xf32, #tpu.memory_space<hbm>> -> memref<2048xf32, #tpu.memory_space<hbm>>
        %dma_start3A_167 = tpu.memref_slice %arg4[%multiple_of3A] : memref<65536xf32, #tpu.memory_space<vmem>> -> memref<2048xf32, #tpu.memory_space<vmem>>
        tpu.enqueue_dma source(%dma_start3A_167 : memref<2048xf32, #tpu.memory_space<vmem>>) target(%dma_start3A_166 : memref<2048xf32, #tpu.memory_space<hbm>>) target_semaphore(%arg9 : memref<!tpu.dma_semaphore, #tpu.memory_space<semaphore_mem>>)
      }
      %scan3A_148 = arith.constant 16 : i32
    }
    %scan3A_24 = arith.constant 64 : i32
    %scan3A_25 = arith.constant 0 : i32
    %scan3A_26 = arith.constant 0 : i32
    %scan3A_27 = arith.constant 16 : i32
    %scan3A_28 = arith.addi %scan3A_26, %scan3A_27 : i32
    %scan3A_29 = arith.constant 1 : i32
    scf.for %scan3A_31 = %scan3A_26 to %scan3A_28 step %scan3A_29  : i32 {
      %add3A_32 = arith.constant 1008 : i32
      %add3A_33 = arith.addi %mul3A_7, %add3A_32 : i32
      %add3A_34 = arith.constant 16 : i32
      %add3A_35 = arith.addi %add3A_34, %scan3A_31 : i32
      %mul3A_36 = arith.constant 2048 : i32
      %mul3A_37 = arith.muli %add3A_35, %mul3A_36 : i32
      %multiple_of3A = tpu.assume_multiple %mul3A_37, 2048 : i32
      %add3A_38 = arith.addi %add3A_33, %scan3A_31 : i32
      %dma_wait3A = tpu.memref_slice %arg4[%multiple_of3A] : memref<65536xf32, #tpu.memory_space<vmem>> -> memref<2048xf32, #tpu.memory_space<vmem>>
      %dma_wait3A_39 = arith.constant 0 : i32
      %dma_wait3A_40 = tpu.memref_slice %arg3[%add3A_38, %dma_wait3A_39] : memref<32768x2048xf32, #tpu.memory_space<hbm>> -> memref<1x2048xf32, #tpu.memory_space<hbm>>
      %dma_wait3A_41 = tpu.memref_squeeze %dma_wait3A_40 : memref<1x2048xf32, #tpu.memory_space<hbm>> -> memref<2048xf32, #tpu.memory_space<hbm>>
      %dma_wait3A_42 = arith.constant 0 : i32
      %dma_wait3A_43 = tpu.memref_slice %arg3[%add3A_38, %dma_wait3A_42] : memref<32768x2048xf32, #tpu.memory_space<hbm>> -> memref<1x2048xf32, #tpu.memory_space<hbm>>
      %dma_wait3A_44 = tpu.memref_squeeze %dma_wait3A_43 : memref<1x2048xf32, #tpu.memory_space<hbm>> -> memref<2048xf32, #tpu.memory_space<hbm>>
      %dma_wait3A_45 = tpu.memref_slice %arg4[%multiple_of3A] : memref<65536xf32, #tpu.memory_space<vmem>> -> memref<2048xf32, #tpu.memory_space<vmem>>
      tpu.wait_dma2 semaphore(%arg9 : memref<!tpu.dma_semaphore, #tpu.memory_space<semaphore_mem>>) src(%dma_wait3A_45 : memref<2048xf32, #tpu.memory_space<vmem>>) dst(%dma_wait3A_44 : memref<2048xf32, #tpu.memory_space<hbm>>)
    }
    %scan3A_30 = arith.constant 16 : i32
    return
  }
}

</mosaic_0001>

<sc_bundles>
// kernel: kernel.3.cloned.1.call-start
scs
__scs_entry_jumppad:
0x0: {  	(pc) =	sbr.rel $0x88, $3  }
0x1: {  	(tag) =	ssettag $0x0;
	lr =	simm.s32 $0x1  }
0x2: {  	[smem:$0x3FA0] =	sst lr;
	_ =	strace $0xD0000000  }
0x3: {  	_ = 	snop  }
0x4: {  	_ = 	snop  }
0x5: {  	_ = 	snop  }
0x6: {  	_ = 	snop  }
0x7: {  	_ = 	snop  }
__scs_overlays_trampoline_lowered:
0x8: {  	[smem:$0x3FAF] =	sst s0  }
0x9: {  	[smem:$0x3FB0] =	sst s1  }
0xa: {  	[smem:$0x3FB1] =	sst s2  }
0xb: {  	[smem:$0x3FB2] =	sst s3  }
0xc: {  	[smem:$0x3FB3] =	sst s4  }
0xd: {  	[smem:$0x3FB4] =	sst s5  }
0xe: {  	[smem:$0x3FB5] =	sst s6  }
0xf: {  	[smem:$0x3FB6] =	sst s7  }
0x10: {  	[smem:$0x3FB7] =	sst s8  }
0x11: {  	[smem:$0x3FB8] =	sst s9;
	s0 =	simm.s32 @!p0 $0x0  }
0x12: {  	s1 =	sld [smem:$0x3F9E];
	s0 =	simm.s32 @p0 $0x1  }
0x13: {  	[smem:$0x3FB9] =	sst s0;
	s0 =	simm.s32 @!p1 $0x0  }
0x14: {  	s2 =	sld [smem:$0x3F9D];
	s0 =	simm.s32 @p1 $0x1  }
0x15: {  	[smem:$0x3FBA] =	sst s0;
	s0 =	simm.s32 @!p2 $0x0  }
0x16: {  	s3 =	sld [smem:$0x3FDB];
	s0 =	simm.s32 @p2 $0x1  }
0x17: {  	s4 =	simm.s32 $0x1BF5;
	[smem:$0x3FBC] =	sst s0  }
0x18: {  	s0 =	sld [smem:$0x3F9F];
	_ =	swait.ge [sflag:s4], $0x0  }
0x19: {  	s7 =	sld [smem:$0x3FA0]  }
0x1a: {  	s8 =	sadd.s32 $0xFFFFE003, lr  }
0x1b: {  	s9 =	sadd.s32 $0xFFFFFEF7, lr;
	s5 =	simm.s32 $0xFFFFFFFF;
	p2 =	slt.u32 s8, $0xFFFFF086  }
0x1c: {  	p1 =	slt.u32 s9, $0xF7A;
	s5 =	simm.s32 @!p2 $0x0  }
0x1d: {  	s5 =	simm.s32 @p1 $0x1;
	p0 =	seq.s32 s7, s2  }
0x1e: {  	s7 =	smul.u32 @!p0 $0xF7A, s2;
	p2 =	seq.s32 @!p0 s5, $0x0  }
0x1f: {  	s9 =	smul.u32 $0xF7A, s1;
	s8 =	simm.s32 @!p0 $0x1BF5;
	p2 =	por !p2, p0  }
0x20: {  	[sflag:s8] =	ssyncset.s32 @!p0 $0xFFFFF086;
	s6 =	sadd.s32 @!p0 s3, s7;
	s7 =	simm.s32 @!p0 $0x108  }
0x21: {  	s3 =	sadd.s32 s3, s9;
	s6 =	sadd.s32 @!p0 $0x88, s6;
	s7 =	simm.s32 @p2 $0x1082  }
0x22: {  	[simem:s7], [sflag:s8] =	dma.local @!p0 [hbm:s6], $0xF7A  }
0x23: {  	s9 =	sor.u32 $0xD0000000, s2;
	s6 =	simm.s32 $0x108;
	_ =	swait.ge @!p0 [sflag:s8], $0x0  }
0x24: {  	s3 =	sadd.s32 $0x88, s3;
	s6 =	simm.s32 @!p1 $0x1082;
	[sflag:s4] =	ssyncset.s32 $0xFFFFF086  }
0x25: {  	[simem:s6], [sflag:s4] =	dma.local [hbm:s3], $0xF7A  }
0x26: {  	[smem:$0x3FA0] =	sst s1;
	(tag) =	ssettag s2;
	_ =	strace s9  }
0x27: {  	s1 =	sld [smem:$0x3FB0]  }
0x28: {  	s2 =	sld [smem:$0x3FB1]  }
0x29: {  	s4 =	sld [smem:$0x3FB3]  }
0x2a: {  	p0 =	seq.s32 s5, $0x0;
	s5 =	sld [smem:$0x3FB4]  }
0x2b: {  	s6 =	sld [smem:$0x3FB5]  }
0x2c: {  	s7 =	sld [smem:$0x3FB6]  }
0x2d: {  	s3 =	simm.s32 $0x108;
	s8 =	sld [smem:$0x3FB7]  }
0x2e: {  	s3 =	simm.s32 @!p0 $0x1082;
	s9 =	sld [smem:$0x3FB8]  }
0x2f: {  	lr =	sadd.s32 s0, s3;
	s0 =	sld [smem:$0x3FAF]  }
0x30: {  	s3 =	sld [smem:$0x3FB2]  }
0x31: {  	[smem:$0x3FBB] =	sst s10  }
0x32: {  	s10 =	sld [smem:$0x3FB9];
	_ =	sdelay $0x3  }
0x33: {  	p0 =	seq.s32 s10, $0x1;
	s10 =	sld [smem:$0x3FBB];
	_ =	sdelay $0x3  }
0x34: {  	[smem:$0x3FBB] =	sst s10  }
0x35: {  	s10 =	sld [smem:$0x3FBA];
	_ =	sdelay $0x3  }
0x36: {  	p1 =	seq.s32 s10, $0x1;
	s10 =	sld [smem:$0x3FBB];
	_ =	sdelay $0x3  }
0x37: {  	[smem:$0x3FBB] =	sst s10  }
0x38: {  	s10 =	sld [smem:$0x3FBC]  }
0x39: {  	_ = 	snop;
	(pc) =	sbr.ind lr, $3  }
0x3a: {  	_ = 	snop  }
0x3b: {  	_ = 	snop  }
0x3c: {  	p2 =	seq.s32 s10, $0x1;
	s10 =	sld [smem:$0x3FBB]  }
0x3d: {  	_ =	shalt  }
0x3e: {  	_ =	shalt  }
0x3f: {  	_ =	shalt  }
0x40: {  	_ =	shalt  }
0x41: {  	_ =	shalt  }
0x42: {  	_ =	shalt  }
0x43: {  	_ =	shalt  }
0x44: {  	_ =	shalt  }
0x45: {  	_ =	shalt  }
0x46: {  	_ =	shalt  }
0x47: {  	_ =	shalt  }
0x48: {  	_ =	shalt  }
0x49: {  	_ =	shalt  }
0x4a: {  	_ =	shalt  }
0x4b: {  	_ =	shalt  }
0x4c: {  	_ =	shalt  }
0x4d: {  	_ =	shalt  }
0x4e: {  	_ =	shalt  }
0x4f: {  	_ =	shalt  }
0x50: {  	_ =	shalt  }
0x51: {  	_ =	shalt  }
0x52: {  	_ =	shalt  }
0x53: {  	_ =	shalt  }
0x54: {  	_ =	shalt  }
0x55: {  	_ =	shalt  }
0x56: {  	_ =	shalt  }
0x57: {  	_ =	shalt  }
0x58: {  	_ =	shalt  }
0x59: {  	_ =	shalt  }
0x5a: {  	_ =	shalt  }
0x5b: {  	_ =	shalt  }
0x5c: {  	_ =	shalt  }
0x5d: {  	_ =	shalt  }
0x5e: {  	_ =	shalt  }
0x5f: {  	_ =	shalt  }
0x60: {  	_ =	shalt  }
0x61: {  	_ =	shalt  }
0x62: {  	_ =	shalt  }
0x63: {  	_ =	shalt  }
0x64: {  	_ =	shalt  }
0x65: {  	_ =	shalt  }
0x66: {  	_ =	shalt  }
0x67: {  	_ =	shalt  }
0x68: {  	_ =	shalt  }
0x69: {  	_ =	shalt  }
0x6a: {  	_ =	shalt  }
0x6b: {  	_ =	shalt  }
0x6c: {  	_ =	shalt  }
0x6d: {  	_ =	shalt  }
0x6e: {  	_ =	shalt  }
0x6f: {  	_ =	shalt  }
0x70: {  	_ =	shalt  }
0x71: {  	_ =	shalt  }
0x72: {  	_ =	shalt  }
0x73: {  	_ =	shalt  }
0x74: {  	_ =	shalt  }
0x75: {  	_ =	shalt  }
0x76: {  	_ =	shalt  }
0x77: {  	_ =	shalt  }
0x78: {  	_ =	shalt  }
0x79: {  	_ =	shalt  }
0x7a: {  	_ =	shalt  }
0x7b: {  	_ =	shalt  }
0x7c: {  	_ =	shalt  }
0x7d: {  	_ =	shalt  }
0x7e: {  	_ =	shalt  }
0x7f: {  	_ =	shalt  }
0x80: {  	_ =	shalt  }
0x81: {  	_ =	shalt  }
0x82: {  	_ =	shalt  }
0x83: {  	_ =	shalt  }
0x84: {  	_ =	shalt  }
0x85: {  	_ =	shalt  }
0x86: {  	_ =	shalt  }
0x87: {  	_ =	shalt  }
.Lfunc_end0:
.L_simem_size_0:
called_computation_lowered:
.L_overlay_start_0:
0x88: {  	s2 =	sld [smem:$0x3FD9]  }
0x89: {  	s3 =	sld [smem:$0x3FFE];
	_ =	sdelay $0x1  }
0x8a: {  	s1 =	srdreg.scid  }
0x8b: {  	s0 =	sand.u32 $0x1, s1  }
0x8c: {  	s18 =	sshll.u32 s0, $0xA;
	s2 =	sadd.s32 s3, s2  }
0x8d: {  	s2 =	sadd.s32 s2, s18  }
0x8e: {  	[smem:$0x3FC7] =	sst s2  }
0x8f: {  	_ = 	snop  }
0x90: {  	s2 =	sld [smem:$0x3FC9]  }
0x91: {  	s19 =	sld [smem:$0x3FD0];
	(tm) =	ssettm $0x1  }
0x92: {  	s4 =	sld [smem:$0x3FFB];
	_ =	sdelay $0x3  }
0x93: {  	_ =	strace s4  }
0x94: {  	s4 =	sld [smem:$0x3FFC];
	_ =	sdelay $0x3  }
0x95: {  	_ =	strace s4  }
0x96: {  	s4 =	sld [smem:$0x3FFD];
	_ =	sdelay $0x3  }
0x97: {  	_ =	strace s4  }
0x98: {  	_ =	strace $0x8FFFFFFF  }
0x99: {  	s20 =	sld [smem:$0x3FDB];
	_ =	sdelay $0x1  }
0x9a: {  	s5 =	simm.s32 $_scs_section_size  }
0x9b: {  	s6 =	simm.s32 $_size__tile_overlayer_lowered;
	s7 =	simm.s32 $_tile_overlayer_lowered  }
0x9c: {  	s23 =	simm.s32 $0x1BFF;
	s22 =	sshll.u32 s7, $0x1;
	s4 =	sadd.s32 s5, s20  }
0x9d: {  	s8 =	simm.s32 $0x0;
	s21 =	sshll.u32 s6, $0x1;
	s6 =	sadd.s32 s22, s4  }
0x9e: {  	[timem:s8], [sflag:s23] =	dma.local [hbm:s6], s21  }
0x9f: {  	_ =	swait.ge [sflag:s23], s21  }
0xa0: {  	s5 =	ssub.s32 $0x0, s21;
	[sflag:s23] =	ssyncset.done $0x0  }
0xa1: {  	[sflag:s23] =	ssyncadd.s32 s5;
	_ =	sdelay $0x1  }
0xa2: {  	s24 =	simm.s32 $0x1B8B  }
0xa3: {  	_ =	swait.ge [sflag:s24], $0x1  }
0xa4: {  	[sflag:s24] =	ssyncset.done $0x0  }
0xa5: {  	s25 =	simm.s32 $0x1B8E;
	[sflag:s24] =	ssyncadd.s32 $0xFFFFFFFF  }
0xa6: {  	s26 =	simm.s32 $execute0_lowered;
	[smem:$0x3FD2] =	sst s25  }
0xa7: {  	s5 =	sshll.u32 s26, $0x1;
	_ =	strace $0x80000046;
	[dreg:$0x1] =	wrdreg $0xFFFFFFFF  }
0xa8: {  	s28 =	simm.s32 $_size_execute0_lowered;
	s4 =	sadd.s32 s4, s5;
	[dreg:$0x0] =	wrdreg $0x0  }
0xa9: {  	s5 =	sshll.u32 s28, $0x1;
	[dreg:$0x2] =	wrdreg s4  }
0xaa: {  	[dreg:$0x3] =	wrdreg s5  }
0xab: {  	[dreg:$0x4] =	wrdreg $0xC0  }
0xac: {  	_ =	task [dreg:s8], $0x5FFFF  }
0xad: {  	[dreg:$0x1] =	wrdreg $0xFFFFFFFF  }
0xae: {  	[dreg:$0x0] =	wrdreg $0x60  }
0xaf: {  	[dreg:$0x2] =	wrdreg s2  }
0xb0: {  	[dreg:$0x3] =	wrdreg s19  }
0xb1: {  	[dreg:$0x4] =	wrdreg $0x9  }
0xb2: {  	_ =	task.clear_ibuf [dreg:s8], $0x5FFFF;
	_ =	strace $0x90000046  }
0xb3: {  	s29 =	simm.s32 $0x9;
	_ =	strace $0x80000048  }
0xb4: {  	_ =	swait.ge [sflag:s29], $0x1  }
0xb5: {  	[sflag:s29] =	ssyncadd.s32 $0xFFFFFFFF  }
0xb6: {  	_ =	strace $0x90000048  }
0xb7: {  	_ =	sfence  }
0xb8: {  	s30 =	sld [smem:$0x0];
	_ =	sdelay $0x2  }
0xb9: {  	s31 =	sshll.u32 s1, $0xD;
	s1 =	sshrl.u32 s1, $0x2  }
0xba: {  	s3 =	sand.u32 $0x4000, s31;
	s1 =	sadd.s32 s1, s30  }
0xbb: {  	s0 =	sor.u32 s3, s0;
	s1 =	sshll.u32 s1, $0x11  }
0xbc: {  	s0 =	sor.u32 s1, s0  }
0xbd: {  	s0 =	sadd.s32 $0x8F2B, s0  }
0xbe: {  	[sflag:s0] =	ssyncadd.remote.s32 $0x1  }
0xbf: {  	_ =	sfence.sel $0xFFFF  }
0xc0: {  	[dreg:$0x0] =	wrdreg $0xFFFFFFFF;
	(pc) =	sbr.abs _section_cstart, $3  }
0xc1: {  	[dreg:$0x1] =	wrdreg $0xFFFFFFFF  }
0xc2: {  	_ =	task.clear_ibuf [dreg:s8], $0x2FFFF;
	_ =	strace $0x9FFFFFFF  }
0xc3: {  	(tm) =	ssettm $0x7FFFFFFF  }
tec
execute0_lowered:
.L_overlay_start_1:
0x0: {  	(tag) =	ssettag $0x1  }
0x1: {  	s1 =	rddreg [dreg:$0x0]  }
0x2: {  	s0 =	srdreg.scid;
	s2 =	rddreg [dreg:$0x1]  }
0x3: {  	s3 =	simm.s32 $0x0;
	s4 =	stileid.u32;
	s11 =	simm.s32 $0x1  }
0x4: {  	s12 =	simm.s32 $0x1F800;
	s13 =	simm.s32 $0x17800;
	s14 =	simm.s32 $0x2  }
0x5: {  	s15 =	simm.s32 $0x0;
	s6 =	sand.u32 $0x1, s0;
	s0 =	rddreg [dreg:$0x2]  }
0x6: {  	[smem:$0x7FF] =	sst s3;
	s31 =	sshll.u32 s4, $0xB;
	s9 =	sshll.u32 s4, $0x13  }
0x7: {  	s5 =	ssub.s32 $0x2, s6;
	_ =	strace $0x80000047;
	s8 =	sshll.u32 s6, $0xA  }
0x8: {  	s10 =	sshll.u32 s6, $0x12;
	s7 =	sshrl.u32 s5, $0x1;
	s6 =	sor.u32 s8, s31  }
0x9: {  	v0 =	vlaneseq.u32;
	v1 =	vimm.s32 $0x0;
	v3 =	vimm.f32 $0.0e+00;
	s5 =	ssub.s32 s5, s7;
	s7 =	sor.u32 s10, s9;
	s8 =	sor.u32 $0x10, s6  }
0xa: {  	v5 =	vimm.s32 $0x1;
	v2 =	vmul.u32 $0x800, v0;
	v4 =	vor.u32 $0x4000, v0;
	s9 =	simm.s32 $0x80;
	s10 =	simm.s32 $0x400;
	s5 =	smax.u32 s5, $0x1  }
.LBB2_1:
0xb: {  	s16 =	simm.s32 $0x200;
	s17 =	simm.s32 $0x0  }
.LBB2_2:
0xc: {  	p0 =	sne.s32 s16, $0x1FE00;
	[tilespmem:s17+$0x17800] =	vst v1;
	s17 =	smov.u32 s16;
	s16 =	sadd.s32 $0x200, s16  }
.Ltmp0:
0xd: {  	(pc) =	sbr.rel @p0 .LBB2_2-.Ltmp0, $2  }
0xe: {  	_ =	sdelay $0x2  }
0xf: {  	s17 =	sshra.s32 s17, $0x2  }
0x10: {  	s18 =	simm.s32 $0x0  }
0x11: {  	s16 =	sand.u32 $0x70, s18  }
0x12: {  	s19 =	sand.u32 $0x7C0800, s7;
	s16 =	sadd.s32 s1, s16  }
0x13: {  	[tilespmem:s17+$0x17800] =	vst v1;
	s16 =	sadd.s32 s19, s16  }
0x14: {  	[tilespmem:s18], [sflag:$0x1] =	stream.strided.gather [hbm4b:s16+s9], $0x800, s10, s9, $0x38;
	[tilespmem:$0x1F880] =	vst v63  }
0x15: {  	s17 =	sadd.s32 $0x100, s7;
	s19 =	simm.s32 $0x0;
	s16 =	simm.s32 $0x10  }
.LBB2_4:
0x16: {  	s20 =	sand.u32 $0x70, s16;
	p0 =	seq.s32 s16, $0xF0;
	s16 =	sadd.s32 $0x10, s16  }
.Ltmp1:
0x17: {  	s21 =	sand.u32 $0x7C0800, s17;
	s20 =	sadd.s32 s1, s20;
	(pc) =	sbr.rel @!p0 .LBB2_4-.Ltmp1, $4  }
0x18: {  	s19 =	sadd.s32 $0x800, s19;
	s20 =	sadd.s32 s21, s20  }
0x19: {  	[tilespmem:s19], [sflag:$0x1] =	stream.strided.gather [hbm4b:s20+s9], $0x800, s10, s9, $0x38;
	[tilespmem:$0x1F880] =	vst v63  }
0x1a: {  	_ = 	snop  }
0x1b: {  	s17 =	sadd.s32 $0x100, s17  }
.Ltmp2:
0x1c: {  	_ = 	snop;
	(pc) =	sbr.rel .LBB2_5-.Ltmp2, $1  }
0x1d: {  	_ =	sdelay $0x3  }
.LBB2_10:
.Ltmp3:
0x1e: {  	(pc) =	sbr.rel .LBB2_18-.Ltmp3, $2  }
0x1f: {  	_ =	sdelay $0x2  }
0x20: {  	_ = 	snop  }
.LBB2_15:
.Ltmp4:
0x21: {  	(pc) =	sbr.rel .LBB2_18-.Ltmp4, $2  }
0x22: {  	_ =	sdelay $0x2  }
0x23: {  	v16 =	vmovc v18;
	v21 =	vmovc v23;
	v20 =	vmov v24;
	v19 =	vmov v25;
	v18 =	vmov v26  }
.LBB2_5:
0x24: {  	_ =	swait.ge [sflag:s11], $0x800  }
0x25: {  	[sflag:s11] =	ssyncset.done $0x0  }
0x26: {  	[sflag:s11] =	ssyncadd.s32 $0xFFFFF800  }
0x27: {  	_ =	swait.ge [sflag:s11], $0x800  }
0x28: {  	[sflag:s11] =	ssyncset.done $0x0  }
0x29: {  	[sflag:s11] =	ssyncadd.s32 $0xFFFFF800  }
0x2a: {  	_ =	swait.ge [sflag:s11], $0x800  }
0x2b: {  	[sflag:s11] =	ssyncset.done $0x0  }
0x2c: {  	[sflag:s11] =	ssyncadd.s32 $0xFFFFF800  }
0x2d: {  	_ =	swait.ge [sflag:s11], $0x800  }
0x2e: {  	[sflag:s11] =	ssyncset.done $0x0  }
0x2f: {  	[sflag:s11] =	ssyncadd.s32 $0xFFFFF800  }
0x30: {  	_ =	swait.ge [sflag:s11], $0x800  }
0x31: {  	[sflag:s11] =	ssyncset.done $0x0  }
0x32: {  	[sflag:s11] =	ssyncadd.s32 $0xFFFFF800  }
0x33: {  	_ =	swait.ge [sflag:s11], $0x800  }
0x34: {  	[sflag:s11] =	ssyncset.done $0x0  }
0x35: {  	[sflag:s11] =	ssyncadd.s32 $0xFFFFF800  }
0x36: {  	_ =	swait.ge [sflag:s11], $0x800  }
0x37: {  	[sflag:s11] =	ssyncset.done $0x0  }
0x38: {  	[sflag:s11] =	ssyncadd.s32 $0xFFFFF800  }
0x39: {  	_ =	swait.ge [sflag:s11], $0x800  }
0x3a: {  	[sflag:s11] =	ssyncset.done $0x0  }
0x3b: {  	[sflag:s11] =	ssyncadd.s32 $0xFFFFF800  }
0x3c: {  	_ =	swait.ge [sflag:s11], $0x800  }
0x3d: {  	[sflag:s11] =	ssyncset.done $0x0  }
0x3e: {  	[sflag:s11] =	ssyncadd.s32 $0xFFFFF800  }
0x3f: {  	_ =	swait.ge [sflag:s11], $0x800  }
0x40: {  	[sflag:s11] =	ssyncset.done $0x0  }
0x41: {  	[sflag:s11] =	ssyncadd.s32 $0xFFFFF800  }
0x42: {  	_ =	swait.ge [sflag:s11], $0x800  }
0x43: {  	[sflag:s11] =	ssyncset.done $0x0  }
0x44: {  	[sflag:s11] =	ssyncadd.s32 $0xFFFFF800  }
0x45: {  	_ =	swait.ge [sflag:s11], $0x800  }
0x46: {  	[sflag:s11] =	ssyncset.done $0x0  }
0x47: {  	[sflag:s11] =	ssyncadd.s32 $0xFFFFF800  }
0x48: {  	_ =	swait.ge [sflag:s11], $0x800  }
0x49: {  	[sflag:s11] =	ssyncset.done $0x0  }
0x4a: {  	s17 =	sshll.u32 s18, $0x4;
	[sflag:s11] =	ssyncadd.s32 $0xFFFFF800  }
0x4b: {  	s16 =	smov.u32 s18;
	s18 =	sand.u32 $0x10, s17;
	_ =	swait.ge [sflag:s11], $0x800  }
0x4c: {  	s26 =	simm.s32 $0x1;
	s20 =	simm.s32 $0x2;
	v6 =	vmov s18;
	[sflag:s11] =	ssyncset.done $0x0  }
0x4d: {  	s28 =	simm.s32 $0x3;
	s29 =	simm.s32 $0x4;
	v8 =	vadd.s32 s26, v0;
	v10 =	vadd.s32 s20, v0;
	v6 =	vshll.u32 v6, $0xB;
	[sflag:s11] =	ssyncadd.s32 $0xFFFFF800  }
0x4e: {  	s30 =	simm.s32 $0x5;
	s31 =	simm.s32 $0x6;
	v11 =	vadd.s32 s28, v0;
	v12 =	vadd.s32 s29, v0;
	v6 =	vor.u32 v2, v6;
	_ =	swait.ge [sflag:s11], $0x800  }
0x4f: {  	s19 =	simm.s32 $0x0;
	v13 =	vadd.s32 s30, v0;
	v14 =	vadd.s32 s31, v0;
	v7 =	vor.u32 v0, v6;
	[sflag:s11] =	ssyncset.done $0x0  }
0x50: {  	v8 =	vand.u32 $0x7FF, v8;
	v10 =	vand.u32 $0x7FF, v10;
	v9 =	vor.u32 s19, v7;
	[sflag:s11] =	ssyncadd.s32 $0xFFFFF800  }
0x51: {  	v11 =	vand.u32 $0x7FF, v11;
	v12 =	vand.u32 $0x7FF, v12;
	v8 =	vor.u32 v6, v8;
	_ =	swait.ge [sflag:s11], $0x800  }
0x52: {  	s30 =	simm.s32 $0x11;
	s31 =	simm.s32 $0x12;
	v13 =	vand.u32 $0x7FF, v13;
	v16 =	vand.u32 $0x7FF, v14;
	v10 =	vor.u32 v6, v10;
	[sflag:s11] =	ssyncset.done $0x0  }
0x53: {  	v17 =	vadd.s32 s30, v0;
	v18 =	vadd.s32 s31, v0;
	v11 =	vor.u32 v6, v11;
	s19 =	simm.s32 $0x7;
	[sflag:s11] =	ssyncadd.s32 $0xFFFFF800  }
0x54: {  	v17 =	vand.u32 $0x7FF, v17;
	v12 =	vor.u32 v6, v12;
	v15 =	vadd.s32 s19, v0;
	[tilespmem:$0x1F800] =	vst v3  }
0x55: {  	v18 =	vand.u32 $0x7FF, v18;
	v13 =	vor.u32 v6, v13;
	v15 =	vand.u32 $0x7FF, v15;
	v14 =	vld.idx.msk [tilespmem:v9+s3+$0x0], $0xffff  }
0x56: {  	s21 =	simm.s32 $0x9;
	s20 =	simm.s32 $0x8;
	s29 =	simm.s32 $0x10;
	v16 =	vor.u32 v6, v16;
	v38 =	vor.u32 v6, v18;
	v15 =	vor.u32 v6, v15;
	v26 =	vld.idx.msk [tilespmem:v8+s3+$0x0], $0xffff  }
0x57: {  	s22 =	simm.s32 $0xA;
	s23 =	simm.s32 $0xB;
	v19 =	vor.u32 s29, v7;
	v9 =	vadd.s32 s20, v0;
	v8 =	vadd.s32 s21, v0;
	v27 =	vld.idx.msk [tilespmem:v10+s3+$0x0], $0xffff  }
0x58: {  	s24 =	simm.s32 $0xC;
	v28 =	vld.idx.msk [tilespmem:v11+s3+$0x0], $0xffff;
	v10 =	vadd.s32 s22, v0;
	v11 =	vadd.s32 s23, v0;
	v9 =	vand.u32 $0x7FF, v9  }
0x59: {  	s25 =	simm.s32 $0xD;
	v29 =	vld.idx.msk [tilespmem:v12+s3+$0x0], $0xffff;
	v12 =	vadd.s32 s24, v0;
	v10 =	vand.u32 $0x7FF, v10;
	v9 =	vor.u32 v6, v9  }
0x5a: {  	s26 =	simm.s32 $0xE;
	v24 =	vld.idx.msk [tilespmem:v13+s3+$0x0], $0xffff;
	v13 =	vadd.s32 s25, v0;
	v11 =	vand.u32 $0x7FF, v11;
	v10 =	vor.u32 v6, v10  }
0x5b: {  	s28 =	simm.s32 $0xF;
	v21 =	vld.idx.msk [tilespmem:v15+s3+$0x0], $0xffff;
	v15 =	vadd.s32 s26, v0;
	v12 =	vand.u32 $0x7FF, v12;
	v11 =	vor.u32 v6, v11  }
0x5c: {  	v23 =	vld.idx.msk [tilespmem:v16+s3+$0x0], $0xffff;
	v16 =	vadd.s32 s28, v0;
	s20 =	simm.s32 $0x14;
	s21 =	simm.s32 $0x15;
	v8 =	vand.u32 $0x7FF, v8;
	v12 =	vor.u32 v6, v12  }
0x5d: {  	s22 =	simm.s32 $0x16;
	s23 =	simm.s32 $0x17;
	v13 =	vand.u32 $0x7FF, v13;
	v22 =	vadd.s32 s20, v0;
	v30 =	vadd.s32 s21, v0  }
0x5e: {  	s24 =	simm.s32 $0x18;
	v31 =	vadd.s32 s22, v0;
	v33 =	vadd.s32 s23, v0;
	v20 =	vld.idx.msk [tilespmem:v9+s3+$0x0], $0xffff;
	v9 =	vand.u32 $0x7FF, v15  }
0x5f: {  	v34 =	vadd.s32 s24, v0;
	v8 =	vor.u32 v6, v8;
	v15 =	vor.u32 v6, v9;
	v9 =	vld.idx.msk [tilespmem:v10+s3+$0x0], $0xffff  }
0x60: {  	v13 =	vor.u32 v6, v13;
	v32 =	vmul.f32 v14, v14;
	v10 =	vld.idx.msk [tilespmem:v11+s3+$0x0], $0xffff;
	v11 =	vand.u32 $0x7FF, v16  }
0x61: {  	v22 =	vand.u32 $0x7FF, v22;
	v35 =	vmul.f32 v26, v26;
	v12 =	vld.idx.msk [tilespmem:v12+s3+$0x0], $0xffff;
	v25 =	vor.u32 v6, v11  }
0x62: {  	v30 =	vand.u32 $0x7FF, v30;
	v31 =	vand.u32 $0x7FF, v31;
	v51 =	vmul.f32 v27, v27;
	[tilespmem:s12+$0x0] =	vst.add.f32.msk $0xffff, v32  }
0x63: {  	v33 =	vand.u32 $0x7FF, v33;
	v18 =	vor.u32 v6, v31;
	v36 =	vmul.f32 v28, v28;
	[tilespmem:s12+$0x0] =	vst.add.f32.msk $0xffff, v35  }
0x64: {  	v52 =	vmul.f32 v29, v29;
	v53 =	vmul.f32 v23, v23;
	v40 =	vshra.s32 v26, $0x1F;
	[tilespmem:s12+$0x0] =	vst.add.f32.msk $0xffff, v51  }
0x65: {  	v41 =	vshra.s32 v27, $0x1F;
	v58 =	vshra.s32 v28, $0x1F;
	v42 =	vshra.s32 v24, $0x1F;
	[tilespmem:s12+$0x0] =	vst.add.f32.msk $0xffff, v36  }
0x66: {  	v40 =	vand.u32 $0x7FFFFFFF, v40;
	v41 =	vand.u32 $0x7FFFFFFF, v41;
	v62 =	vand.u32 $0x7FFFFFFF, v58;
	v37 =	vld.idx.msk [tilespmem:v25+s3+$0x0], $0xffff  }
0x67: {  	v44 =	vand.u32 $0x7FFFFFFF, v42;
	v35 =	vor.u32 v6, v17;
	v17 =	vmul.f32 v24, v24;
	[tilespmem:s12+$0x0] =	vst.add.f32.msk $0xffff, v52  }
0x68: {  	s18 =	simm.s32 $0x10080;
	[tilespmem:s12+$0x0] =	vst.add.f32.msk $0xffff, v53;
	v26 =	vxor.u32 v26, v40;
	v27 =	vxor.u32 v27, v41;
	v28 =	vxor.u32 v28, v62  }
0x69: {  	v8 =	vld.idx.msk [tilespmem:v8+s3+$0x0], $0xffff;
	v40 =	vshra.s32 v29, $0x1F;
	v24 =	vxor.u32 v24, v44;
	[tilespmem:s18+$0xFFFFFF90] =	vst v26;
	v31 =	vmul.f32 v20, v20  }
0x6a: {  	s19 =	simm.s32 $0x13;
	[tilespmem:s18+$0xFFFFFFA0] =	vst v27;
	v25 =	vor.u32 v6, v22;
	v22 =	vor.u32 v6, v30;
	v30 =	vmul.f32 v21, v21  }
0x6b: {  	v16 =	vadd.s32 s19, v0;
	[tilespmem:s12+$0x0] =	vst.add.f32.msk $0xffff, v31;
	v31 =	vmul.f32 v12, v12;
	v56 =	vshra.s32 v37, $0x1F  }
0x6c: {  	v59 =	vshra.s32 v26, $0x11;
	[tilespmem:s12+$0x0] =	vst.add.f32.msk $0xffff, v30;
	v30 =	vmul.f32 v9, v9;
	v36 =	vand.u32 $0x7FFFFFFF, v56  }
0x6d: {  	v61 =	vshra.s32 v27, $0x11;
	v41 =	vshra.s32 v28, $0x11;
	[tilespmem:s12+$0x0] =	vst.add.f32.msk $0xffff, v31;
	v36 =	vxor.u32 v37, v36  }
0x6e: {  	v50 =	vand.u32 $0x7FF, v16;
	v31 =	vand.u32 $0xFFFFFF80, v59;
	[tilespmem:s12+$0x0] =	vst.add.f32.msk $0xffff, v30;
	v30 =	vshra.s32 v36, $0x11  }
0x6f: {  	[tilespmem:s18+$0xFFFFFFB0] =	vst v28;
	v16 =	vand.u32 $0x7FF, v34;
	v31 =	vadd.s32 v4, v31;
	v30 =	vand.u32 $0xFFFFFF80, v30  }
0x70: {  	[tilespmem:s12+$0x0] =	vst.add.f32.msk $0xffff, v17;
	v17 =	vor.u32 v6, v33;
	v60 =	vmul.f32 v37, v37;
	v30 =	vadd.s32 v4, v30  }
0x71: {  	v11 =	vld.idx.msk [tilespmem:v13+s3+$0x0], $0xffff;
	v63 =	vand.u32 $0xFFFFFF80, v61;
	v34 =	vand.u32 $0xFFFFFF80, v41;
	v32 =	vor.u32 v6, v50;
	[tilespmem:s18+$0xFFFFFFD0] =	vst v24  }
0x72: {  	s25 =	simm.s32 $0x19;
	v33 =	vadd.s32 v4, v63;
	v43 =	vadd.s32 v4, v34;
	v16 =	vor.u32 v6, v16;
	[tilespmem:s12+$0x0] =	vst.add.f32.msk $0xffff, v60  }
0x73: {  	v54 =	vmul.f32 v8, v8;
	v13 =	vld.idx.msk [tilespmem:v15+s3+$0x0], $0xffff;
	v15 =	vadd.s32 s25, v0;
	v37 =	vand.u32 $0x7FFFFFFF, v40;
	[tilespmem:s18+$0x70] =	vst v36  }
0x74: {  	v55 =	vmul.f32 v10, v10;
	v29 =	vxor.u32 v29, v37;
	[tilespmem:v31+s13+$0x0] =	vst.idx.add.s32.msk $0xffff, v5;
	v31 =	vshra.s32 v23, $0x1F  }
0x75: {  	v52 =	vshra.s32 v10, $0x1F;
	v31 =	vand.u32 $0x7FFFFFFF, v31;
	[tilespmem:v30+s13+$0x0] =	vst.idx.add.s32.msk $0xffff, v5;
	v30 =	vshra.s32 v29, $0x11  }
0x76: {  	v39 =	vmul.f32 v11, v11;
	[tilespmem:s12+$0x0] =	vst.add.f32.msk $0xffff, v54;
	v23 =	vxor.u32 v23, v31;
	v30 =	vand.u32 $0xFFFFFF80, v30  }
0x77: {  	[tilespmem:s12+$0x0] =	vst.add.f32.msk $0xffff, v55;
	v31 =	vshra.s32 v21, $0x1F;
	v45 =	vadd.s32 v4, v30;
	v30 =	vshra.s32 v24, $0x11  }
0x78: {  	[tilespmem:v33+s13+$0x0] =	vst.idx.add.s32.msk $0xffff, v5;
	v57 =	vmul.f32 v13, v13;
	v31 =	vand.u32 $0x7FFFFFFF, v31;
	v30 =	vand.u32 $0xFFFFFF80, v30  }
0x79: {  	[tilespmem:v43+s13+$0x0] =	vst.idx.add.s32.msk $0xffff, v5;
	v21 =	vxor.u32 v21, v31;
	v28 =	vadd.s32 v4, v30;
	v30 =	vshra.s32 v23, $0x11  }
0x7a: {  	[tilespmem:s18+$0xFFFFFFC0] =	vst v29;
	v29 =	vshra.s32 v21, $0x11;
	v46 =	vand.u32 $0xFFFFFF80, v30;
	v30 =	vshra.s32 v20, $0x1F  }
0x7b: {  	v54 =	vshra.s32 v12, $0x1F;
	[tilespmem:s12+$0x0] =	vst.add.f32.msk $0xffff, v39;
	v47 =	vand.u32 $0xFFFFFF80, v29;
	v30 =	vand.u32 $0x7FFFFFFF, v30  }
0x7c: {  	[tilespmem:s12+$0x0] =	vst.add.f32.msk $0xffff, v57;
	v29 =	vshra.s32 v8, $0x1F;
	v48 =	vadd.s32 v4, v47;
	v20 =	vxor.u32 v20, v30  }
0x7d: {  	v16 =	vld.idx.msk [tilespmem:v16+s3+$0x0], $0xffff;
	[tilespmem:s18+$0xFFFFFFE0] =	vst v23;
	v29 =	vand.u32 $0x7FFFFFFF, v29;
	v26 =	vadd.s32 v4, v46;
	v49 =	vshra.s32 v20, $0x11  }
0x7e: {  	[tilespmem:v28+s13+$0x0] =	vst.idx.add.s32.msk $0xffff, v5;
	v27 =	vand.u32 $0xFFFFFF80, v49;
	v28 =	vxor.u32 v8, v29;
	v29 =	vshra.s32 v9, $0x1F  }
0x7f: {  	[tilespmem:s18+$0xFFFFFFF0] =	vst v21;
	v8 =	vld.idx.msk [tilespmem:v19+s3+$0x0], $0xffff;
	v19 =	vadd.s32 v4, v27;
	v23 =	vshra.s32 v28, $0x11;
	v50 =	vand.u32 $0x7FFFFFFF, v29  }
0x80: {  	v15 =	vand.u32 $0x7FF, v15;
	[tilespmem:v45+s13+$0x0] =	vst.idx.add.s32.msk $0xffff, v5;
	v23 =	vand.u32 $0xFFFFFF80, v23;
	v51 =	vxor.u32 v9, v50  }
0x81: {  	[tilespmem:v48+s13+$0x0] =	vst.idx.add.s32.msk $0xffff, v5;
	v27 =	vand.u32 $0x7FFFFFFF, v52;
	v21 =	vadd.s32 v4, v23;
	v23 =	vshra.s32 v51, $0x11  }
0x82: {  	v60 =	vor.u32 v6, v15;
	v15 =	vld.idx.msk [tilespmem:v17+s3+$0x0], $0xffff;
	[tilespmem:s18+$0x0] =	vst v20;
	v53 =	vxor.u32 v10, v27;
	v23 =	vand.u32 $0xFFFFFF80, v23  }
0x83: {  	[tilespmem:v26+s13+$0x0] =	vst.idx.add.s32.msk $0xffff, v5;
	v27 =	vand.u32 $0x7FFFFFFF, v54;
	v20 =	vadd.s32 v4, v23;
	v23 =	vshra.s32 v53, $0x11  }
0x84: {  	v55 =	vshra.s32 v11, $0x1F;
	[tilespmem:v19+s13+$0x0] =	vst.idx.add.s32.msk $0xffff, v5;
	v19 =	vand.u32 $0xFFFFFF80, v23;
	v23 =	vxor.u32 v12, v27  }
0x85: {  	[tilespmem:s18+$0x10] =	vst v28;
	v9 =	vld.idx.msk [tilespmem:v35+s3+$0x0], $0xffff;
	v27 =	vand.u32 $0x7FFFFFFF, v55;
	v19 =	vadd.s32 v4, v19;
	v28 =	vshra.s32 v23, $0x11  }
0x86: {  	v27 =	vxor.u32 v11, v27;
	[tilespmem:v21+s13+$0x0] =	vst.idx.add.s32.msk $0xffff, v5;
	v21 =	vand.u32 $0xFFFFFF80, v28;
	v28 =	vshra.s32 v13, $0x1F  }
0x87: {  	v10 =	vld.idx.msk [tilespmem:v38+s3+$0x0], $0xffff;
	[tilespmem:s18+$0x20] =	vst v51;
	v56 =	vshra.s32 v27, $0x11;
	v21 =	vadd.s32 v4, v21;
	v57 =	vand.u32 $0x7FFFFFFF, v28  }
0x88: {  	v28 =	vshra.s32 v14, $0x1F;
	[tilespmem:v20+s13+$0x0] =	vst.idx.add.s32.msk $0xffff, v5;
	v20 =	vand.u32 $0xFFFFFF80, v56;
	v58 =	vxor.u32 v13, v57  }
0x89: {  	[tilespmem:s18+$0x30] =	vst v53;
	v13 =	vld.idx.msk [tilespmem:v22+s3+$0x0], $0xffff;
	v22 =	vand.u32 $0x7FFFFFFF, v28;
	v20 =	vadd.s32 v4, v20;
	v59 =	vshra.s32 v58, $0x11  }
0x8a: {  	v22 =	vxor.u32 v14, v22;
	[tilespmem:v19+s13+$0x0] =	vst.idx.add.s32.msk $0xffff, v5;
	v19 =	vand.u32 $0xFFFFFF80, v59  }
0x8b: {  	s26 =	simm.s32 $0x1A;
	[tilespmem:s18+$0x40] =	vst v23;
	v14 =	vld.idx.msk [tilespmem:v18+s3+$0x0], $0xffff;
	v18 =	vshra.s32 v22, $0x11;
	v23 =	vadd.s32 v4, v19  }
0x8c: {  	s28 =	simm.s32 $0x1B;
	v12 =	vld.idx.msk [tilespmem:v32+s3+$0x0], $0xffff;
	[tilespmem:s18+$0x50] =	vst v27;
	v18 =	vand.u32 $0xFFFFFF80, v18;
	v19 =	vadd.s32 s26, v0  }
0x8d: {  	s29 =	simm.s32 $0x1C;
	v17 =	vadd.s32 s28, v0;
	[tilespmem:v21+s13+$0x0] =	vst.idx.add.s32.msk $0xffff, v5;
	v21 =	vadd.s32 v4, v18;
	v18 =	vand.u32 $0x7FF, v19  }
0x8e: {  	s30 =	simm.s32 $0x1D;
	v17 =	vand.u32 $0x7FF, v17;
	v18 =	vor.u32 v6, v18;
	[tilespmem:v20+s13+$0x0] =	vst.idx.add.s32.msk $0xffff, v5;
	v20 =	vadd.s32 s29, v0  }
0x8f: {  	s31 =	simm.s32 $0x1E;
	v61 =	vadd.s32 s30, v0;
	v11 =	vld.idx.msk [tilespmem:v25+s3+$0x0], $0xffff;
	[tilespmem:s18+$0x60] =	vst v58;
	v19 =	vor.u32 v6, v17;
	v17 =	vand.u32 $0x7FF, v20  }
0x90: {  	v62 =	vadd.s32 s31, v0;
	[tilespmem:v23+s13+$0x0] =	vst.idx.add.s32.msk $0xffff, v5;
	v20 =	vor.u32 v6, v17;
	v23 =	vand.u32 $0x7FF, v61  }
0x91: {  	v63 =	vand.u32 $0x7FF, v62;
	[tilespmem:s18+$0xFFFFFF80] =	vst v22;
	v17 =	vld.idx.msk [tilespmem:v60+s3+$0x0], $0xffff;
	v23 =	vor.u32 v6, v23  }
0x92: {  	s20 =	simm.s32 $0x1F;
	s19 =	simm.s32 $0x20;
	v31 =	vmov v8;
	v22 =	vor.u32 v6, v63;
	[tilespmem:v21+s13+$0x0] =	vst.idx.add.s32.msk $0xffff, v5  }
.LBB2_6:
0x93: {  	v27 =	vor.u32 s19, v7;
	s21 =	sadd.s32 $0x1, s19;
	s22 =	sadd.s32 $0x2, s19;
	p0 =	slt.u32 s19, $0x770;
	v25 =	vld.idx.msk [tilespmem:v18+s3+$0x0], $0xffff;
	v18 =	vadd.s32 s20, v0  }
0x94: {  	s20 =	sadd.s32 $0x3, s19;
	v26 =	vadd.s32 s21, v0;
	v28 =	vadd.s32 s22, v0;
	s21 =	sadd.s32 $0x4, s19;
	v24 =	vld.idx.msk [tilespmem:v19+s3+$0x0], $0xffff;
	v18 =	vand.u32 $0x7FF, v18  }
0x95: {  	v29 =	vadd.s32 s20, v0;
	s20 =	sadd.s32 $0x5, s19;
	v30 =	vadd.s32 s21, v0;
	s21 =	sadd.s32 $0x6, s19;
	v21 =	vld.idx.msk [tilespmem:v20+s3+$0x0], $0xffff;
	v32 =	vor.u32 v6, v18  }
0x96: {  	v31 =	vmul.f32 v31, v8;
	v33 =	vadd.s32 s20, v0;
	s20 =	sadd.s32 $0x7, s19;
	v34 =	vadd.s32 s21, v0;
	s21 =	sadd.s32 $0x8, s19;
	v20 =	vld.idx.msk [tilespmem:v23+s3+$0x0], $0xffff  }
0x97: {  	v36 =	vmul.f32 v9, v9;
	v23 =	vadd.s32 s20, v0;
	s20 =	sadd.s32 $0x9, s19;
	v35 =	vadd.s32 s21, v0;
	v19 =	vld.idx.msk [tilespmem:v22+s3+$0x0], $0xffff  }
0x98: {  	v22 =	vand.u32 $0x7FF, v26;
	v26 =	vand.u32 $0x7FF, v28;
	v18 =	vadd.s32 s20, v0;
	[tilespmem:s12+$0x0] =	vst.add.f32.msk $0xffff, v31  }
0x99: {  	v28 =	vand.u32 $0x7FF, v29;
	v29 =	vand.u32 $0x7FF, v30;
	v30 =	vmul.f32 v10, v10;
	[tilespmem:s12+$0x0] =	vst.add.f32.msk $0xffff, v36  }
0x9a: {  	v34 =	vand.u32 $0x7FF, v34;
	v31 =	vand.u32 $0x7FF, v33;
	v36 =	vmul.f32 v12, v12;
	v37 =	vld.idx.msk [tilespmem:v32+s3+$0x0], $0xffff  }
0x9b: {  	v38 =	vand.u32 $0x7FF, v23;
	v23 =	vand.u32 $0x7FF, v35;
	v35 =	vmul.f32 v11, v11;
	[tilespmem:s12+$0x0] =	vst.add.f32.msk $0xffff, v30  }
0x9c: {  	v33 =	vor.u32 v6, v22;
	v22 =	vmul.f32 v13, v13;
	v32 =	vor.u32 v6, v26;
	[tilespmem:s12+$0x0] =	vst.add.f32.msk $0xffff, v36  }
0x9d: {  	v29 =	vor.u32 v6, v29;
	v30 =	vor.u32 v6, v28;
	[tilespmem:s12+$0x0] =	vst.add.f32.msk $0xffff, v35;
	v35 =	vmul.f32 v14, v14  }
0x9e: {  	v26 =	vor.u32 v6, v34;
	v28 =	vor.u32 v6, v31;
	v31 =	vmul.f32 v15, v15;
	[tilespmem:s12+$0x0] =	vst.add.f32.msk $0xffff, v22  }
0x9f: {  	v34 =	vmul.f32 v16, v16;
	v22 =	vor.u32 v6, v38;
	[tilespmem:s12+$0x0] =	vst.add.f32.msk $0xffff, v35;
	v35 =	vmul.f32 v17, v17  }
0xa0: {  	v36 =	vmul.f32 v24, v24;
	v38 =	vshra.s32 v37, $0x1F;
	[tilespmem:s12+$0x0] =	vst.add.f32.msk $0xffff, v31;
	v31 =	vmul.f32 v25, v25  }
0xa1: {  	v39 =	vmul.f32 v20, v20;
	v38 =	vand.u32 $0x7FFFFFFF, v38;
	[tilespmem:s12+$0x0] =	vst.add.f32.msk $0xffff, v34;
	v34 =	vmul.f32 v21, v21  }
0xa2: {  	v40 =	vshra.s32 v9, $0x1F;
	v38 =	vxor.u32 v37, v38;
	[tilespmem:s12+$0x0] =	vst.add.f32.msk $0xffff, v35;
	v35 =	vmul.f32 v19, v19  }
0xa3: {  	v41 =	vshra.s32 v10, $0x1F;
	v40 =	vand.u32 $0x7FFFFFFF, v40;
	[tilespmem:s12+$0x0] =	vst.add.f32.msk $0xffff, v31;
	v31 =	vshra.s32 v38, $0x11  }
0xa4: {  	v9 =	vxor.u32 v9, v40;
	v40 =	vshra.s32 v12, $0x1F;
	[tilespmem:s12+$0x0] =	vst.add.f32.msk $0xffff, v36;
	v31 =	vand.u32 $0xFFFFFF80, v31  }
0xa5: {  	v41 =	vand.u32 $0x7FFFFFFF, v41;
	v36 =	vshra.s32 v9, $0x11;
	[tilespmem:s12+$0x0] =	vst.add.f32.msk $0xffff, v34;
	v31 =	vadd.s32 v4, v31  }
0xa6: {  	v10 =	vxor.u32 v10, v41;
	v34 =	vand.u32 $0xFFFFFF80, v36;
	v36 =	vmul.f32 v37, v37;
	[tilespmem:s12+$0x0] =	vst.add.f32.msk $0xffff, v39  }
0xa7: {  	v37 =	vshra.s32 v10, $0x11;
	v34 =	vadd.s32 v4, v34;
	v39 =	vand.u32 $0x7FFFFFFF, v40;
	[tilespmem:s12+$0x0] =	vst.add.f32.msk $0xffff, v35  }
0xa8: {  	s18 =	sadd.s32 $0x100, s18;
	v35 =	vand.u32 $0xFFFFFF80, v37;
	v12 =	vxor.u32 v12, v39;
	v37 =	vshra.s32 v11, $0x1F;
	[tilespmem:s12+$0x0] =	vst.add.f32.msk $0xffff, v36  }
0xa9: {  	v35 =	vadd.s32 v4, v35;
	v36 =	vshra.s32 v12, $0x11;
	v37 =	vand.u32 $0x7FFFFFFF, v37;
	[tilespmem:s18+$0x70] =	vst v38  }
0xaa: {  	v36 =	vand.u32 $0xFFFFFF80, v36;
	v11 =	vxor.u32 v11, v37;
	v37 =	vshra.s32 v13, $0x1F;
	[tilespmem:v31+s13+$0x0] =	vst.idx.add.s32.msk $0xffff, v5  }
0xab: {  	v31 =	vshra.s32 v11, $0x11;
	[tilespmem:s18+$0xFFFFFF90] =	vst v9;
	v9 =	vadd.s32 v4, v36;
	v36 =	vand.u32 $0x7FFFFFFF, v37  }
0xac: {  	v31 =	vand.u32 $0xFFFFFF80, v31;
	[tilespmem:v34+s13+$0x0] =	vst.idx.add.s32.msk $0xffff, v5;
	v13 =	vxor.u32 v13, v36;
	v34 =	vshra.s32 v14, $0x1F  }
0xad: {  	[tilespmem:s18+$0xFFFFFFA0] =	vst v10;
	v10 =	vadd.s32 v4, v31;
	v31 =	vshra.s32 v13, $0x11;
	v34 =	vand.u32 $0x7FFFFFFF, v34  }
0xae: {  	[tilespmem:v35+s13+$0x0] =	vst.idx.add.s32.msk $0xffff, v5;
	v31 =	vand.u32 $0xFFFFFF80, v31;
	v14 =	vxor.u32 v14, v34;
	v34 =	vshra.s32 v15, $0x1F  }
0xaf: {  	[tilespmem:s18+$0xFFFFFFB0] =	vst v12;
	v12 =	vadd.s32 v4, v31;
	v31 =	vshra.s32 v14, $0x11;
	v34 =	vand.u32 $0x7FFFFFFF, v34  }
0xb0: {  	[tilespmem:v9+s13+$0x0] =	vst.idx.add.s32.msk $0xffff, v5;
	v9 =	vand.u32 $0xFFFFFF80, v31;
	v15 =	vxor.u32 v15, v34;
	v31 =	vshra.s32 v16, $0x1F  }
0xb1: {  	[tilespmem:s18+$0xFFFFFFC0] =	vst v11;
	v9 =	vadd.s32 v4, v9;
	v11 =	vshra.s32 v15, $0x11;
	v31 =	vand.u32 $0x7FFFFFFF, v31  }
0xb2: {  	[tilespmem:v10+s13+$0x0] =	vst.idx.add.s32.msk $0xffff, v5;
	v10 =	vand.u32 $0xFFFFFF80, v11;
	v11 =	vxor.u32 v16, v31;
	v16 =	vshra.s32 v17, $0x1F  }
0xb3: {  	[tilespmem:s18+$0xFFFFFFD0] =	vst v13;
	v10 =	vadd.s32 v4, v10;
	v13 =	vshra.s32 v11, $0x11;
	v16 =	vand.u32 $0x7FFFFFFF, v16  }
0xb4: {  	[tilespmem:v12+s13+$0x0] =	vst.idx.add.s32.msk $0xffff, v5;
	v12 =	vand.u32 $0xFFFFFF80, v13;
	v13 =	vxor.u32 v17, v16;
	v16 =	vshra.s32 v25, $0x1F  }
0xb5: {  	v31 =	vld.idx.msk [tilespmem:v27+s3+$0x0], $0xffff;
	[tilespmem:s18+$0xFFFFFFE0] =	vst v14;
	v12 =	vadd.s32 v4, v12;
	v14 =	vshra.s32 v13, $0x11;
	v16 =	vand.u32 $0x7FFFFFFF, v16  }
0xb6: {  	v17 =	vshra.s32 v24, $0x1F;
	[tilespmem:v9+s13+$0x0] =	vst.idx.add.s32.msk $0xffff, v5;
	v14 =	vand.u32 $0xFFFFFF80, v14;
	v16 =	vxor.u32 v25, v16  }
0xb7: {  	v17 =	vand.u32 $0x7FFFFFFF, v17;
	v9 =	vld.idx.msk [tilespmem:v33+s3+$0x0], $0xffff;
	[tilespmem:s18+$0xFFFFFFF0] =	vst v15;
	v14 =	vadd.s32 v4, v14;
	v15 =	vshra.s32 v16, $0x11  }
0xb8: {  	v17 =	vxor.u32 v24, v17;
	v24 =	vshra.s32 v21, $0x1F;
	[tilespmem:v10+s13+$0x0] =	vst.idx.add.s32.msk $0xffff, v5;
	v15 =	vand.u32 $0xFFFFFF80, v15  }
0xb9: {  	v24 =	vand.u32 $0x7FFFFFFF, v24;
	v10 =	vld.idx.msk [tilespmem:v32+s3+$0x0], $0xffff;
	[tilespmem:s18+$0x0] =	vst v11;
	v15 =	vadd.s32 v4, v15;
	v11 =	vshra.s32 v17, $0x11  }
0xba: {  	v21 =	vxor.u32 v21, v24;
	v24 =	vshra.s32 v20, $0x1F;
	[tilespmem:v12+s13+$0x0] =	vst.idx.add.s32.msk $0xffff, v5;
	v11 =	vand.u32 $0xFFFFFF80, v11  }
0xbb: {  	v12 =	vld.idx.msk [tilespmem:v30+s3+$0x0], $0xffff;
	[tilespmem:s18+$0x10] =	vst v13;
	v25 =	vadd.s32 v4, v11;
	v11 =	vshra.s32 v21, $0x11;
	v13 =	vand.u32 $0x7FFFFFFF, v24  }
0xbc: {  	[tilespmem:v14+s13+$0x0] =	vst.idx.add.s32.msk $0xffff, v5;
	v14 =	vand.u32 $0xFFFFFF80, v11;
	v20 =	vxor.u32 v20, v13;
	v13 =	vshra.s32 v19, $0x1F  }
0xbd: {  	v11 =	vld.idx.msk [tilespmem:v29+s3+$0x0], $0xffff;
	[tilespmem:s18+$0x20] =	vst v16;
	v16 =	vadd.s32 v4, v14;
	v14 =	vshra.s32 v20, $0x11;
	v13 =	vand.u32 $0x7FFFFFFF, v13  }
0xbe: {  	v24 =	vshra.s32 v8, $0x1F;
	[tilespmem:v15+s13+$0x0] =	vst.idx.add.s32.msk $0xffff, v5;
	v14 =	vand.u32 $0xFFFFFF80, v14;
	v27 =	vxor.u32 v19, v13  }
0xbf: {  	v15 =	vand.u32 $0x7FFFFFFF, v24;
	v13 =	vld.idx.msk [tilespmem:v28+s3+$0x0], $0xffff;
	[tilespmem:s18+$0x30] =	vst v17;
	v17 =	vadd.s32 v4, v14;
	v14 =	vshra.s32 v27, $0x11  }
0xc0: {  	v19 =	vor.u32 v6, v23;
	v24 =	vxor.u32 v8, v15;
	[tilespmem:v25+s13+$0x0] =	vst.idx.add.s32.msk $0xffff, v5;
	v23 =	vand.u32 $0xFFFFFF80, v14  }
0xc1: {  	s20 =	sadd.s32 $0xA, s19;
	v15 =	vand.u32 $0x7FF, v18;
	v8 =	vmovc v31;
	v18 =	vshra.s32 v24, $0x11;
	v14 =	vld.idx.msk [tilespmem:v26+s3+$0x0], $0xffff;
	[tilespmem:s18+$0x40] =	vst v21;
	v21 =	vadd.s32 v4, v23  }
0xc2: {  	v25 =	vadd.s32 s20, v0;
	s20 =	sadd.s32 $0xB, s19;
	v23 =	vor.u32 v6, v15;
	v18 =	vand.u32 $0xFFFFFF80, v18;
	[tilespmem:v16+s13+$0x0] =	vst.idx.add.s32.msk $0xffff, v5  }
0xc3: {  	v16 =	vand.u32 $0x7FF, v25;
	v25 =	vadd.s32 v4, v18;
	v15 =	vld.idx.msk [tilespmem:v22+s3+$0x0], $0xffff;
	v22 =	vadd.s32 s20, v0;
	s20 =	sadd.s32 $0xC, s19;
	[tilespmem:s18+$0x50] =	vst v20  }
.Ltmp5:
0xc4: {  	v18 =	vor.u32 v6, v16;
	v20 =	vand.u32 $0x7FF, v22;
	v22 =	vadd.s32 s20, v0;
	s20 =	sadd.s32 $0xD, s19;
	[tilespmem:v17+s13+$0x0] =	vst.idx.add.s32.msk $0xffff, v5;
	(pc) =	sbr.rel @p0 .LBB2_6-.Ltmp5, $4  }
0xc5: {  	v16 =	vld.idx.msk [tilespmem:v19+s3+$0x0], $0xffff;
	v19 =	vor.u32 v6, v20;
	v17 =	vand.u32 $0x7FF, v22;
	v22 =	vadd.s32 s20, v0;
	s20 =	sadd.s32 $0xE, s19;
	[tilespmem:s18+$0x60] =	vst v27  }
0xc6: {  	v20 =	vor.u32 v6, v17;
	v22 =	vand.u32 $0x7FF, v22;
	v26 =	vadd.s32 s20, v0;
	[tilespmem:v21+s13+$0x0] =	vst.idx.add.s32.msk $0xffff, v5  }
0xc7: {  	v17 =	vld.idx.msk [tilespmem:v23+s3+$0x0], $0xffff;
	v23 =	vor.u32 v6, v22;
	v21 =	vand.u32 $0x7FF, v26;
	[tilespmem:s18+$0xFFFFFF80] =	vst v24  }
0xc8: {  	s20 =	sadd.s32 $0xF, s19;
	s19 =	sadd.s32 $0x10, s19;
	v22 =	vor.u32 v6, v21;
	[tilespmem:v25+s13+$0x0] =	vst.idx.add.s32.msk $0xffff, v5  }
0xc9: {  	_ =	sdelay $0x3  }
0xca: {  	v24 =	vld.idx.msk [tilespmem:v18+s3+$0x0], $0xffff;
	v26 =	vmul.f32 v31, v8  }
0xcb: {  	v20 =	vld.idx.msk [tilespmem:v20+s3+$0x0], $0xffff;
	v33 =	vmul.f32 v9, v9  }
0xcc: {  	v34 =	vmul.f32 v10, v10;
	[tilespmem:s12+$0x0] =	vst.add.f32.msk $0xffff, v26  }
0xcd: {  	v35 =	vmul.f32 v12, v12;
	[tilespmem:s12+$0x0] =	vst.add.f32.msk $0xffff, v33  }
0xce: {  	v36 =	vmul.f32 v11, v11;
	[tilespmem:s12+$0x0] =	vst.add.f32.msk $0xffff, v34  }
0xcf: {  	v27 =	vmul.f32 v13, v13;
	[tilespmem:s12+$0x0] =	vst.add.f32.msk $0xffff, v35  }
0xd0: {  	v21 =	vadd.s32 s20, v0;
	v37 =	vmul.f32 v14, v14;
	v28 =	vmul.f32 v15, v15;
	[tilespmem:s12+$0x0] =	vst.add.f32.msk $0xffff, v36  }
0xd1: {  	v43 =	vshra.s32 v9, $0x1F;
	v44 =	vshra.s32 v10, $0x1F;
	v46 =	vshra.s32 v12, $0x1F;
	[tilespmem:s12+$0x0] =	vst.add.f32.msk $0xffff, v27  }
0xd2: {  	v50 =	vshra.s32 v11, $0x1F;
	v52 =	vshra.s32 v13, $0x1F;
	v38 =	vmul.f32 v16, v16;
	[tilespmem:s12+$0x0] =	vst.add.f32.msk $0xffff, v37  }
0xd3: {  	v56 =	vshra.s32 v14, $0x1F;
	v60 =	vshra.s32 v15, $0x1F;
	v54 =	vand.u32 $0x7FFFFFFF, v52;
	[tilespmem:s12+$0x0] =	vst.add.f32.msk $0xffff, v28  }
0xd4: {  	s18 =	sadd.s32 $0x100, s18;
	v18 =	vand.u32 $0x7FF, v21;
	v27 =	vand.u32 $0x7FFFFFFF, v43;
	v13 =	vxor.u32 v13, v54;
	[tilespmem:s12+$0x0] =	vst.add.f32.msk $0xffff, v38  }
0xd5: {  	v21 =	vld.idx.msk [tilespmem:v19+s3+$0x0], $0xffff;
	v63 =	vshra.s32 v16, $0x1F;
	v28 =	vand.u32 $0x7FFFFFFF, v44;
	v9 =	vxor.u32 v9, v27;
	[tilespmem:s18+$0xFFFFFFD0] =	vst v13  }
0xd6: {  	v25 =	vor.u32 v6, v18;
	v29 =	vmul.f32 v17, v17;
	v10 =	vxor.u32 v10, v28;
	[tilespmem:s18+$0xFFFFFF90] =	vst v9  }
0xd7: {  	v19 =	vld.idx.msk [tilespmem:v23+s3+$0x0], $0xffff;
	v27 =	vand.u32 $0x7FFFFFFF, v46;
	v58 =	vshra.s32 v13, $0x11;
	v47 =	vshra.s32 v9, $0x11;
	[tilespmem:s18+$0xFFFFFFA0] =	vst v10  }
0xd8: {  	v28 =	vshra.s32 v10, $0x11;
	v12 =	vxor.u32 v12, v27;
	v27 =	vand.u32 $0x7FFFFFFF, v50;
	[tilespmem:s12+$0x0] =	vst.add.f32.msk $0xffff, v29  }
0xd9: {  	v18 =	vld.idx.msk [tilespmem:v22+s3+$0x0], $0xffff;
	v59 =	vand.u32 $0xFFFFFF80, v58;
	v10 =	vand.u32 $0x7FFFFFFF, v60;
	v11 =	vxor.u32 v11, v27;
	[tilespmem:s18+$0xFFFFFFB0] =	vst v12  }
0xda: {  	v39 =	vmul.f32 v24, v24;
	v41 =	vmul.f32 v20, v20;
	v10 =	vxor.u32 v15, v10;
	[tilespmem:s18+$0xFFFFFFC0] =	vst v11  }
0xdb: {  	v28 =	vand.u32 $0xFFFFFF80, v28;
	v51 =	vshra.s32 v12, $0x11;
	v27 =	vand.u32 $0x7FFFFFFF, v56;
	[tilespmem:s18+$0xFFFFFFF0] =	vst v10  }
0xdc: {  	v22 =	vadd.s32 v4, v59;
	v30 =	vmul.f32 v21, v21;
	v32 =	vmul.f32 v19, v19;
	[tilespmem:s12+$0x0] =	vst.add.f32.msk $0xffff, v39  }
0xdd: {  	v28 =	vadd.s32 v4, v28;
	v29 =	vand.u32 $0xFFFFFF80, v51;
	v14 =	vxor.u32 v14, v27;
	[tilespmem:s12+$0x0] =	vst.add.f32.msk $0xffff, v41  }
0xde: {  	v55 =	vshra.s32 v11, $0x11;
	v12 =	vshra.s32 v10, $0x11;
	v25 =	vld.idx.msk [tilespmem:v25+s3+$0x0], $0xffff;
	v33 =	vmul.f32 v18, v18;
	[tilespmem:s18+$0xFFFFFFE0] =	vst v14  }
0xdf: {  	v53 =	vadd.s32 v4, v29;
	v57 =	vand.u32 $0xFFFFFF80, v55;
	v61 =	vshra.s32 v14, $0x11;
	[tilespmem:s12+$0x0] =	vst.add.f32.msk $0xffff, v30  }
0xe0: {  	v29 =	vand.u32 $0x7FFFFFFF, v63;
	v12 =	vand.u32 $0xFFFFFF80, v12;
	[tilespmem:s12+$0x0] =	vst.add.f32.msk $0xffff, v32;
	v9 =	vadd.s32 v4, v57  }
0xe1: {  	s26 =	simm.s32 $0x78D;
	s28 =	simm.s32 $0x78E;
	v62 =	vand.u32 $0xFFFFFF80, v61;
	v16 =	vxor.u32 v16, v29;
	v11 =	vadd.s32 v4, v12;
	[tilespmem:s12+$0x0] =	vst.add.f32.msk $0xffff, v33  }
0xe2: {  	v36 =	vadd.s32 s26, v0;
	v37 =	vadd.s32 s28, v0;
	v15 =	vadd.s32 v4, v62;
	[tilespmem:s18+$0x0] =	vst v16  }
0xe3: {  	v38 =	vand.u32 $0x7FF, v37;
	v49 =	vand.u32 $0xFFFFFF80, v47;
	v34 =	vshra.s32 v20, $0x1F;
	[tilespmem:v22+s13+$0x0] =	vst.idx.add.s32.msk $0xffff, v5  }
0xe4: {  	v30 =	vshra.s32 v17, $0x1F;
	v32 =	vshra.s32 v21, $0x1F;
	[tilespmem:v28+s13+$0x0] =	vst.idx.add.s32.msk $0xffff, v5;
	v40 =	vshra.s32 v25, $0x1F  }
0xe5: {  	v31 =	vshra.s32 v16, $0x11;
	v33 =	vand.u32 $0x7FFFFFFF, v32;
	v42 =	vand.u32 $0x7FFFFFFF, v40;
	[tilespmem:v9+s13+$0x0] =	vst.idx.add.s32.msk $0xffff, v5  }
0xe6: {  	v12 =	vand.u32 $0xFFFFFF80, v31;
	[tilespmem:v11+s13+$0x0] =	vst.idx.add.s32.msk $0xffff, v5;
	v23 =	vxor.u32 v25, v42;
	v25 =	vmul.f32 v25, v25  }
0xe7: {  	v21 =	vxor.u32 v21, v33;
	v12 =	vadd.s32 v4, v12;
	v9 =	vshra.s32 v24, $0x1F;
	[tilespmem:v15+s13+$0x0] =	vst.idx.add.s32.msk $0xffff, v5  }
0xe8: {  	v22 =	vand.u32 $0x7FFFFFFF, v34;
	v11 =	vshra.s32 v19, $0x1F;
	v9 =	vand.u32 $0x7FFFFFFF, v9;
	[tilespmem:s12+$0x0] =	vst.add.f32.msk $0xffff, v25  }
0xe9: {  	v15 =	vshra.s32 v21, $0x11;
	v45 =	vshra.s32 v23, $0x11;
	[tilespmem:s18+$0x70] =	vst v23;
	v23 =	vand.u32 $0x7FFFFFFF, v30  }
0xea: {  	[tilespmem:s18+$0x30] =	vst v21;
	v11 =	vand.u32 $0x7FFFFFFF, v11;
	v9 =	vxor.u32 v24, v9;
	v17 =	vxor.u32 v17, v23  }
0xeb: {  	[tilespmem:v53+s13+$0x0] =	vst.idx.add.s32.msk $0xffff, v5;
	v11 =	vxor.u32 v19, v11;
	v19 =	vshra.s32 v8, $0x1F;
	v23 =	vshra.s32 v17, $0x11  }
0xec: {  	v26 =	vand.u32 $0xFFFFFF80, v45;
	v14 =	vshra.s32 v9, $0x11;
	[tilespmem:v12+s13+$0x0] =	vst.idx.add.s32.msk $0xffff, v5;
	v13 =	vand.u32 $0xFFFFFF80, v23  }
0xed: {  	[tilespmem:s18+$0x20] =	vst v9;
	v48 =	vadd.s32 v4, v26;
	v14 =	vand.u32 $0xFFFFFF80, v14;
	v13 =	vadd.s32 v4, v13  }
0xee: {  	[tilespmem:s18+$0x50] =	vst v11;
	v10 =	vadd.s32 v4, v14;
	v14 =	vand.u32 $0xFFFFFF80, v15;
	v15 =	vxor.u32 v20, v22  }
0xef: {  	v14 =	vadd.s32 v4, v14;
	v20 =	vshra.s32 v15, $0x11;
	[tilespmem:s18+$0x10] =	vst v17;
	v17 =	vand.u32 $0x7FFFFFFF, v19  }
0xf0: {  	s31 =	simm.s32 $0x785;
	[tilespmem:s18+$0x40] =	vst v15;
	v16 =	vand.u32 $0xFFFFFF80, v20;
	v20 =	vshra.s32 v18, $0x1F;
	v8 =	vxor.u32 v8, v17  }
0xf1: {  	v26 =	vadd.s32 v4, v49;
	v19 =	vadd.s32 s31, v0;
	v12 =	vand.u32 $0x7FFFFFFF, v20;
	[tilespmem:s18+$0xFFFFFF80] =	vst v8  }
0xf2: {  	v16 =	vadd.s32 v4, v16;
	v12 =	vxor.u32 v18, v12;
	[tilespmem:v13+s13+$0x0] =	vst.idx.add.s32.msk $0xffff, v5;
	v13 =	vshra.s32 v11, $0x11  }
0xf3: {  	s21 =	simm.s32 $0x786;
	v17 =	vshra.s32 v8, $0x11;
	[tilespmem:v48+s13+$0x0] =	vst.idx.add.s32.msk $0xffff, v5;
	v18 =	vshra.s32 v12, $0x11;
	v9 =	vand.u32 $0xFFFFFF80, v13  }
0xf4: {  	s30 =	simm.s32 $0x784;
	v20 =	vadd.s32 s21, v0;
	[tilespmem:v10+s13+$0x0] =	vst.idx.add.s32.msk $0xffff, v5;
	v13 =	vand.u32 $0xFFFFFF80, v18;
	v9 =	vadd.s32 v4, v9  }
0xf5: {  	[tilespmem:v14+s13+$0x0] =	vst.idx.add.s32.msk $0xffff, v5;
	v14 =	vadd.s32 s30, v0;
	v10 =	vadd.s32 v4, v13;
	v13 =	vand.u32 $0xFFFFFF80, v17  }
0xf6: {  	s22 =	simm.s32 $0x78A;
	[tilespmem:v26+s13+$0x0] =	vst.idx.add.s32.msk $0xffff, v5;
	v15 =	vand.u32 $0x7FF, v20;
	v11 =	vand.u32 $0x7FF, v14;
	v13 =	vadd.s32 v4, v13  }
0xf7: {  	s25 =	simm.s32 $0x78C;
	[tilespmem:v16+s13+$0x0] =	vst.idx.add.s32.msk $0xffff, v5;
	v16 =	vand.u32 $0x7FF, v19;
	v19 =	vadd.s32 s22, v0;
	v11 =	vor.u32 v6, v11  }
0xf8: {  	v15 =	vor.u32 v6, v15;
	[tilespmem:s18+$0x60] =	vst v12;
	v12 =	vadd.s32 s25, v0;
	v14 =	vand.u32 $0x7FF, v19  }
0xf9: {  	s20 =	simm.s32 $0x787;
	v39 =	vor.u32 v6, v38;
	s31 =	simm.s32 $0x780;
	v12 =	vand.u32 $0x7FF, v12;
	v14 =	vor.u32 v6, v14;
	[tilespmem:v9+s13+$0x0] =	vst.idx.add.s32.msk $0xffff, v5  }
0xfa: {  	s23 =	simm.s32 $0x78B;
	v43 =	vor.u32 s31, v7;
	v20 =	vadd.s32 s20, v0;
	v40 =	vor.u32 v6, v12;
	[tilespmem:v10+s13+$0x0] =	vst.idx.add.s32.msk $0xffff, v5  }
0xfb: {  	s21 =	simm.s32 $0x788;
	v19 =	vadd.s32 s23, v0;
	v10 =	vand.u32 $0x7FF, v20;
	v20 =	vand.u32 $0x7FF, v36;
	[tilespmem:v13+s13+$0x0] =	vst.idx.add.s32.msk $0xffff, v5  }
0xfc: {  	s29 =	simm.s32 $0x782;
	v35 =	vadd.s32 s21, v0;
	v13 =	vand.u32 $0x7FF, v19;
	v19 =	vor.u32 v6, v20;
	v20 =	vld.idx.msk [tilespmem:v11+s3+$0x0], $0xffff  }
0xfd: {  	s19 =	simm.s32 $0x781;
	v18 =	vadd.s32 s29, v0;
	s29 =	simm.s32 $0x789;
	v16 =	vor.u32 v6, v16;
	v8 =	vor.u32 v6, v10;
	v15 =	vld.idx.msk [tilespmem:v15+s3+$0x0], $0xffff  }
0xfe: {  	s24 =	simm.s32 $0x783;
	v17 =	vadd.s32 s19, v0;
	v12 =	vadd.s32 s29, v0;
	v18 =	vand.u32 $0x7FF, v18;
	v14 =	vld.idx.msk [tilespmem:v14+s3+$0x0], $0xffff  }
0xff: {  	s30 =	simm.s32 $0x78F;
	v12 =	vand.u32 $0x7FF, v12;
	v9 =	vadd.s32 s24, v0;
	v10 =	vand.u32 $0x7FF, v35;
	v22 =	vld.idx.msk [tilespmem:v40+s3+$0x0], $0xffff  }
0x100: {  	v10 =	vor.u32 v6, v10;
	v11 =	vand.u32 $0x7FF, v17;
	v17 =	vadd.s32 s30, v0;
	v21 =	vld.idx.msk [tilespmem:v39+s3+$0x0], $0xffff  }
0x101: {  	v18 =	vor.u32 v6, v18;
	v9 =	vand.u32 $0x7FF, v9;
	v25 =	vld.idx.msk [tilespmem:v43+s3+$0x0], $0xffff;
	v17 =	vand.u32 $0x7FF, v17  }
0x102: {  	v13 =	vor.u32 v6, v13;
	v41 =	vor.u32 v6, v11;
	v17 =	vor.u32 v6, v17;
	v11 =	vld.idx.msk [tilespmem:v8+s3+$0x0], $0xffff  }
0x103: {  	v8 =	vor.u32 v6, v12;
	v12 =	vld.idx.msk [tilespmem:v19+s3+$0x0], $0xffff;
	v19 =	vor.u32 v6, v9;
	v42 =	vmul.f32 v20, v20  }
0x104: {  	v9 =	vshra.s32 v20, $0x1F;
	v44 =	vshra.s32 v15, $0x1F;
	v46 =	vmul.f32 v15, v15  }
0x105: {  	v45 =	vld.idx.msk [tilespmem:v10+s3+$0x0], $0xffff;
	v10 =	vshra.s32 v14, $0x1F;
	v49 =	vshra.s32 v22, $0x1F;
	v50 =	vmul.f32 v21, v21  }
0x106: {  	v51 =	vshra.s32 v21, $0x1F;
	v36 =	vmul.f32 v25, v25;
	v55 =	vshra.s32 v25, $0x1F  }
0x107: {  	v9 =	vand.u32 $0x7F000000, v9;
	v26 =	vand.u32 $0x7F000000, v44;
	v10 =	vand.u32 $0x7F000000, v10  }
0x108: {  	v32 =	vand.u32 $0x7F000000, v51;
	v30 =	vand.u32 $0x7F000000, v49;
	v20 =	vxor.u32 v20, v9  }
0x109: {  	v13 =	vld.idx.msk [tilespmem:v13+s3+$0x0], $0xffff;
	v10 =	vxor.u32 v14, v10;
	v14 =	vmul.f32 v14, v14;
	v30 =	vxor.u32 v22, v30  }
0x10a: {  	v18 =	vld.idx.msk [tilespmem:v18+s3+$0x0], $0xffff;
	v15 =	vxor.u32 v15, v26;
	v26 =	vand.u32 $0x7F000000, v55;
	v22 =	vmul.f32 v22, v22  }
0x10b: {  	v17 =	vld.idx.msk [tilespmem:v17+s3+$0x0], $0xffff;
	v52 =	vshra.s32 v10, $0x11;
	v20 =	vshra.s32 v20, $0x11;
	v15 =	vshra.s32 v15, $0x11  }
0x10c: {  	v9 =	vld.idx.msk [tilespmem:v16+s3+$0x0], $0xffff;
	v47 =	vshra.s32 v11, $0x1F;
	v48 =	vshra.s32 v12, $0x1F;
	v20 =	vand.u32 $0xFFFFFF80, v20  }
0x10d: {  	v15 =	vand.u32 $0xFFFFFF80, v15;
	[tilespmem:s12+$0x0] =	vst.add.f32.msk $0xffff, v14;
	v14 =	vxor.u32 v25, v26;
	v16 =	vand.u32 $0x7F000000, v47  }
0x10e: {  	v29 =	vand.u32 $0x7F000000, v48;
	v34 =	vmul.f32 v45, v45;
	v37 =	vshra.s32 v13, $0x1F  }
0x10f: {  	v15 =	vadd.s32 v4, v15;
	v14 =	vshra.s32 v14, $0x11;
	v20 =	vadd.s32 v4, v20  }
0x110: {  	v19 =	vld.idx.msk [tilespmem:v19+s3+$0x0], $0xffff;
	v58 =	vshra.s32 v45, $0x1F;
	v16 =	vxor.u32 v11, v16;
	v56 =	vand.u32 $0x7F000000, v37  }
0x111: {  	v8 =	vld.idx.msk [tilespmem:v8+s3+$0x0], $0xffff;
	v59 =	vand.u32 $0xFFFFFF80, v14;
	v14 =	vshra.s32 v18, $0x1F;
	v16 =	vshra.s32 v16, $0x11  }
0x112: {  	v53 =	vshra.s32 v9, $0x1F;
	v38 =	vshra.s32 v17, $0x1F;
	v28 =	vxor.u32 v13, v56  }
0x113: {  	v23 =	vld.idx.msk [tilespmem:v41+s3+$0x0], $0xffff;
	v13 =	vmul.f32 v13, v13;
	v14 =	vand.u32 $0x7F000000, v14;
	v16 =	vand.u32 $0xFFFFFF80, v16  }
0x114: {  	[tilespmem:s12+$0x0] =	vst.add.f32.msk $0xffff, v46;
	v28 =	vshra.s32 v28, $0x11;
	v14 =	vxor.u32 v18, v14;
	v10 =	vadd.s32 v4, v16  }
0x115: {  	[tilespmem:s12+$0x0] =	vst.add.f32.msk $0xffff, v42;
	v16 =	vxor.u32 v21, v32;
	v54 =	vshra.s32 v19, $0x1F;
	v35 =	vmul.f32 v19, v19  }
0x116: {  	v57 =	vand.u32 $0xFFFFFF80, v28;
	[tilespmem:s12+$0x0] =	vst.add.f32.msk $0xffff, v13;
	v13 =	vand.u32 $0x7F000000, v58;
	v60 =	vshra.s32 v8, $0x1F  }
0x117: {  	[tilespmem:s12+$0x0] =	vst.add.f32.msk $0xffff, v36;
	v16 =	vshra.s32 v16, $0x11;
	v13 =	vxor.u32 v45, v13;
	v25 =	vand.u32 $0x7F000000, v60  }
0x118: {  	[tilespmem:s12+$0x0] =	vst.add.f32.msk $0xffff, v50;
	v61 =	vand.u32 $0x7F000000, v54;
	v16 =	vand.u32 $0xFFFFFF80, v16;
	v13 =	vshra.s32 v13, $0x11  }
0x119: {  	[tilespmem:s12+$0x0] =	vst.add.f32.msk $0xffff, v22;
	v25 =	vxor.u32 v8, v25;
	v16 =	vadd.s32 v4, v16;
	v13 =	vand.u32 $0xFFFFFF80, v13  }
0x11a: {  	[tilespmem:s12+$0x0] =	vst.add.f32.msk $0xffff, v34;
	v19 =	vxor.u32 v19, v61;
	v25 =	vshra.s32 v25, $0x11;
	v13 =	vadd.s32 v4, v13  }
0x11b: {  	[tilespmem:v15+s13+$0x0] =	vst.idx.add.s32.msk $0xffff, v5;
	v8 =	vmul.f32 v8, v8;
	v15 =	vshra.s32 v19, $0x11;
	v19 =	vand.u32 $0xFFFFFF80, v25  }
0x11c: {  	v14 =	vshra.s32 v14, $0x11;
	v24 =	vadd.s32 v4, v57;
	[tilespmem:v20+s13+$0x0] =	vst.idx.add.s32.msk $0xffff, v5;
	v19 =	vadd.s32 v4, v19  }
0x11d: {  	v20 =	vshra.s32 v23, $0x1F;
	v14 =	vand.u32 $0xFFFFFF80, v14;
	v15 =	vand.u32 $0xFFFFFF80, v15;
	[tilespmem:s12+$0x0] =	vst.add.f32.msk $0xffff, v8  }
0x11e: {  	v8 =	vand.u32 $0xFFFFFF80, v52;
	v15 =	vadd.s32 v4, v15;
	[tilespmem:v16+s13+$0x0] =	vst.idx.add.s32.msk $0xffff, v5;
	v16 =	vand.u32 $0x7F000000, v20  }
0x11f: {  	v20 =	vadd.s32 v4, v14;
	v14 =	vxor.u32 v23, v16;
	[tilespmem:v13+s13+$0x0] =	vst.idx.add.s32.msk $0xffff, v5;
	v13 =	vand.u32 $0x7F000000, v38  }
0x120: {  	[tilespmem:s12+$0x0] =	vst.add.f32.msk $0xffff, v35;
	v16 =	vmul.f32 v18, v18;
	v18 =	vadd.s32 v4, v8;
	v13 =	vxor.u32 v17, v13  }
0x121: {  	v14 =	vshra.s32 v14, $0x11;
	[tilespmem:v19+s13+$0x0] =	vst.idx.add.s32.msk $0xffff, v5;
	v17 =	vmul.f32 v17, v17;
	v19 =	vmul.f32 v12, v12  }
0x122: {  	p0 =	por $0x1, $0x1;
	[tilespmem:v24+s13+$0x0] =	vst.idx.add.s32.msk $0xffff, v5;
	v14 =	vand.u32 $0xFFFFFF80, v14;
	v8 =	vshra.s32 v13, $0x11;
	v13 =	vshra.s32 v30, $0x11  }
.Ltmp6:
0x123: {  	[tilespmem:s12+$0x0] =	vst.add.f32.msk $0xffff, v16;
	v16 =	vmul.f32 v23, v23;
	v14 =	vadd.s32 v4, v14;
	v8 =	vand.u32 $0xFFFFFF80, v8;
	(pc) =	sbr.rel @!p0 .LBB2_9-.Ltmp6, $4  }
0x124: {  	[tilespmem:v15+s13+$0x0] =	vst.idx.add.s32.msk $0xffff, v5;
	v62 =	vand.u32 $0xFFFFFF80, v13;
	v13 =	vmul.f32 v11, v11;
	v11 =	vxor.u32 v12, v29  }
0x125: {  	v12 =	vadd.s32 v4, v59;
	[tilespmem:v20+s13+$0x0] =	vst.idx.add.s32.msk $0xffff, v5;
	v20 =	vand.u32 $0x7F000000, v53;
	v15 =	vadd.s32 v4, v8  }
0x126: {  	[tilespmem:s12+$0x0] =	vst.add.f32.msk $0xffff, v19;
	v8 =	vimm.s32 $0x0;
	v63 =	vshra.s32 v11, $0x11;
	v20 =	vxor.u32 v9, v20  }
0x127: {  	s18 =	simm.s32 $0x17A00;
	s22 =	simm.s32 $0x790;
	s19 =	simm.s32 $0xFFFFFFF8;
	v11 =	vadd.s32 v4, v62;
	[tilespmem:v18+s13+$0x0] =	vst.idx.add.s32.msk $0xffff, v5;
	v19 =	vand.u32 $0xFFFFFF80, v63;
	v18 =	vshra.s32 v20, $0x11  }
.LBB2_8:
0x128: {  	s20 =	sadd.s32 $0x1, s22  }
0x129: {  	s23 =	sadd.s32 $0x2, s22;
	s24 =	sadd.s32 $0x3, s22;
	v9 =	vmul.f32 v9, v9;
	v18 =	vand.u32 $0xFFFFFF80, v18;
	v19 =	vadd.s32 v4, v19;
	[tilespmem:s12+$0x0] =	vst.add.f32.msk $0xffff, v17;
	s21 =	smov.u32 s22  }
0x12a: {  	s25 =	sadd.s32 $0x6, s22;
	v17 =	vadd.s32 s20, v0;
	v20 =	vadd.s32 s23, v0;
	s20 =	sadd.s32 $0x4, s22;
	s23 =	sadd.s32 $0x5, s22;
	v18 =	vadd.s32 v4, v18;
	[tilespmem:s12+$0x0] =	vst.add.f32.msk $0xffff, v13  }
0x12b: {  	v22 =	vadd.s32 s25, v0;
	s25 =	sadd.s32 $0x8, s21;
	v13 =	vadd.s32 s20, v0;
	v21 =	vadd.s32 s23, v0;
	s23 =	sadd.s32 $0x7, s21;
	s20 =	sadd.s32 $0x10, s22;
	[tilespmem:s12+$0x0] =	vst.add.f32.msk $0xffff, v9  }
0x12c: {  	p0 =	slt.u32 s22, $0x7F0;
	v9 =	vand.u32 $0x7FF, v22;
	v23 =	vadd.s32 s25, v0;
	s25 =	sadd.s32 $0xB, s21;
	v22 =	vadd.s32 s23, v0;
	s23 =	sadd.s32 $0xA, s21;
	[tilespmem:v10+s13+$0x0] =	vst.idx.add.s32.msk $0xffff, v5  }
0x12d: {  	v10 =	vand.u32 $0x7FF, v21;
	v9 =	vor.u32 v6, v9;
	v21 =	vadd.s32 s23, v0;
	[tilespmem:v12+s13+$0x0] =	vst.idx.add.s32.msk $0xffff, v5  }
0x12e: {  	v12 =	vand.u32 $0x7FF, v13;
	v13 =	vand.u32 $0x7FF, v21;
	v21 =	vadd.s32 s25, v0;
	[tilespmem:s12+$0x0] =	vst.add.f32.msk $0xffff, v16  }
0x12f: {  	s22 =	sadd.s32 $0xC, s21;
	s23 =	sadd.s32 $0xD, s21;
	v16 =	vadd.s32 s24, v0;
	v12 =	vor.u32 v6, v12;
	s24 =	sadd.s32 $0xE, s21;
	v13 =	vor.u32 v6, v13;
	[tilespmem:v15+s13+$0x0] =	vst.idx.add.s32.msk $0xffff, v5  }
0x130: {  	v24 =	vadd.s32 s23, v0;
	v15 =	vadd.s32 s22, v0;
	v25 =	vadd.s32 s24, v0;
	[tilespmem:v11+s13+$0x0] =	vst.idx.add.s32.msk $0xffff, v5  }
0x131: {  	v11 =	vand.u32 $0x7FF, v22;
	v22 =	vand.u32 $0x7FF, v24;
	v24 =	vand.u32 $0x7FF, v25;
	[tilespmem:v18+s13+$0x0] =	vst.idx.add.s32.msk $0xffff, v5  }
0x132: {  	v11 =	vor.u32 v6, v11;
	v18 =	vand.u32 $0x7FF, v23;
	v23 =	vor.u32 v6, v24;
	[tilespmem:v14+s13+$0x0] =	vst.idx.add.s32.msk $0xffff, v5  }
0x133: {  	v15 =	vand.u32 $0x7FF, v15;
	v14 =	vand.u32 $0x7FF, v21;
	v21 =	vor.u32 v6, v22;
	[tilespmem:v19+s13+$0x0] =	vst.idx.add.s32.msk $0xffff, v5  }
0x134: {  	s23 =	sadd.s32 $0xF, s21;
	s22 =	sadd.s32 $0x9, s21;
	v15 =	vor.u32 v6, v15;
	v18 =	vor.u32 v6, v18;
	v14 =	vor.u32 v6, v14;
	v19 =	vld.idx.msk [tilespmem:v12+s3+$0x0], $0xffff  }
0x135: {  	v22 =	vadd.s32 s23, v0;
	v12 =	vand.u32 $0x7FF, v17;
	v17 =	vld.idx.msk [tilespmem:v9+s3+$0x0], $0xffff;
	v9 =	vadd.s32 s22, v0  }
0x136: {  	v20 =	vand.u32 $0x7FF, v20;
	v9 =	vand.u32 $0x7FF, v9;
	v24 =	vld.idx.msk [tilespmem:v13+s3+$0x0], $0xffff;
	v13 =	vand.u32 $0x7FF, v22  }
0x137: {  	v22 =	vor.u32 v6, v12;
	v11 =	vld.idx.msk [tilespmem:v11+s3+$0x0], $0xffff;
	v25 =	vor.u32 v6, v9;
	v9 =	vor.u32 v6, v13  }
0x138: {  	v20 =	vor.u32 v6, v20;
	v10 =	vor.u32 v6, v10;
	v13 =	vand.u32 $0x7FF, v16;
	v12 =	vld.idx.msk [tilespmem:v21+s3+$0x0], $0xffff  }
0x139: {  	v16 =	vor.u32 v6, v13;
	v15 =	vld.idx.msk [tilespmem:v15+s3+$0x0], $0xffff  }
0x13a: {  	v21 =	vmul.f32 v19, v19;
	v13 =	vshra.s32 v19, $0x1F;
	v23 =	vld.idx.msk [tilespmem:v23+s3+$0x0], $0xffff  }
0x13b: {  	v26 =	vor.u32 s21, v7;
	v27 =	vand.u32 $0x7F000000, v13;
	v13 =	vshra.s32 v17, $0x1F;
	v18 =	vld.idx.msk [tilespmem:v18+s3+$0x0], $0xffff  }
0x13c: {  	v28 =	vmul.f32 v17, v17;
	v29 =	vand.u32 $0x7F000000, v13;
	v30 =	vshra.s32 v24, $0x1F;
	v13 =	vld.idx.msk [tilespmem:v9+s3+$0x0], $0xffff  }
0x13d: {  	v19 =	vxor.u32 v19, v27;
	v27 =	vand.u32 $0x7F000000, v30;
	v9 =	vld.idx.msk [tilespmem:v10+s3+$0x0], $0xffff;
	v10 =	vshra.s32 v11, $0x1F  }
0x13e: {  	v27 =	vxor.u32 v24, v27;
	v30 =	vshra.s32 v12, $0x1F;
	v16 =	vld.idx.msk [tilespmem:v16+s3+$0x0], $0xffff;
	v10 =	vand.u32 $0x7F000000, v10  }
0x13f: {  	v24 =	vmul.f32 v24, v24;
	v31 =	vshra.s32 v15, $0x1F;
	v10 =	vxor.u32 v11, v10;
	v14 =	vld.idx.msk [tilespmem:v14+s3+$0x0], $0xffff  }
0x140: {  	v32 =	vmul.f32 v23, v23;
	v33 =	vshra.s32 v23, $0x1F;
	v26 =	vld.idx.msk [tilespmem:v26+s3+$0x0], $0xffff;
	v10 =	vshra.s32 v10, $0x11  }
0x141: {  	v27 =	vshra.s32 v27, $0x11;
	[tilespmem:s12+$0x0] =	vst.add.f32.msk $0xffff, v28;
	v10 =	vand.u32 $0xFFFFFF80, v10;
	v28 =	vand.u32 $0x7F000000, v33  }
0x142: {  	[tilespmem:s12+$0x0] =	vst.add.f32.msk $0xffff, v21;
	v10 =	vadd.s32 v4, v10;
	v21 =	vand.u32 $0x7F000000, v30;
	v23 =	vxor.u32 v23, v28  }
0x143: {  	v28 =	vshra.s32 v9, $0x1F;
	[tilespmem:s12+$0x0] =	vst.add.f32.msk $0xffff, v24;
	v24 =	vand.u32 $0x7F000000, v31;
	v23 =	vshra.s32 v23, $0x11  }
0x144: {  	v30 =	vshra.s32 v16, $0x1F;
	v31 =	vmul.f32 v18, v18;
	v23 =	vand.u32 $0xFFFFFF80, v23  }
0x145: {  	v33 =	vmul.f32 v16, v16;
	v24 =	vxor.u32 v15, v24;
	v23 =	vadd.s32 v4, v23  }
0x146: {  	v35 =	vshra.s32 v13, $0x1F;
	v34 =	vmul.f32 v26, v26;
	[tilespmem:s12+$0x0] =	vst.add.f32.msk $0xffff, v31;
	v31 =	vshra.s32 v14, $0x1F  }
0x147: {  	v37 =	vmul.f32 v14, v14;
	v36 =	vshra.s32 v26, $0x1F;
	v25 =	vld.idx.msk [tilespmem:v25+s3+$0x0], $0xffff;
	v31 =	vand.u32 $0x7F000000, v31  }
0x148: {  	v19 =	vshra.s32 v19, $0x11;
	v17 =	vxor.u32 v17, v29;
	v20 =	vld.idx.msk [tilespmem:v20+s3+$0x0], $0xffff;
	v14 =	vxor.u32 v14, v31  }
0x149: {  	v17 =	vshra.s32 v17, $0x11;
	v29 =	vand.u32 $0x7F000000, v36;
	[tilespmem:s12+$0x0] =	vst.add.f32.msk $0xffff, v37;
	v14 =	vshra.s32 v14, $0x11  }
0x14a: {  	v19 =	vand.u32 $0xFFFFFF80, v19;
	v17 =	vand.u32 $0xFFFFFF80, v17;
	[tilespmem:s12+$0x0] =	vst.add.f32.msk $0xffff, v33;
	v14 =	vand.u32 $0xFFFFFF80, v14  }
0x14b: {  	v17 =	vadd.s32 v4, v17;
	v26 =	vxor.u32 v26, v29;
	[tilespmem:s12+$0x0] =	vst.add.f32.msk $0xffff, v34;
	v14 =	vadd.s32 v4, v14  }
0x14c: {  	v19 =	vadd.s32 v4, v19;
	v29 =	vshra.s32 v18, $0x1F;
	v26 =	vshra.s32 v26, $0x11  }
0x14d: {  	v15 =	vmul.f32 v15, v15;
	v29 =	vand.u32 $0x7F000000, v29;
	v26 =	vand.u32 $0xFFFFFF80, v26  }
0x14e: {  	v18 =	vxor.u32 v18, v29;
	v29 =	vshra.s32 v25, $0x1F;
	v31 =	vshra.s32 v20, $0x1F;
	v22 =	vld.idx.msk [tilespmem:v22+s3+$0x0], $0xffff  }
0x14f: {  	v18 =	vshra.s32 v18, $0x11;
	v29 =	vand.u32 $0x7F000000, v29;
	v31 =	vand.u32 $0x7F000000, v31;
	[tilespmem:s12+$0x0] =	vst.add.f32.msk $0xffff, v32  }
0x150: {  	v30 =	vand.u32 $0x7F000000, v30;
	[tilespmem:v17+s13+$0x0] =	vst.idx.add.s32.msk $0xffff, v5;
	v17 =	vand.u32 $0xFFFFFF80, v18;
	v18 =	vxor.u32 v25, v29  }
0x151: {  	v16 =	vxor.u32 v16, v30;
	v17 =	vadd.s32 v4, v17;
	v18 =	vshra.s32 v18, $0x11;
	[tilespmem:s12+$0x0] =	vst.add.f32.msk $0xffff, v15  }
0x152: {  	v16 =	vshra.s32 v16, $0x11;
	v15 =	vxor.u32 v20, v31;
	[tilespmem:v19+s13+$0x0] =	vst.idx.add.s32.msk $0xffff, v5;
	v18 =	vand.u32 $0xFFFFFF80, v18  }
0x153: {  	v16 =	vand.u32 $0xFFFFFF80, v16;
	v15 =	vshra.s32 v15, $0x11;
	v18 =	vadd.s32 v4, v18;
	[tilespmem:v14+s13+$0x0] =	vst.idx.add.s32.msk $0xffff, v5  }
0x154: {  	v16 =	vadd.s32 v4, v16;
	v14 =	vshra.s32 v22, $0x1F;
	v15 =	vand.u32 $0xFFFFFF80, v15;
	[tilespmem:v23+s13+$0x0] =	vst.idx.add.s32.msk $0xffff, v5  }
0x155: {  	v19 =	vmul.f32 v25, v25;
	v14 =	vand.u32 $0x7F000000, v14;
	v15 =	vadd.s32 v4, v15  }
0x156: {  	v20 =	vmul.f32 v20, v20;
	v14 =	vxor.u32 v22, v14;
	[tilespmem:v17+s13+$0x0] =	vst.idx.add.s32.msk $0xffff, v5;
	v17 =	vand.u32 $0x7F000000, v35  }
0x157: {  	v14 =	vshra.s32 v14, $0x11;
	[tilespmem:s12+$0x0] =	vst.add.f32.msk $0xffff, v19;
	v19 =	vand.u32 $0xFFFFFF80, v27;
	v17 =	vxor.u32 v13, v17  }
0x158: {  	v14 =	vand.u32 $0xFFFFFF80, v14;
	[tilespmem:s12+$0x0] =	vst.add.f32.msk $0xffff, v20;
	v19 =	vadd.s32 v4, v19;
	v17 =	vshra.s32 v17, $0x11  }
0x159: {  	v14 =	vadd.s32 v4, v14;
	[tilespmem:v16+s13+$0x0] =	vst.idx.add.s32.msk $0xffff, v5;
	v16 =	vshra.s32 v24, $0x11;
	v17 =	vand.u32 $0xFFFFFF80, v17  }
.Ltmp7:
0x15a: {  	v20 =	vand.u32 $0x7F000000, v28;
	[tilespmem:v15+s13+$0x0] =	vst.idx.add.s32.msk $0xffff, v5;
	v23 =	vand.u32 $0xFFFFFF80, v16;
	v15 =	vadd.s32 v4, v17;
	(pc) =	sbr.rel @p0 .LBB2_8-.Ltmp7, $4  }
0x15b: {  	v16 =	vmul.f32 v22, v22;
	v17 =	vmul.f32 v13, v13;
	[tilespmem:v18+s13+$0x0] =	vst.idx.add.s32.msk $0xffff, v5  }
0x15c: {  	v13 =	vmul.f32 v11, v11;
	v22 =	vmul.f32 v12, v12;
	v11 =	vxor.u32 v12, v21  }
0x15d: {  	v12 =	vadd.s32 v4, v26;
	v18 =	vxor.u32 v9, v20;
	[tilespmem:v19+s13+$0x0] =	vst.idx.add.s32.msk $0xffff, v5;
	v19 =	vshra.s32 v11, $0x11  }
0x15e: {  	s22 =	smov.u32 s20;
	v18 =	vshra.s32 v18, $0x11;
	v11 =	vadd.s32 v4, v23;
	[tilespmem:s12+$0x0] =	vst.add.f32.msk $0xffff, v22;
	v19 =	vand.u32 $0xFFFFFF80, v19  }
.LBB2_9:
0x15f: {  	_ =	sdelay $0x1  }
0x160: {  	[tilespmem:s12+$0x0] =	vst.add.f32.msk $0xffff, v17  }
0x161: {  	[tilespmem:s12+$0x0] =	vst.add.f32.msk $0xffff, v13  }
0x162: {  	[tilespmem:v12+s13+$0x0] =	vst.idx.add.s32.msk $0xffff, v5  }
0x163: {  	v9 =	vmul.f32 v9, v9;
	[tilespmem:s12+$0x0] =	vst.add.f32.msk $0xffff, v16  }
0x164: {  	v13 =	vand.u32 $0xFFFFFF80, v18;
	[tilespmem:v10+s13+$0x0] =	vst.idx.add.s32.msk $0xffff, v5;
	v10 =	vadd.s32 v4, v19  }
0x165: {  	[tilespmem:s12+$0x0] =	vst.add.f32.msk $0xffff, v9;
	v9 =	vadd.s32 v4, v13  }
0x166: {  	[tilespmem:v11+s13+$0x0] =	vst.idx.add.s32.msk $0xffff, v5  }
0x167: {  	[tilespmem:v15+s13+$0x0] =	vst.idx.add.s32.msk $0xffff, v5  }
0x168: {  	[tilespmem:v14+s13+$0x0] =	vst.idx.add.s32.msk $0xffff, v5  }
0x169: {  	[tilespmem:v10+s13+$0x0] =	vst.idx.add.s32.msk $0xffff, v5  }
0x16a: {  	[tilespmem:v9+s13+$0x0] =	vst.idx.add.s32.msk $0xffff, v5  }
0x16b: {  	v9 =	vld [tilespmem:s18+$0xFFFFFE00]  }
0x16c: {  	v10 =	vld [tilespmem:s18+$0xFFFFFE80]  }
0x16d: {  	v11 =	vld [tilespmem:s18+$0xFFFFFF00]  }
0x16e: {  	v13 =	vld [tilespmem:s18+$0xFFFFFF80]  }
0x16f: {  	v14 =	vld [tilespmem:s18+$0x0]  }
0x170: {  	[tilespmem:s18+$0xFFFFFE00] =	vst v1;
	v15 =	vld [tilespmem:s18+$0x80];
	v9 =	vadd.s32 v8, v9  }
0x171: {  	s19 =	sadd.s32 $0x8, s19;
	[tilespmem:s18+$0xFFFFFE80] =	vst v1;
	v16 =	vld [tilespmem:s18+$0x100];
	v10 =	vadd.s32 v9, v10  }
0x172: {  	p1 =	slt.u32 s19, $0xF8;
	[tilespmem:s18+$0xFFFFFF00] =	vst v1;
	vm5 =	vlt.s32 v9, $0x19B;
	v21 =	vadd.s32 v10, v11  }
.Ltmp8:
0x173: {  	[tilespmem:s18+$0xFFFFFF80] =	vst v1;
	v12 =	vsel vm5, $0x1, v1;
	v20 =	vadd.s32 v21, v13;
	(pc) =	sbr.rel @!p1 .LBB2_10-.Ltmp8, $4  }
0x174: {  	[tilespmem:s18+$0x0] =	vst v1;
	vm7 =	vlt.s32 v10, $0x19B;
	vm1 =	vlt.s32 v21, $0x19B;
	v19 =	vadd.s32 v20, v14  }
0x175: {  	[tilespmem:s18+$0x80] =	vst v1;
	v17 =	vsel vm7, $0x1, v1;
	v14 =	vsel vm1, $0x1, v1;
	v18 =	vadd.s32 v19, v15  }
0x176: {  	[tilespmem:s18+$0x100] =	vst v1;
	vm4 =	vlt.s32 v20, $0x19B;
	v16 =	vadd.s32 v18, v16;
	vm2 =	vlt.s32 v18, $0x19B  }
0x177: {  	s20 =	sadd.s32 $0x400, s18;
	p0 =	por $0x0, $0x0;
	v22 =	vld [tilespmem:s18+$0x180];
	[tilespmem:s18+$0x180] =	vst v1;
	vm3 =	vlt.s32 v19, $0x19B;
	v13 =	vsel vm2, $0x1, v1;
	vm0 =	vlt.s32 v16, $0x19B  }
0x178: {  	_ =	sdelay $0x2  }
0x179: {  	v23 =	vld [tilespmem:s20+$0xFFFFFE00]  }
0x17a: {  	v11 =	vadd.s32 v16, v22;
	v22 =	vld [tilespmem:s20+$0xFFFFFE80]  }
0x17b: {  	v12 =	vadd.s32 v12, v8;
	v24 =	vld [tilespmem:s20+$0xFFFFFF00]  }
0x17c: {  	v9 =	vsel vm5, v9, v8;
	v25 =	vld [tilespmem:s20+$0xFFFFFF80];
	v12 =	vadd.s32 v17, v12  }
0x17d: {  	v17 =	vsel vm7, v10, v9;
	v9 =	vsel vm4, $0x1, v1;
	v10 =	vadd.s32 v14, v12;
	v14 =	vld [tilespmem:s20+$0x0]  }
0x17e: {  	v26 =	vld [tilespmem:s20+$0x80];
	v12 =	vsel vm3, $0x1, v1;
	v10 =	vadd.s32 v9, v10;
	v9 =	vadd.s32 v11, v23  }
0x17f: {  	v12 =	vadd.s32 v12, v10;
	v10 =	vadd.s32 v9, v22;
	v22 =	vld [tilespmem:s20+$0x100]  }
0x180: {  	v28 =	vsel vm0, $0x1, v1;
	v23 =	vadd.s32 v10, v24  }
0x181: {  	[tilespmem:s20+$0xFFFFFE00] =	vst v1;
	v29 =	vadd.s32 v13, v12;
	v13 =	vsel vm1, v21, v17;
	v24 =	vadd.s32 v23, v25  }
0x182: {  	[tilespmem:s20+$0xFFFFFF00] =	vst v1;
	s18 =	sadd.s32 $0x8, s19;
	vm6 =	vlt.s32 v11, $0x19B;
	v13 =	vsel vm4, v20, v13;
	v25 =	vadd.s32 v24, v14  }
0x183: {  	[tilespmem:s20+$0xFFFFFF80] =	vst v1;
	p1 =	slt.u32 s18, $0xF8;
	v15 =	vsel vm6, $0x1, v1;
	v13 =	vsel vm3, v19, v13;
	v26 =	vadd.s32 v25, v26  }
.Ltmp9:
0x184: {  	[tilespmem:s20+$0x80] =	vst v1;
	vm5 =	vlt.s32 v9, $0x19B;
	v13 =	vsel vm2, v18, v13;
	v18 =	vadd.s32 v26, v22;
	v22 =	vld [tilespmem:s20+$0x180];
	(pc) =	sbr.rel @!p1 .LBB2_15-.Ltmp9, $4  }
0x185: {  	[tilespmem:s20+$0x0] =	vst v1;
	v28 =	vadd.s32 v28, v29;
	v12 =	vsel vm5, $0x1, v1;
	vm7 =	vlt.s32 v10, $0x19B  }
0x186: {  	[tilespmem:s20+$0xFFFFFE80] =	vst v1;
	v27 =	vsel vm0, v16, v13;
	vm1 =	vlt.s32 v23, $0x19B;
	v17 =	vsel vm7, $0x1, v1  }
0x187: {  	[tilespmem:s20+$0x100] =	vst v1;
	v14 =	vsel vm1, $0x1, v1;
	vm4 =	vlt.s32 v24, $0x19B;
	vm2 =	vlt.s32 v26, $0x19B  }
0x188: {  	s19 =	sadd.s32 $0x400, s20;
	p0 =	por $0x1, $0x1;
	vm3 =	vlt.s32 v25, $0x19B;
	[tilespmem:s20+$0x180] =	vst v1;
	v13 =	vsel vm2, $0x1, v1;
	vm0 =	vlt.s32 v18, $0x19B  }
.LBB2_16:
0x189: {  	v16 =	vld [tilespmem:s19+$0xFFFFFE00];
	s18 =	sadd.s32 $0x8, s18;
	v15 =	vadd.s32 v15, v28;
	v19 =	vsel vm6, v11, v27;
	v11 =	vadd.s32 v18, v22  }
0x18a: {  	[tilespmem:s19+$0xFFFFFE00] =	vst v1;
	v20 =	vld [tilespmem:s19+$0xFFFFFE80];
	p1 =	slt.u32 s18, $0xF8;
	v12 =	vadd.s32 v12, v15;
	v9 =	vsel vm5, v9, v19;
	vm6 =	vlt.s32 v11, $0x19B  }
0x18b: {  	[tilespmem:s19+$0xFFFFFE80] =	vst v1;
	v19 =	vld [tilespmem:s19+$0xFFFFFF00];
	v12 =	vadd.s32 v17, v12;
	v17 =	vsel vm7, v10, v9;
	v9 =	vsel vm4, $0x1, v1  }
0x18c: {  	[tilespmem:s19+$0xFFFFFF00] =	vst v1;
	v21 =	vld [tilespmem:s19+$0xFFFFFF80];
	v10 =	vadd.s32 v14, v12;
	v12 =	vsel vm3, $0x1, v1  }
0x18d: {  	v15 =	vsel vm6, $0x1, v1;
	[tilespmem:s19+$0xFFFFFF80] =	vst v1;
	v14 =	vld [tilespmem:s19+$0x0];
	v10 =	vadd.s32 v9, v10  }
0x18e: {  	v28 =	vsel vm0, $0x1, v1;
	v9 =	vadd.s32 v11, v16;
	[tilespmem:s19+$0x0] =	vst v1;
	v16 =	vld [tilespmem:s19+$0x80];
	v12 =	vadd.s32 v12, v10  }
0x18f: {  	vm5 =	vlt.s32 v9, $0x19B;
	v10 =	vadd.s32 v9, v20;
	[tilespmem:s19+$0x80] =	vst v1;
	v20 =	vld [tilespmem:s19+$0x100];
	v29 =	vadd.s32 v13, v12  }
0x190: {  	v13 =	vsel vm1, v23, v17;
	v12 =	vsel vm5, $0x1, v1;
	[tilespmem:s19+$0x100] =	vst v1;
	v23 =	vadd.s32 v10, v19  }
0x191: {  	vm7 =	vlt.s32 v10, $0x19B;
	v13 =	vsel vm4, v24, v13;
	v24 =	vadd.s32 v23, v21  }
.Ltmp10:
0x192: {  	vm1 =	vlt.s32 v23, $0x19B;
	v13 =	vsel vm3, v25, v13;
	v22 =	vld [tilespmem:s19+$0x180];
	v25 =	vadd.s32 v24, v14;
	(pc) =	sbr.rel @p1 .LBB2_16-.Ltmp10, $4  }
0x193: {  	v14 =	vsel vm1, $0x1, v1;
	v13 =	vsel vm2, v26, v13;
	[tilespmem:s19+$0x180] =	vst v1;
	v26 =	vadd.s32 v25, v16  }
0x194: {  	v17 =	vsel vm7, $0x1, v1;
	vm4 =	vlt.s32 v24, $0x19B;
	v16 =	vadd.s32 v26, v20  }
0x195: {  	vm3 =	vlt.s32 v25, $0x19B;
	v27 =	vsel vm0, v18, v13;
	vm2 =	vlt.s32 v26, $0x19B;
	v18 =	vmovc v16  }
0x196: {  	v28 =	vadd.s32 v28, v29;
	s19 =	sadd.s32 $0x400, s19;
	v13 =	vsel vm2, $0x1, v1;
	vm0 =	vlt.s32 v18, $0x19B  }
0x197: {  	v16 =	vmovc v18;
	v21 =	vmovc v23;
	v20 =	vmov v24;
	v19 =	vmov v25;
	v18 =	vmov v26  }
.LBB2_18:
0x198: {  	p1 =	seq.s32 s16, $0x0  }
0x199: {  	s18 =	simm.s32 @!p1 $0x2  }
0x19a: {  	_ =	swait.ge @!p1 [sflag:s18], $0x800  }
0x19b: {  	[sflag:s18] =	ssyncset.done @!p1 $0x0  }
0x19c: {  	[sflag:s18] =	ssyncadd.s32 @!p1 $0xFFFFF800  }
0x19d: {  	_ =	swait.ge @!p1 [sflag:s18], $0x800  }
0x19e: {  	[sflag:s18] =	ssyncset.done @!p1 $0x0  }
0x19f: {  	[sflag:s18] =	ssyncadd.s32 @!p1 $0xFFFFF800  }
0x1a0: {  	_ =	swait.ge @!p1 [sflag:s18], $0x800  }
0x1a1: {  	[sflag:s18] =	ssyncset.done @!p1 $0x0  }
0x1a2: {  	[sflag:s18] =	ssyncadd.s32 @!p1 $0xFFFFF800  }
0x1a3: {  	_ =	swait.ge @!p1 [sflag:s18], $0x800  }
0x1a4: {  	[sflag:s18] =	ssyncset.done @!p1 $0x0  }
0x1a5: {  	[sflag:s18] =	ssyncadd.s32 @!p1 $0xFFFFF800  }
0x1a6: {  	_ =	swait.ge @!p1 [sflag:s18], $0x800  }
0x1a7: {  	[sflag:s18] =	ssyncset.done @!p1 $0x0  }
0x1a8: {  	[sflag:s18] =	ssyncadd.s32 @!p1 $0xFFFFF800  }
0x1a9: {  	_ =	swait.ge @!p1 [sflag:s18], $0x800  }
0x1aa: {  	[sflag:s18] =	ssyncset.done @!p1 $0x0  }
0x1ab: {  	[sflag:s18] =	ssyncadd.s32 @!p1 $0xFFFFF800  }
0x1ac: {  	_ =	swait.ge @!p1 [sflag:s18], $0x800  }
0x1ad: {  	[sflag:s18] =	ssyncset.done @!p1 $0x0  }
0x1ae: {  	[sflag:s18] =	ssyncadd.s32 @!p1 $0xFFFFF800  }
0x1af: {  	_ =	swait.ge @!p1 [sflag:s18], $0x800  }
0x1b0: {  	[sflag:s18] =	ssyncset.done @!p1 $0x0  }
0x1b1: {  	[sflag:s18] =	ssyncadd.s32 @!p1 $0xFFFFF800  }
0x1b2: {  	_ =	swait.ge @!p1 [sflag:s18], $0x800  }
0x1b3: {  	[sflag:s18] =	ssyncset.done @!p1 $0x0  }
0x1b4: {  	[sflag:s18] =	ssyncadd.s32 @!p1 $0xFFFFF800  }
0x1b5: {  	_ =	swait.ge @!p1 [sflag:s18], $0x800  }
0x1b6: {  	[sflag:s18] =	ssyncset.done @!p1 $0x0  }
0x1b7: {  	[sflag:s18] =	ssyncadd.s32 @!p1 $0xFFFFF800  }
0x1b8: {  	_ =	swait.ge @!p1 [sflag:s18], $0x800  }
0x1b9: {  	[sflag:s18] =	ssyncset.done @!p1 $0x0  }
0x1ba: {  	[sflag:s18] =	ssyncadd.s32 @!p1 $0xFFFFF800  }
0x1bb: {  	_ =	swait.ge @!p1 [sflag:s18], $0x800  }
0x1bc: {  	[sflag:s18] =	ssyncset.done @!p1 $0x0  }
0x1bd: {  	[sflag:s18] =	ssyncadd.s32 @!p1 $0xFFFFF800  }
0x1be: {  	_ =	swait.ge @!p1 [sflag:s18], $0x800  }
0x1bf: {  	[sflag:s18] =	ssyncset.done @!p1 $0x0  }
0x1c0: {  	v15 =	vadd.s32 @p0 v15, v28;
	v11 =	vsel @p0 vm6, v11, v27;
	[sflag:s18] =	ssyncadd.s32 @!p1 $0xFFFFF800  }
0x1c1: {  	v15 =	vpsel p0, v15, v8;
	v8 =	vpsel p0, v11, v8;
	_ =	swait.ge @!p1 [sflag:s18], $0x800  }
0x1c2: {  	v11 =	vadd.s32 v12, v15;
	v8 =	vsel vm5, v9, v8;
	[sflag:s18] =	ssyncset.done @!p1 $0x0  }
0x1c3: {  	p0 =	seq.s32 @!p1 s16, $0x3F;
	v63 =	vadd.s32 v16, v22;
	v9 =	vadd.s32 v17, v11;
	v8 =	vsel vm7, v10, v8;
	[sflag:s18] =	ssyncadd.s32 @!p1 $0xFFFFF800  }
0x1c4: {  	p0 =	por p1, !p0;
	v10 =	vsel vm4, $0x1, v1;
	v9 =	vadd.s32 v14, v9;
	v8 =	vsel vm1, v21, v8;
	_ =	swait.ge @!p1 [sflag:s18], $0x800  }
.Ltmp11:
0x1c5: {  	v11 =	vsel vm3, $0x1, v1;
	v9 =	vadd.s32 v10, v9;
	v8 =	vsel vm4, v20, v8;
	[sflag:s18] =	ssyncset.done @!p1 $0x0;
	(pc) =	sbr.rel @!p0 .LBB2_21-.Ltmp11, $4  }
0x1c6: {  	vm15 =	vlt.s32 v63, $0x19B;
	v9 =	vadd.s32 v11, v9;
	v8 =	vsel vm3, v19, v8;
	[sflag:s18] =	ssyncadd.s32 @!p1 $0xFFFFF800  }
0x1c7: {  	v10 =	vsel vm0, $0x1, v1;
	v9 =	vadd.s32 v13, v9;
	v8 =	vsel vm2, v18, v8;
	_ =	swait.ge @!p1 [sflag:s18], $0x800  }
0x1c8: {  	v11 =	vsel vm15, $0x1, v1;
	v8 =	vsel vm0, v16, v8;
	v9 =	vadd.s32 v10, v9;
	[sflag:s18] =	ssyncset.done @!p1 $0x0  }
0x1c9: {  	v9 =	vadd.s32 v11, v9;
	v8 =	vsel vm15, v63, v8;
	[sflag:s18] =	ssyncadd.s32 @!p1 $0xFFFFF800;
	s18 =	simm.s32 @!p1 $0x40  }
0x1ca: {  	s18 =	sadd.s32 @!p1 $0x1, s16  }
0x1cb: {  	s19 =	sadd.s32 s17, s8;
	s20 =	simm.s32 $0x0;
	s18 =	simm.s32 @p1 $0x1  }
0x1cc: {  	s21 =	sshll.u32 s19, $0x8;
	s29 =	sand.u32 $0x70, s20;
	s20 =	simm.s32 $0x10  }
0x1cd: {  	s30 =	sand.u32 $0x1, s18;
	s22 =	sand.u32 $0xFFFF800, s21;
	s23 =	sadd.s32 s1, s29  }
0x1ce: {  	s21 =	sadd.s32 $0x100, s21;
	s19 =	sshll.u32 s30, $0xF;
	s31 =	sadd.s32 s22, s23  }
0x1cf: {  	[tilespmem:s19], [sflag:$0x1] =	stream.strided.gather [hbm4b:s31+s9], $0x800, s10, s9, $0x38;
	[tilespmem:$0x1F880] =	vst v63  }
.LBB2_20:
0x1d0: {  	s22 =	sand.u32 $0x70, s20;
	p0 =	sne.s32 s20, $0xF0;
	s20 =	sadd.s32 $0x10, s20  }
.Ltmp12:
0x1d1: {  	s23 =	sand.u32 $0xFFFF800, s21;
	s22 =	sadd.s32 s1, s22;
	(pc) =	sbr.rel @p0 .LBB2_20-.Ltmp12, $4  }
0x1d2: {  	s19 =	sadd.s32 $0x800, s19;
	s22 =	sadd.s32 s23, s22  }
0x1d3: {  	[tilespmem:s19], [sflag:$0x1] =	stream.strided.gather [hbm4b:s22+s9], $0x800, s10, s9, $0x38;
	[tilespmem:$0x1F880] =	vst v63  }
0x1d4: {  	_ = 	snop  }
0x1d5: {  	s21 =	sadd.s32 $0x100, s21  }
.LBB2_21:
0x1d6: {  	s20 =	simm.s32 $0x10080  }
0x1d7: {  	v10 =	vld [tilespmem:s20+$0x70]  }
0x1d8: {  	v11 =	vld [tilespmem:s20+$0xFFFFFF80]  }
0x1d9: {  	v12 =	vld [tilespmem:s20+$0x60]  }
0x1da: {  	v13 =	vld [tilespmem:s20+$0x10]  }
0x1db: {  	v14 =	vld [tilespmem:s20+$0x40]  }
0x1dc: {  	v18 =	vld [tilespmem:s20+$0xFFFFFFE0]  }
0x1dd: {  	v19 =	vld [tilespmem:s20+$0xFFFFFFD0]  }
0x1de: {  	v8 =	vsub.s32 $0x19A, v8;
	v9 =	vadd.s32 $0xFFFFFF80, v9;
	v15 =	vshra.s32 v10, $0x18  }
0x1df: {  	v10 =	vshrl.u32 v10, $0x9;
	v16 =	vshra.s32 v11, $0x18;
	v11 =	vshrl.u32 v11, $0x9  }
0x1e0: {  	v17 =	vshrl.u32 v12, $0x9;
	v21 =	vshra.s32 v12, $0x18;
	v12 =	vshra.s32 v13, $0x18  }
0x1e1: {  	v20 =	vld [tilespmem:s20+$0xFFFFFFA0];
	v23 =	vshra.s32 v14, $0x18;
	v14 =	vshrl.u32 v14, $0x9;
	v13 =	vshrl.u32 v13, $0x9  }
0x1e2: {  	v24 =	vshra.s32 v19, $0x18;
	v19 =	vshrl.u32 v19, $0x9;
	v25 =	vshra.s32 v18, $0x18  }
0x1e3: {  	v22 =	vld [tilespmem:s20+$0xFFFFFFC0];
	v10 =	vand.u32 $0x7F80, v10;
	v11 =	vand.u32 $0x7F80, v11;
	v17 =	vand.u32 $0x7F80, v17  }
0x1e4: {  	vm3 =	veq.s32 v15, v9;
	v15 =	vld [tilespmem:s20+$0x0];
	vm4 =	veq.s32 v23, v9;
	vm1 =	veq.s32 v21, v9  }
0x1e5: {  	vm5 =	veq.s32 v16, v9;
	v23 =	vor.u32 v0, v10;
	v10 =	vld [tilespmem:s20+$0xFFFFFFB0];
	v16 =	vor.u32 v0, v17  }
0x1e6: {  	v27 =	vshrl.u32 v20, $0x9;
	v14 =	vand.u32 $0x7F80, v14;
	v17 =	vld [tilespmem:s20+$0xFFFFFF90];
	v11 =	vor.u32 v0, v11  }
0x1e7: {  	v20 =	vshra.s32 v20, $0x18;
	v21 =	vshrl.u32 v18, $0x9;
	v14 =	vor.u32 v0, v14  }
0x1e8: {  	v13 =	vand.u32 $0x7F80, v13;
	vm0 =	veq.s32 v24, v9;
	v26 =	vand.u32 $0x7F80, v19  }
0x1e9: {  	v24 =	vshra.s32 v15, $0x18;
	v19 =	vshrl.u32 v15, $0x9;
	v15 =	vand.u32 $0x7F80, v21;
	v21 =	vld [tilespmem:s20+$0x30]  }
0x1ea: {  	v18 =	vshra.s32 v22, $0x18;
	v22 =	vshrl.u32 v22, $0x9;
	v28 =	vshra.s32 v10, $0x18;
	[tilespmem:v16+s13+$0x0] =	vst.idx.add.s32.msk vm1, v5  }
0x1eb: {  	vm2 =	veq.s32 v24, v9;
	[tilespmem:v11+s13+$0x0] =	vst.idx.add.s32.msk vm5, v5;
	v11 =	vshra.s32 v17, $0x18;
	v24 =	vshrl.u32 v10, $0x9  }
0x1ec: {  	v10 =	vand.u32 $0x7F80, v27;
	[tilespmem:v14+s13+$0x0] =	vst.idx.add.s32.msk vm4, v5;
	v14 =	vshrl.u32 v17, $0x9;
	v16 =	vor.u32 v0, v13  }
0x1ed: {  	vm4 =	veq.s32 v25, v9;
	vm1 =	veq.s32 v11, v9;
	v11 =	vand.u32 $0x7F80, v19;
	v19 =	vld [tilespmem:s20+$0xFFFFFFF0]  }
0x1ee: {  	[tilespmem:v23+s13+$0x0] =	vst.idx.add.s32.msk vm3, v5;
	v23 =	vand.u32 $0x7F80, v22;
	v10 =	vor.u32 v0, v10;
	v13 =	vand.u32 $0x7F80, v14  }
0x1ef: {  	v17 =	vor.u32 v0, v11;
	v11 =	vor.u32 v0, v13;
	v13 =	vand.u32 $0x7F80, v24;
	v24 =	vld [tilespmem:s20+$0x20]  }
0x1f0: {  	s19 =	simm.s32 $0x0;
	v22 =	vld [tilespmem:s20+$0x50];
	v14 =	vor.u32 v0, v26;
	vm3 =	veq.s32 v28, v9;
	s20 =	simm.s32 $0x10180;
	v13 =	vor.u32 v0, v13  }
.LBB2_22:
0x1f1: {  	v25 =	vld [tilespmem:s20+$0x40];
	s19 =	sadd.s32 $0x10, s19;
	vm6 =	veq.s32 v18, v9;
	v18 =	vor.u32 v0, v23;
	vm7 =	veq.s32 v12, v9  }
0x1f2: {  	vm5 =	veq.s32 v20, v9;
	v23 =	vld [tilespmem:s20+$0xFFFFFF90];
	p0 =	slt.u32 s19, $0x770;
	v12 =	vshra.s32 v19, $0x18;
	v19 =	vshrl.u32 v19, $0x9  }
0x1f3: {  	v20 =	vld [tilespmem:s20+$0x70];
	v19 =	vand.u32 $0x7F80, v19;
	v26 =	vshra.s32 v21, $0x18;
	v21 =	vshrl.u32 v21, $0x9  }
0x1f4: {  	v27 =	vld [tilespmem:s20+$0xFFFFFF80];
	v28 =	vshra.s32 v24, $0x18;
	v24 =	vshrl.u32 v24, $0x9;
	vm9 =	veq.s32 v26, v9  }
0x1f5: {  	v21 =	vand.u32 $0x7F80, v21;
	v26 =	vld [tilespmem:s20+$0x60];
	v29 =	vshra.s32 v22, $0x18;
	v22 =	vshrl.u32 v22, $0x9  }
0x1f6: {  	vm10 =	veq.s32 v28, v9;
	v30 =	vld [tilespmem:s20+$0xFFFFFFA0];
	vm8 =	veq.s32 v29, v9;
	v22 =	vand.u32 $0x7F80, v22  }
0x1f7: {  	v24 =	vand.u32 $0x7F80, v24;
	v21 =	vor.u32 v0, v21;
	v28 =	vld [tilespmem:s20+$0xFFFFFFB0];
	v22 =	vor.u32 v0, v22  }
0x1f8: {  	v24 =	vor.u32 v0, v24;
	v29 =	vld [tilespmem:s20+$0xFFFFFFC0];
	v31 =	vshra.s32 v20, $0x18;
	v20 =	vshrl.u32 v20, $0x9  }
0x1f9: {  	v32 =	vshra.s32 v27, $0x18;
	v27 =	vshrl.u32 v27, $0x9;
	v33 =	vld [tilespmem:s20+$0xFFFFFFD0];
	v20 =	vand.u32 $0x7F80, v20  }
0x1fa: {  	v27 =	vand.u32 $0x7F80, v27;
	v34 =	vld [tilespmem:s20+$0x10];
	v35 =	vshra.s32 v26, $0x18;
	v26 =	vshrl.u32 v26, $0x9  }
0x1fb: {  	v36 =	vld [tilespmem:s20+$0xFFFFFFE0];
	v26 =	vand.u32 $0x7F80, v26  }
0x1fc: {  	vm11 =	veq.s32 v12, v9;
	[tilespmem:v21+s13+$0x0] =	vst.idx.add.s32.msk vm9, v5  }
0x1fd: {  	v19 =	vor.u32 v0, v19;
	v21 =	vld [tilespmem:s20+$0x0]  }
0x1fe: {  	v15 =	vor.u32 v0, v15;
	[tilespmem:v24+s13+$0x0] =	vst.idx.add.s32.msk vm10, v5  }
0x1ff: {  	v24 =	vshra.s32 v25, $0x18;
	v25 =	vshrl.u32 v25, $0x9;
	v12 =	vshra.s32 v34, $0x18;
	[tilespmem:v22+s13+$0x0] =	vst.idx.add.s32.msk vm8, v5  }
0x200: {  	[tilespmem:v16+s13+$0x0] =	vst.idx.add.s32.msk vm7, v5  }
0x201: {  	vm7 =	veq.s32 v31, v9;
	[tilespmem:v17+s13+$0x0] =	vst.idx.add.s32.msk vm2, v5  }
0x202: {  	vm8 =	veq.s32 v24, v9;
	v17 =	vor.u32 v0, v20;
	[tilespmem:v19+s13+$0x0] =	vst.idx.add.s32.msk vm11, v5  }
0x203: {  	vm9 =	veq.s32 v35, v9;
	v16 =	vshrl.u32 v34, $0x9;
	[tilespmem:v15+s13+$0x0] =	vst.idx.add.s32.msk vm4, v5  }
0x204: {  	v19 =	vor.u32 v0, v26;
	vm4 =	veq.s32 v32, v9;
	v15 =	vand.u32 $0x7F80, v25;
	[tilespmem:v14+s13+$0x0] =	vst.idx.add.s32.msk vm0, v5  }
0x205: {  	v20 =	vshrl.u32 v36, $0x9;
	v14 =	vor.u32 v0, v27;
	v22 =	vor.u32 v0, v15;
	[tilespmem:v18+s13+$0x0] =	vst.idx.add.s32.msk vm6, v5  }
0x206: {  	v24 =	vshrl.u32 v33, $0x9;
	v16 =	vand.u32 $0x7F80, v16;
	v15 =	vshra.s32 v33, $0x18;
	[tilespmem:v13+s13+$0x0] =	vst.idx.add.s32.msk vm3, v5  }
0x207: {  	vm0 =	veq.s32 v15, v9;
	v15 =	vshra.s32 v21, $0x18;
	v13 =	vshra.s32 v36, $0x18;
	[tilespmem:v11+s13+$0x0] =	vst.idx.add.s32.msk vm1, v5  }
0x208: {  	v24 =	vand.u32 $0x7F80, v24;
	v18 =	vshra.s32 v29, $0x18;
	v11 =	vshrl.u32 v21, $0x9;
	[tilespmem:v10+s13+$0x0] =	vst.idx.add.s32.msk vm5, v5  }
0x209: {  	v25 =	vshra.s32 v28, $0x18;
	vm2 =	veq.s32 v15, v9;
	v10 =	vshrl.u32 v30, $0x9;
	[tilespmem:v19+s13+$0x0] =	vst.idx.add.s32.msk vm9, v5  }
0x20a: {  	v15 =	vand.u32 $0x7F80, v20;
	v21 =	vshrl.u32 v28, $0x9;
	[tilespmem:v14+s13+$0x0] =	vst.idx.add.s32.msk vm4, v5;
	v14 =	vshra.s32 v23, $0x18  }
0x20b: {  	v11 =	vand.u32 $0x7F80, v11;
	v10 =	vand.u32 $0x7F80, v10;
	vm1 =	veq.s32 v14, v9;
	[tilespmem:v22+s13+$0x0] =	vst.idx.add.s32.msk vm8, v5  }
.Ltmp13:
0x20c: {  	v16 =	vor.u32 v0, v16;
	v10 =	vor.u32 v0, v10;
	v14 =	vshrl.u32 v23, $0x9;
	[tilespmem:v17+s13+$0x0] =	vst.idx.add.s32.msk vm7, v5;
	(pc) =	sbr.rel @p0 .LBB2_22-.Ltmp13, $4  }
0x20d: {  	v22 =	vshrl.u32 v29, $0x9;
	v14 =	vand.u32 $0x7F80, v14;
	v17 =	vor.u32 v0, v11;
	v19 =	vld [tilespmem:s20+$0xFFFFFFF0]  }
0x20e: {  	v23 =	vand.u32 $0x7F80, v21;
	v11 =	vor.u32 v0, v14;
	v14 =	vor.u32 v0, v24;
	v21 =	vld [tilespmem:s20+$0x30]  }
0x20f: {  	v20 =	vshra.s32 v30, $0x18;
	vm3 =	veq.s32 v25, v9;
	vm4 =	veq.s32 v13, v9;
	v24 =	vld [tilespmem:s20+$0x20]  }
0x210: {  	v13 =	vor.u32 v0, v23;
	v23 =	vand.u32 $0x7F80, v22;
	v22 =	vld [tilespmem:s20+$0x50];
	s20 =	sadd.s32 $0x100, s20  }
0x211: {  	_ =	sdelay $0x3  }
0x212: {  	s20 =	simm.s32 $0x782  }
0x213: {  	vm8 =	veq.s32 v12, v9;
	v15 =	vor.u32 v0, v15;
	[tilespmem:v17+s13+$0x0] =	vst.idx.add.s32.msk vm2, v5;
	s22 =	simm.s32 $0x78B;
	v17 =	vadd.s32 s20, v0  }
0x214: {  	[tilespmem:v14+s13+$0x0] =	vst.idx.add.s32.msk vm0, v5;
	v14 =	vadd.s32 s22, v0;
	v25 =	vshra.s32 v21, $0x18;
	v21 =	vshrl.u32 v21, $0x9  }
0x215: {  	v26 =	vshra.s32 v24, $0x18;
	v24 =	vshrl.u32 v24, $0x9;
	vm5 =	veq.s32 v25, v9  }
0x216: {  	v21 =	vand.u32 $0x7F80, v21;
	v25 =	vshra.s32 v22, $0x18;
	v22 =	vshrl.u32 v22, $0x9  }
0x217: {  	vm6 =	veq.s32 v26, v9;
	v24 =	vand.u32 $0x7F80, v24;
	v21 =	vor.u32 v0, v21  }
0x218: {  	vm7 =	veq.s32 v25, v9;
	v22 =	vand.u32 $0x7F80, v22;
	v24 =	vor.u32 v0, v24  }
0x219: {  	[tilespmem:v13+s13+$0x0] =	vst.idx.add.s32.msk vm3, v5;
	v14 =	vand.u32 $0x7FF, v14;
	v17 =	vand.u32 $0x7FF, v17;
	v12 =	vor.u32 v0, v22  }
0x21a: {  	v14 =	vor.u32 v6, v14;
	[tilespmem:v15+s13+$0x0] =	vst.idx.add.s32.msk vm4, v5;
	v22 =	vshra.s32 v19, $0x18;
	v19 =	vshrl.u32 v19, $0x9  }
0x21b: {  	v17 =	vor.u32 v6, v17;
	[tilespmem:v16+s13+$0x0] =	vst.idx.add.s32.msk vm8, v5;
	v19 =	vand.u32 $0x7F80, v19;
	vm9 =	veq.s32 v22, v9  }
0x21c: {  	s19 =	simm.s32 $0x781;
	s29 =	simm.s32 $0x787;
	v19 =	vor.u32 v0, v19;
	[tilespmem:v21+s13+$0x0] =	vst.idx.add.s32.msk vm5, v5;
	vm5 =	veq.s32 v20, v9  }
0x21d: {  	v15 =	vadd.s32 s29, v0;
	v16 =	vadd.s32 s19, v0;
	[tilespmem:v24+s13+$0x0] =	vst.idx.add.s32.msk vm6, v5;
	vm6 =	veq.s32 v18, v9  }
0x21e: {  	s23 =	simm.s32 $0x78E;
	v13 =	vand.u32 $0x7FF, v15;
	v16 =	vand.u32 $0x7FF, v16;
	[tilespmem:v12+s13+$0x0] =	vst.idx.add.s32.msk vm7, v5;
	v12 =	vor.u32 v0, v23  }
0x21f: {  	s30 =	simm.s32 $0x788;
	s31 =	simm.s32 $0x78A;
	v22 =	vadd.s32 s23, v0;
	v13 =	vor.u32 v6, v13;
	v16 =	vor.u32 v6, v16  }
0x220: {  	s28 =	simm.s32 $0x784;
	[tilespmem:v11+s13+$0x0] =	vst.idx.add.s32.msk vm1, v5;
	v22 =	vand.u32 $0x7FF, v22;
	v20 =	vadd.s32 s30, v0;
	v21 =	vadd.s32 s31, v0  }
0x221: {  	s21 =	simm.s32 $0x785;
	s25 =	simm.s32 $0x783;
	v15 =	vor.u32 v6, v22;
	v18 =	vadd.s32 s28, v0;
	v20 =	vand.u32 $0x7FF, v20;
	[tilespmem:v19+s13+$0x0] =	vst.idx.add.s32.msk vm9, v5  }
0x222: {  	s30 =	simm.s32 $0x78C;
	v11 =	vand.u32 $0x7FF, v21;
	v21 =	vadd.s32 s25, v0;
	v19 =	vadd.s32 s21, v0;
	[tilespmem:v10+s13+$0x0] =	vst.idx.add.s32.msk vm5, v5  }
0x223: {  	s29 =	simm.s32 $0x789;
	s31 =	simm.s32 $0x780;
	v22 =	vadd.s32 s30, v0;
	v20 =	vor.u32 v6, v20;
	v19 =	vand.u32 $0x7FF, v19;
	[tilespmem:v12+s13+$0x0] =	vst.idx.add.s32.msk vm6, v5  }
0x224: {  	s28 =	simm.s32 $0x786;
	v24 =	vadd.s32 s29, v0;
	v25 =	vor.u32 s31, v7;
	v19 =	vor.u32 v6, v19;
	v16 =	vld.idx.msk [tilespmem:v16+s3+$0x0], $0xffff  }
0x225: {  	s24 =	simm.s32 $0x78D;
	v11 =	vor.u32 v6, v11;
	v18 =	vand.u32 $0x7FF, v18;
	v23 =	vadd.s32 s28, v0  }
0x226: {  	v24 =	vand.u32 $0x7FF, v24;
	v22 =	vand.u32 $0x7FF, v22;
	v12 =	vadd.s32 s24, v0;
	v15 =	vld.idx.msk [tilespmem:v15+s3+$0x0], $0xffff  }
0x227: {  	s26 =	simm.s32 $0x78F;
	v21 =	vand.u32 $0x7FF, v21;
	v23 =	vand.u32 $0x7FF, v23;
	v12 =	vand.u32 $0x7FF, v12  }
0x228: {  	v24 =	vor.u32 v6, v24;
	v10 =	vadd.s32 s26, v0;
	v20 =	vld.idx.msk [tilespmem:v20+s3+$0x0], $0xffff;
	v12 =	vor.u32 v6, v12  }
0x229: {  	v22 =	vor.u32 v6, v22;
	v10 =	vand.u32 $0x7FF, v10;
	v19 =	vld.idx.msk [tilespmem:v19+s3+$0x0], $0xffff;
	v26 =	vshra.s32 v16, $0x1F  }
0x22a: {  	v21 =	vor.u32 v6, v21;
	v11 =	vld.idx.msk [tilespmem:v11+s3+$0x0], $0xffff;
	v27 =	vor.u32 v6, v10;
	v10 =	vand.u32 $0x7FFFFFFF, v26  }
0x22b: {  	v18 =	vor.u32 v6, v18;
	v14 =	vld.idx.msk [tilespmem:v14+s3+$0x0], $0xffff;
	v26 =	vshra.s32 v15, $0x1F;
	v10 =	vxor.u32 v16, v10  }
0x22c: {  	v23 =	vor.u32 v6, v23;
	v13 =	vld.idx.msk [tilespmem:v13+s3+$0x0], $0xffff;
	v16 =	vand.u32 $0x7FFFFFFF, v26;
	v26 =	vshra.s32 v10, $0x18  }
0x22d: {  	v12 =	vld.idx.msk [tilespmem:v12+s3+$0x0], $0xffff;
	v10 =	vshrl.u32 v10, $0x9;
	v28 =	vxor.u32 v15, v16;
	v15 =	vshra.s32 v20, $0x1F  }
0x22e: {  	v16 =	vld.idx.msk [tilespmem:v24+s3+$0x0], $0xffff;
	v62 =	vshra.s32 v19, $0x1F;
	vm6 =	veq.s32 v26, v9;
	v24 =	vshrl.u32 v28, $0x9  }
0x22f: {  	v10 =	vand.u32 $0x7F80, v10;
	v26 =	vshra.s32 v11, $0x1F;
	v15 =	vand.u32 $0x7FFFFFFF, v15  }
0x230: {  	v18 =	vld.idx.msk [tilespmem:v18+s3+$0x0], $0xffff;
	v29 =	vor.u32 v0, v10;
	v10 =	vand.u32 $0x7FFFFFFF, v26;
	v24 =	vand.u32 $0x7F80, v24  }
0x231: {  	v23 =	vld.idx.msk [tilespmem:v23+s3+$0x0], $0xffff;
	v15 =	vxor.u32 v20, v15;
	v11 =	vxor.u32 v11, v10;
	v10 =	vshra.s32 v14, $0x1F  }
0x232: {  	v30 =	vshra.s32 v15, $0x18;
	v15 =	vshrl.u32 v15, $0x9;
	v31 =	vshra.s32 v12, $0x1F  }
0x233: {  	v26 =	vand.u32 $0x7FFFFFFF, v10;
	v10 =	vor.u32 v0, v24;
	v24 =	vshra.s32 v13, $0x1F  }
0x234: {  	v25 =	vld.idx.msk [tilespmem:v25+s3+$0x0], $0xffff;
	v20 =	vshra.s32 v11, $0x18;
	vm7 =	veq.s32 v30, v9;
	v15 =	vand.u32 $0x7F80, v15  }
0x235: {  	v21 =	vld.idx.msk [tilespmem:v21+s3+$0x0], $0xffff;
	v31 =	vand.u32 $0x7FFFFFFF, v31;
	v11 =	vshrl.u32 v11, $0x9;
	v26 =	vxor.u32 v14, v26  }
0x236: {  	v14 =	vld.idx.msk [tilespmem:v22+s3+$0x0], $0xffff;
	vm0 =	veq.s32 v20, v9;
	v20 =	vshra.s32 v18, $0x1F;
	v22 =	vshra.s32 v23, $0x1F  }
0x237: {  	v60 =	vor.u32 v0, v15;
	v31 =	vxor.u32 v12, v31;
	v15 =	vand.u32 $0x7FFFFFFF, v20  }
0x238: {  	v11 =	vand.u32 $0x7F80, v11;
	v20 =	vshra.s32 v16, $0x1F;
	v15 =	vxor.u32 v18, v15  }
0x239: {  	v18 =	vand.u32 $0x7FFFFFFF, v22;
	v20 =	vand.u32 $0x7FFFFFFF, v20;
	v22 =	vshra.s32 v25, $0x1F  }
0x23a: {  	v32 =	vshra.s32 v15, $0x18;
	v33 =	vshrl.u32 v15, $0x9;
	v18 =	vxor.u32 v23, v18  }
0x23b: {  	v16 =	vxor.u32 v16, v20;
	v20 =	vshra.s32 v21, $0x1F;
	vm9 =	veq.s32 v32, v9  }
0x23c: {  	v23 =	vshra.s32 v18, $0x18;
	v61 =	vand.u32 $0x7F80, v33;
	v20 =	vand.u32 $0x7FFFFFFF, v20  }
0x23d: {  	v17 =	vld.idx.msk [tilespmem:v17+s3+$0x0], $0xffff;
	v18 =	vshrl.u32 v18, $0x9;
	v15 =	vshra.s32 v14, $0x1F;
	v32 =	vor.u32 v0, v61  }
0x23e: {  	vm4 =	veq.s32 v23, v9;
	v23 =	vld.idx.msk [tilespmem:v27+s3+$0x0], $0xffff;
	v18 =	vand.u32 $0x7F80, v18;
	v27 =	vshra.s32 v31, $0x18  }
0x23f: {  	v31 =	vshrl.u32 v31, $0x9;
	v63 =	vxor.u32 v21, v20;
	v15 =	vand.u32 $0x7FFFFFFF, v15  }
0x240: {  	v21 =	vshrl.u32 v26, $0x9;
	vm5 =	veq.s32 v27, v9;
	v14 =	vxor.u32 v14, v15  }
0x241: {  	v15 =	vand.u32 $0x7FFFFFFF, v22;
	v22 =	vshra.s32 v16, $0x18;
	v16 =	vshrl.u32 v16, $0x9  }
0x242: {  	v15 =	vxor.u32 v25, v15;
	v25 =	vshra.s32 v17, $0x1F;
	v16 =	vand.u32 $0x7F80, v16  }
0x243: {  	vm10 =	veq.s32 v22, v9;
	v25 =	vand.u32 $0x7FFFFFFF, v25;
	v27 =	vor.u32 v0, v16  }
0x244: {  	v20 =	vshrl.u32 v15, $0x9;
	v17 =	vxor.u32 v17, v25;
	v25 =	vshra.s32 v14, $0x18  }
0x245: {  	v12 =	vshra.s32 v17, $0x18;
	v17 =	vshrl.u32 v17, $0x9;
	vm3 =	veq.s32 v25, v9  }
0x246: {  	vm1 =	veq.s32 v12, v9;
	v12 =	vshrl.u32 v14, $0x9;
	v14 =	vand.u32 $0x7FFFFFFF, v62  }
0x247: {  	v25 =	vand.u32 $0x7F80, v20;
	v20 =	vshra.s32 v63, $0x18;
	v14 =	vxor.u32 v19, v14  }
0x248: {  	v12 =	vand.u32 $0x7F80, v12;
	v19 =	vand.u32 $0x7FFFFFFF, v24;
	v24 =	vshra.s32 v14, $0x18  }
0x249: {  	v13 =	vxor.u32 v13, v19;
	v19 =	vshra.s32 v23, $0x1F;
	vm2 =	veq.s32 v24, v9  }
0x24a: {  	v22 =	vshra.s32 v13, $0x18;
	v16 =	vand.u32 $0x7FFFFFFF, v19;
	v13 =	vshrl.u32 v13, $0x9  }
0x24b: {  	v19 =	vshra.s32 v26, $0x18;
	v24 =	vor.u32 v0, v11;
	v26 =	vand.u32 $0x7F80, v31  }
0x24c: {  	[tilespmem:v29+s13+$0x0] =	vst.idx.add.s32.msk vm6, v5;
	v34 =	vxor.u32 v23, v16;
	v13 =	vand.u32 $0x7F80, v13;
	vm8 =	veq.s32 v22, v9  }
0x24d: {  	[tilespmem:v60+s13+$0x0] =	vst.idx.add.s32.msk vm7, v5;
	v16 =	vand.u32 $0x7F80, v17;
	v23 =	vor.u32 v0, v13;
	v11 =	vshrl.u32 v34, $0x9  }
0x24e: {  	[tilespmem:v32+s13+$0x0] =	vst.idx.add.s32.msk vm9, v5;
	v17 =	vshrl.u32 v63, $0x9;
	v13 =	vshra.s32 v28, $0x18;
	v11 =	vand.u32 $0x7F80, v11  }
0x24f: {  	s24 =	simm.s32 $0x790;
	[tilespmem:v27+s13+$0x0] =	vst.idx.add.s32.msk vm10, v5;
	v22 =	vshra.s32 v34, $0x18;
	vm6 =	veq.s32 v13, v9;
	v13 =	vor.u32 v0, v11  }
.LBB2_24:
0x250: {  	s19 =	sadd.s32 $0x1, s24  }
0x251: {  	s21 =	sadd.s32 $0x2, s24;
	s22 =	sadd.s32 $0x3, s24;
	v11 =	vshra.s32 v15, $0x18;
	v15 =	vor.u32 v0, v25;
	v25 =	vor.u32 v0, v26;
	s20 =	smov.u32 s24  }
0x252: {  	s23 =	sadd.s32 $0x5, s24;
	v18 =	vor.u32 v0, v18;
	v26 =	vadd.s32 s19, v0;
	v27 =	vadd.s32 s21, v0;
	s19 =	sadd.s32 $0x4, s24;
	s21 =	sadd.s32 $0x6, s24;
	[tilespmem:v23+s13+$0x0] =	vst.idx.add.s32.msk vm8, v5  }
0x253: {  	s25 =	sadd.s32 $0x8, s24;
	v28 =	vadd.s32 s23, v0;
	s23 =	sadd.s32 $0x9, s24;
	vm9 =	veq.s32 v11, v9;
	v23 =	vadd.s32 s19, v0;
	s19 =	sadd.s32 $0x7, s24;
	[tilespmem:v24+s13+$0x0] =	vst.idx.add.s32.msk vm0, v5  }
0x254: {  	s26 =	sadd.s32 $0xC, s24;
	vm7 =	veq.s32 v22, v9;
	v24 =	vadd.s32 s25, v0;
	s25 =	sadd.s32 $0xB, s24;
	v11 =	vadd.s32 s19, v0;
	s19 =	sadd.s32 $0xA, s24  }
0x255: {  	v21 =	vand.u32 $0x7F80, v21;
	s28 =	sadd.s32 $0xE, s20;
	v29 =	vadd.s32 s25, v0;
	s25 =	sadd.s32 $0xD, s20;
	v22 =	vadd.s32 s19, v0;
	s19 =	sadd.s32 $0x10, s24  }
0x256: {  	p0 =	slt.u32 s24, $0x7F0;
	vm8 =	veq.s32 v19, v9;
	v31 =	vadd.s32 s28, v0;
	v30 =	vadd.s32 s25, v0;
	[tilespmem:v25+s13+$0x0] =	vst.idx.add.s32.msk vm5, v5  }
0x257: {  	v14 =	vshrl.u32 v14, $0x9;
	v19 =	vand.u32 $0x7FF, v31;
	v11 =	vand.u32 $0x7FF, v11;
	[tilespmem:v18+s13+$0x0] =	vst.idx.add.s32.msk vm4, v5  }
0x258: {  	v14 =	vand.u32 $0x7F80, v14;
	v19 =	vor.u32 v6, v19;
	v18 =	vand.u32 $0x7FF, v26  }
0x259: {  	v24 =	vand.u32 $0x7FF, v24;
	v18 =	vor.u32 v6, v18;
	[tilespmem:v15+s13+$0x0] =	vst.idx.add.s32.msk vm9, v5;
	v15 =	vor.u32 v0, v21  }
0x25a: {  	vm0 =	veq.s32 v20, v9;
	v21 =	vand.u32 $0x7FF, v22;
	v22 =	vand.u32 $0x7FF, v29;
	[tilespmem:v10+s13+$0x0] =	vst.idx.add.s32.msk vm6, v5  }
0x25b: {  	s24 =	sadd.s32 $0xF, s20;
	v10 =	vor.u32 v6, v11;
	v11 =	vor.u32 v6, v24;
	v20 =	vor.u32 v6, v21  }
0x25c: {  	v16 =	vor.u32 v0, v16;
	v21 =	vor.u32 v6, v22;
	v22 =	vadd.s32 s24, v0;
	[tilespmem:v13+s13+$0x0] =	vst.idx.add.s32.msk vm7, v5  }
0x25d: {  	v14 =	vor.u32 v0, v14;
	v24 =	vadd.s32 s22, v0;
	v13 =	vand.u32 $0x7FF, v27;
	v19 =	vld.idx.msk [tilespmem:v19+s3+$0x0], $0xffff  }
0x25e: {  	v17 =	vand.u32 $0x7F80, v17;
	v23 =	vand.u32 $0x7FF, v23;
	v25 =	vand.u32 $0x7FF, v28;
	[tilespmem:v15+s13+$0x0] =	vst.idx.add.s32.msk vm8, v5  }
0x25f: {  	v12 =	vor.u32 v0, v12;
	v15 =	vld.idx.msk [tilespmem:v18+s3+$0x0], $0xffff;
	v18 =	vor.u32 v6, v13;
	v13 =	vadd.s32 s26, v0  }
0x260: {  	v28 =	vand.u32 $0x7FF, v30;
	v26 =	vadd.s32 s21, v0;
	v27 =	vld.idx.msk [tilespmem:v11+s3+$0x0], $0xffff;
	v11 =	vadd.s32 s23, v0  }
0x261: {  	v26 =	vand.u32 $0x7FF, v26;
	v22 =	vand.u32 $0x7FF, v22;
	v11 =	vand.u32 $0x7FF, v11;
	[tilespmem:v16+s13+$0x0] =	vst.idx.add.s32.msk vm1, v5  }
0x262: {  	v17 =	vor.u32 v0, v17;
	v13 =	vand.u32 $0x7FF, v13;
	v11 =	vor.u32 v6, v11;
	[tilespmem:v14+s13+$0x0] =	vst.idx.add.s32.msk vm2, v5  }
0x263: {  	v28 =	vor.u32 v6, v28;
	v29 =	vor.u32 v6, v13;
	v14 =	vor.u32 s20, v7;
	v20 =	vld.idx.msk [tilespmem:v20+s3+$0x0], $0xffff  }
0x264: {  	v22 =	vor.u32 v6, v22;
	v13 =	vand.u32 $0x7FF, v24;
	v24 =	vor.u32 v6, v26;
	[tilespmem:v12+s13+$0x0] =	vst.idx.add.s32.msk vm3, v5  }
0x265: {  	v26 =	vor.u32 v6, v13;
	v12 =	vshra.s32 v15, $0x1F;
	v16 =	vld.idx.msk [tilespmem:v10+s3+$0x0], $0xffff  }
0x266: {  	v13 =	vshra.s32 v19, $0x1F;
	v10 =	vand.u32 $0x7FFFFFFF, v12;
	v12 =	vor.u32 v6, v23;
	v21 =	vld.idx.msk [tilespmem:v21+s3+$0x0], $0xffff  }
0x267: {  	v13 =	vand.u32 $0x7FFFFFFF, v13;
	v10 =	vxor.u32 v15, v10;
	[tilespmem:v17+s13+$0x0] =	vst.idx.add.s32.msk vm0, v5  }
0x268: {  	v13 =	vxor.u32 v19, v13;
	v15 =	vshra.s32 v10, $0x18;
	v10 =	vshrl.u32 v10, $0x9;
	v17 =	vld.idx.msk [tilespmem:v11+s3+$0x0], $0xffff  }
0x269: {  	v19 =	vshra.s32 v27, $0x1F;
	v23 =	vshrl.u32 v13, $0x9;
	vm0 =	veq.s32 v15, v9;
	v15 =	vld.idx.msk [tilespmem:v24+s3+$0x0], $0xffff  }
0x26a: {  	v11 =	vimm.s32 $0x0;
	v10 =	vand.u32 $0x7F80, v10;
	v24 =	vshra.s32 v20, $0x1F;
	v14 =	vld.idx.msk [tilespmem:v14+s3+$0x0], $0xffff  }
0x26b: {  	v23 =	vand.u32 $0x7F80, v23;
	v30 =	vor.u32 v0, v10;
	v10 =	vand.u32 $0x7FFFFFFF, v24;
	v12 =	vld.idx.msk [tilespmem:v12+s3+$0x0], $0xffff  }
0x26c: {  	v24 =	vor.u32 v6, v25;
	v20 =	vxor.u32 v20, v10;
	v10 =	vshra.s32 v21, $0x1F;
	v25 =	vld.idx.msk [tilespmem:v28+s3+$0x0], $0xffff  }
0x26d: {  	v19 =	vand.u32 $0x7FFFFFFF, v19;
	v28 =	vand.u32 $0x7FFFFFFF, v10;
	v10 =	vor.u32 v0, v23  }
0x26e: {  	v19 =	vxor.u32 v27, v19;
	v23 =	vshra.s32 v16, $0x1F;
	v27 =	vshra.s32 v20, $0x18  }
0x26f: {  	v31 =	vshra.s32 v19, $0x18;
	v19 =	vshrl.u32 v19, $0x9;
	v21 =	vxor.u32 v21, v28;
	v28 =	vld.idx.msk [tilespmem:v29+s3+$0x0], $0xffff  }
0x270: {  	vm1 =	veq.s32 v31, v9;
	v19 =	vand.u32 $0x7F80, v19;
	[tilespmem:v30+s13+$0x0] =	vst.idx.add.s32.msk vm0, v5;
	vm0 =	veq.s32 v27, v9  }
0x271: {  	v19 =	vor.u32 v0, v19;
	v29 =	vshra.s32 v15, $0x1F;
	v27 =	vshra.s32 v12, $0x1F;
	v26 =	vld.idx.msk [tilespmem:v26+s3+$0x0], $0xffff  }
0x272: {  	v30 =	vshra.s32 v17, $0x1F;
	v27 =	vand.u32 $0x7FFFFFFF, v27;
	v31 =	vshra.s32 v25, $0x1F;
	v18 =	vld.idx.msk [tilespmem:v18+s3+$0x0], $0xffff  }
0x273: {  	v12 =	vxor.u32 v12, v27;
	v27 =	vand.u32 $0x7FFFFFFF, v29;
	v29 =	vand.u32 $0x7FFFFFFF, v30  }
0x274: {  	v30 =	vshra.s32 v14, $0x1F;
	v32 =	vshra.s32 v12, $0x18;
	v12 =	vshrl.u32 v12, $0x9  }
0x275: {  	v27 =	vxor.u32 v15, v27;
	vm2 =	veq.s32 v32, v9;
	v15 =	vshra.s32 v28, $0x1F;
	v24 =	vld.idx.msk [tilespmem:v24+s3+$0x0], $0xffff  }
0x276: {  	v17 =	vxor.u32 v17, v29;
	v32 =	vshra.s32 v27, $0x18;
	v15 =	vand.u32 $0x7FFFFFFF, v15;
	[tilespmem:v19+s13+$0x0] =	vst.idx.add.s32.msk vm1, v5  }
0x277: {  	v29 =	vshra.s32 v17, $0x18;
	v19 =	vshra.s32 v26, $0x1F;
	v28 =	vxor.u32 v28, v15  }
0x278: {  	v17 =	vshrl.u32 v17, $0x9;
	v15 =	vand.u32 $0x7FFFFFFF, v30;
	v30 =	vshra.s32 v18, $0x1F  }
0x279: {  	v12 =	vand.u32 $0x7F80, v12;
	v17 =	vand.u32 $0x7F80, v17;
	v33 =	vshra.s32 v28, $0x18  }
0x27a: {  	v34 =	vand.u32 $0x7FFFFFFF, v19;
	v19 =	vor.u32 v0, v12;
	v30 =	vand.u32 $0x7FFFFFFF, v30  }
0x27b: {  	v15 =	vxor.u32 v14, v15;
	v12 =	vand.u32 $0x7FFFFFFF, v31;
	v14 =	vshra.s32 v24, $0x1F  }
0x27c: {  	v27 =	vshrl.u32 v27, $0x9;
	v28 =	vshrl.u32 v28, $0x9;
	v18 =	vxor.u32 v18, v30  }
0x27d: {  	v25 =	vxor.u32 v25, v12;
	v30 =	vshra.s32 v18, $0x18;
	v31 =	vshrl.u32 v18, $0x9  }
0x27e: {  	vm4 =	veq.s32 v32, v9;
	v12 =	vand.u32 $0x7F80, v28;
	vm1 =	veq.s32 v30, v9  }
0x27f: {  	v20 =	vshrl.u32 v20, $0x9;
	v18 =	vand.u32 $0x7F80, v27;
	v27 =	vshra.s32 v25, $0x18;
	v22 =	vld.idx.msk [tilespmem:v22+s3+$0x0], $0xffff  }
0x280: {  	v28 =	vand.u32 $0x7F80, v20;
	v14 =	vand.u32 $0x7FFFFFFF, v14;
	v30 =	vshrl.u32 v25, $0x9;
	[tilespmem:v19+s13+$0x0] =	vst.idx.add.s32.msk vm2, v5  }
0x281: {  	vm5 =	veq.s32 v27, v9;
	v14 =	vxor.u32 v24, v14;
	v19 =	vand.u32 $0x7FFFFFFF, v23  }
0x282: {  	vm6 =	veq.s32 v29, v9;
	v20 =	vshra.s32 v14, $0x18;
	v16 =	vxor.u32 v16, v19  }
0x283: {  	v17 =	vor.u32 v0, v17;
	vm2 =	veq.s32 v20, v9;
	v20 =	vshra.s32 v16, $0x18  }
0x284: {  	v24 =	vshrl.u32 v15, $0x9;
	v19 =	vshra.s32 v21, $0x18;
	v21 =	vshrl.u32 v21, $0x9  }
0x285: {  	v26 =	vxor.u32 v26, v34;
	v16 =	vshrl.u32 v16, $0x9;
	v23 =	vshra.s32 v22, $0x1F  }
0x286: {  	vm8 =	veq.s32 v20, v9;
	v16 =	vand.u32 $0x7F80, v16;
	v20 =	vand.u32 $0x7FFFFFFF, v23  }
.Ltmp14:
0x287: {  	vm3 =	veq.s32 v33, v9;
	v23 =	vor.u32 v0, v16;
	v27 =	vxor.u32 v22, v20;
	(pc) =	sbr.rel @p0 .LBB2_24-.Ltmp14, $4  }
0x288: {  	v25 =	vand.u32 $0x7F80, v24;
	v16 =	vand.u32 $0x7F80, v31;
	v22 =	vshra.s32 v27, $0x18;
	[tilespmem:v17+s13+$0x0] =	vst.idx.add.s32.msk vm6, v5  }
0x289: {  	v24 =	vor.u32 v0, v28;
	v20 =	vshra.s32 v26, $0x18;
	v27 =	vshrl.u32 v27, $0x9  }
0x28a: {  	v13 =	vshra.s32 v13, $0x18;
	v17 =	vshrl.u32 v26, $0x9;
	v27 =	vand.u32 $0x7F80, v27  }
0x28b: {  	s24 =	smov.u32 s19;
	s20 =	simm.s32 $0x17A00;
	v26 =	vand.u32 $0x7F80, v30;
	vm6 =	veq.s32 v13, v9;
	v13 =	vor.u32 v0, v27  }
0x28c: {  	_ =	sdelay $0x2  }
0x28d: {  	v26 =	vor.u32 v0, v26  }
0x28e: {  	v18 =	vor.u32 v0, v18  }
0x28f: {  	[tilespmem:v23+s13+$0x0] =	vst.idx.add.s32.msk vm8, v5;
	v16 =	vor.u32 v0, v16  }
0x290: {  	vm8 =	veq.s32 v22, v9;
	[tilespmem:v24+s13+$0x0] =	vst.idx.add.s32.msk vm0, v5;
	v12 =	vor.u32 v0, v12  }
0x291: {  	v15 =	vshra.s32 v15, $0x18;
	v21 =	vand.u32 $0x7F80, v21;
	vm0 =	veq.s32 v19, v9;
	[tilespmem:v10+s13+$0x0] =	vst.idx.add.s32.msk vm6, v5  }
0x292: {  	v14 =	vshrl.u32 v14, $0x9;
	vm7 =	veq.s32 v15, v9;
	v19 =	vor.u32 v0, v21;
	[tilespmem:v26+s13+$0x0] =	vst.idx.add.s32.msk vm5, v5  }
0x293: {  	v15 =	vor.u32 v0, v25;
	v14 =	vand.u32 $0x7F80, v14;
	[tilespmem:v18+s13+$0x0] =	vst.idx.add.s32.msk vm4, v5  }
0x294: {  	v10 =	vand.u32 $0x7F80, v17;
	v14 =	vor.u32 v0, v14;
	vm4 =	veq.s32 v20, v9;
	[tilespmem:v16+s13+$0x0] =	vst.idx.add.s32.msk vm1, v5  }
0x295: {  	v10 =	vor.u32 v0, v10;
	[tilespmem:v12+s13+$0x0] =	vst.idx.add.s32.msk vm3, v5  }
0x296: {  	[tilespmem:v13+s13+$0x0] =	vst.idx.add.s32.msk vm8, v5  }
0x297: {  	[tilespmem:v19+s13+$0x0] =	vst.idx.add.s32.msk vm0, v5  }
0x298: {  	[tilespmem:v15+s13+$0x0] =	vst.idx.add.s32.msk vm7, v5  }
0x299: {  	[tilespmem:v14+s13+$0x0] =	vst.idx.add.s32.msk vm2, v5  }
0x29a: {  	[tilespmem:v10+s13+$0x0] =	vst.idx.add.s32.msk vm4, v5  }
0x29b: {  	v10 =	vld [tilespmem:s20+$0xFFFFFE00]  }
0x29c: {  	v12 =	vld [tilespmem:s20+$0xFFFFFE80]  }
0x29d: {  	v13 =	vld [tilespmem:s20+$0xFFFFFF00]  }
0x29e: {  	v14 =	vld [tilespmem:s20+$0xFFFFFF80]  }
0x29f: {  	v15 =	vld [tilespmem:s20+$0x0]  }
0x2a0: {  	v16 =	vadd.s32 v11, v10;
	v10 =	vld [tilespmem:s20+$0x80]  }
0x2a1: {  	v12 =	vadd.s32 v16, v12  }
0x2a2: {  	v17 =	vld [tilespmem:s20+$0x100];
	v13 =	vadd.s32 v12, v13  }
0x2a3: {  	v18 =	vld [tilespmem:s20+$0x180];
	vm0 =	vle.s32 v16, v8;
	v14 =	vadd.s32 v13, v14  }
0x2a4: {  	v19 =	vsel vm0, $0x1, v1;
	vm6 =	vle.s32 v12, v8;
	v15 =	vadd.s32 v14, v15  }
0x2a5: {  	[tilespmem:s20+$0xFFFFFE00] =	vst v1;
	vm1 =	vle.s32 v13, v8;
	v21 =	vsel vm6, $0x1, v1;
	v22 =	vadd.s32 v15, v10  }
0x2a6: {  	s21 =	simm.s32 $0x17E00;
	[tilespmem:s20+$0xFFFFFE80] =	vst v1;
	v20 =	vsel vm1, $0x1, v1;
	vm4 =	vle.s32 v14, v8;
	vm3 =	vle.s32 v22, v8  }
0x2a7: {  	[tilespmem:s20+$0xFFFFFF00] =	vst v1;
	vm5 =	vle.s32 v15, v8;
	v24 =	vadd.s32 v22, v17;
	v17 =	vld [tilespmem:s21+$0xFFFFFE00];
	v23 =	vsel vm3, $0x1, v1  }
0x2a8: {  	[tilespmem:s20+$0xFFFFFF80] =	vst v1;
	v25 =	vld [tilespmem:s21+$0xFFFFFE80];
	vm2 =	vle.s32 v24, v8;
	v10 =	vadd.s32 v24, v18;
	v18 =	vadd.s32 v19, v11  }
0x2a9: {  	[tilespmem:s20+$0x0] =	vst v1;
	v26 =	vld [tilespmem:s21+$0xFFFFFF00];
	v11 =	vsel vm0, v16, v11;
	v19 =	vsel vm5, $0x1, v1;
	vm0 =	vle.s32 v10, v8  }
0x2aa: {  	[tilespmem:s20+$0x100] =	vst v1;
	v16 =	vadd.s32 v21, v18;
	v12 =	vsel vm6, v12, v11;
	v11 =	vsel vm4, $0x1, v1;
	v21 =	vld [tilespmem:s21+$0xFFFFFF80]  }
0x2ab: {  	[tilespmem:s20+$0x180] =	vst v1;
	v28 =	vsel vm2, $0x1, v1;
	v16 =	vadd.s32 v20, v16;
	v20 =	vld [tilespmem:s21+$0x0];
	v18 =	vsel vm0, $0x1, v1  }
0x2ac: {  	[tilespmem:s21+$0xFFFFFE80] =	vst v1;
	v13 =	vsel vm1, v13, v12;
	v11 =	vadd.s32 v11, v16;
	v16 =	vadd.s32 v10, v17  }
0x2ad: {  	v27 =	vld [tilespmem:s21+$0x80];
	[tilespmem:s21+$0xFFFFFF00] =	vst v1;
	v14 =	vsel vm4, v14, v13;
	v11 =	vadd.s32 v19, v11;
	v17 =	vadd.s32 v16, v25  }
0x2ae: {  	[tilespmem:s21+$0x80] =	vst v1;
	vm6 =	vle.s32 v16, v8;
	v25 =	vld [tilespmem:s21+$0x100];
	v29 =	vadd.s32 v23, v11;
	v11 =	vadd.s32 v17, v26  }
0x2af: {  	[tilespmem:s20+$0x80] =	vst v1;
	v15 =	vsel vm5, v15, v14;
	v19 =	vsel vm6, $0x1, v1;
	v12 =	vadd.s32 v11, v21  }
0x2b0: {  	[tilespmem:s21+$0xFFFFFE00] =	vst v1;
	v23 =	vld [tilespmem:s21+$0x180];
	vm7 =	vle.s32 v17, v8;
	vm1 =	vle.s32 v11, v8;
	v13 =	vadd.s32 v12, v20  }
0x2b1: {  	[tilespmem:s21+$0xFFFFFF80] =	vst v1;
	v21 =	vsel vm1, $0x1, v1;
	v20 =	vsel vm3, v22, v15;
	v22 =	vsel vm7, $0x1, v1  }
0x2b2: {  	[tilespmem:s21+$0x0] =	vst v1;
	vm5 =	vle.s32 v12, v8;
	v14 =	vadd.s32 v13, v27;
	vm4 =	vle.s32 v13, v8  }
0x2b3: {  	[tilespmem:s21+$0x100] =	vst v1;
	v24 =	vsel vm2, v24, v20;
	v15 =	vadd.s32 v14, v25;
	vm3 =	vle.s32 v14, v8  }
0x2b4: {  	s19 =	simm.s32 $0x8;
	s20 =	simm.s32 $0x18200;
	[tilespmem:s21+$0x180] =	vst v1;
	v25 =	vadd.s32 v28, v29;
	v20 =	vsel vm3, $0x1, v1;
	vm2 =	vle.s32 v15, v8  }
.LBB2_26:
0x2b5: {  	v26 =	vld [tilespmem:s20+$0xFFFFFE00];
	s19 =	sadd.s32 $0x8, s19;
	v18 =	vadd.s32 v18, v25;
	v24 =	vsel vm0, v10, v24;
	v10 =	vadd.s32 v15, v23  }
0x2b6: {  	[tilespmem:s20+$0xFFFFFE00] =	vst v1;
	v23 =	vld [tilespmem:s20+$0xFFFFFE80];
	p0 =	slt.u32 s19, $0xF8;
	v18 =	vadd.s32 v19, v18;
	v16 =	vsel vm6, v16, v24;
	vm0 =	vle.s32 v10, v8  }
0x2b7: {  	[tilespmem:s20+$0xFFFFFE80] =	vst v1;
	v24 =	vld [tilespmem:s20+$0xFFFFFF00];
	v18 =	vadd.s32 v22, v18;
	v22 =	vsel vm7, v17, v16;
	v16 =	vsel vm5, $0x1, v1  }
0x2b8: {  	v19 =	vsel vm4, $0x1, v1;
	[tilespmem:s20+$0xFFFFFF00] =	vst v1;
	v25 =	vld [tilespmem:s20+$0xFFFFFF80];
	v17 =	vadd.s32 v21, v18  }
0x2b9: {  	v18 =	vsel vm0, $0x1, v1;
	[tilespmem:s20+$0xFFFFFF80] =	vst v1;
	v21 =	vld [tilespmem:s20+$0x0];
	v17 =	vadd.s32 v16, v17  }
0x2ba: {  	v27 =	vsel vm2, $0x1, v1;
	v16 =	vadd.s32 v10, v26;
	[tilespmem:s20+$0x0] =	vst v1;
	v26 =	vld [tilespmem:s20+$0x80];
	v19 =	vadd.s32 v19, v17  }
0x2bb: {  	vm6 =	vle.s32 v16, v8;
	v17 =	vadd.s32 v16, v23;
	[tilespmem:s20+$0x80] =	vst v1;
	v28 =	vld [tilespmem:s20+$0x100];
	v29 =	vadd.s32 v20, v19  }
0x2bc: {  	v20 =	vsel vm1, v11, v22;
	v19 =	vsel vm6, $0x1, v1;
	[tilespmem:s20+$0x100] =	vst v1;
	v11 =	vadd.s32 v17, v24  }
0x2bd: {  	vm7 =	vle.s32 v17, v8;
	v20 =	vsel vm5, v12, v20;
	v12 =	vadd.s32 v11, v25  }
.Ltmp15:
0x2be: {  	vm1 =	vle.s32 v11, v8;
	v20 =	vsel vm4, v13, v20;
	v23 =	vld [tilespmem:s20+$0x180];
	v13 =	vadd.s32 v12, v21;
	(pc) =	sbr.rel @p0 .LBB2_26-.Ltmp15, $4  }
0x2bf: {  	v21 =	vsel vm1, $0x1, v1;
	v20 =	vsel vm3, v14, v20;
	[tilespmem:s20+$0x180] =	vst v1;
	v14 =	vadd.s32 v13, v26  }
0x2c0: {  	v22 =	vsel vm7, $0x1, v1;
	vm5 =	vle.s32 v12, v8;
	v25 =	vadd.s32 v14, v28  }
0x2c1: {  	vm4 =	vle.s32 v13, v8;
	v24 =	vsel vm2, v15, v20;
	vm3 =	vle.s32 v14, v8;
	v15 =	vmovc v25  }
0x2c2: {  	s20 =	sadd.s32 $0x400, s20;
	v20 =	vsel vm3, $0x1, v1;
	v25 =	vadd.s32 v27, v29;
	vm2 =	vle.s32 v15, v8  }
0x2c3: {  	v18 =	vadd.s32 v18, v25  }
0x2c4: {  	v10 =	vsel vm0, v10, v24;
	v18 =	vadd.s32 v19, v18  }
0x2c5: {  	v19 =	vadd.s32 v15, v23;
	v10 =	vsel vm6, v16, v10;
	v16 =	vadd.s32 v22, v18  }
0x2c6: {  	s20 =	simm.s32 $0x10080;
	v10 =	vsel vm7, v17, v10;
	v17 =	vsel vm5, $0x1, v1;
	v16 =	vadd.s32 v21, v16  }
0x2c7: {  	v18 =	vsel vm4, $0x1, v1;
	v10 =	vsel vm1, v11, v10;
	v11 =	vld [tilespmem:s20+$0x70];
	v16 =	vadd.s32 v17, v16  }
0x2c8: {  	vm0 =	vle.s32 v19, v8;
	v10 =	vsel vm5, v12, v10;
	v12 =	vld [tilespmem:s20+$0xFFFFFF80];
	v16 =	vadd.s32 v18, v16  }
0x2c9: {  	v17 =	vsel vm2, $0x1, v1;
	v10 =	vsel vm4, v13, v10;
	v13 =	vld [tilespmem:s20+$0x60];
	v16 =	vadd.s32 v20, v16  }
0x2ca: {  	v18 =	vsel vm0, $0x1, v1;
	v10 =	vsel vm3, v14, v10;
	v14 =	vadd.s32 v17, v16  }
0x2cb: {  	v9 =	vshll.u32 v9, $0x8;
	v20 =	vld [tilespmem:s20+$0xFFFFFFD0];
	v10 =	vsel vm2, v15, v10;
	v14 =	vadd.s32 v18, v14  }
0x2cc: {  	v16 =	vld [tilespmem:s20+$0x10];
	v10 =	vsel vm0, v19, v10;
	v9 =	vadd.s32 v9, v14;
	v14 =	vshra.s32 v11, $0x10  }
0x2cd: {  	v15 =	vld [tilespmem:s20+$0x40];
	v11 =	vshrl.u32 v11, $0x1;
	v17 =	vshra.s32 v12, $0x10;
	v12 =	vshrl.u32 v12, $0x1  }
0x2ce: {  	v11 =	vand.u32 $0x7F80, v11;
	v12 =	vand.u32 $0x7F80, v12;
	v18 =	vshrl.u32 v13, $0x1  }
0x2cf: {  	v21 =	vld [tilespmem:s20+$0xFFFFFFA0];
	v22 =	vshra.s32 v13, $0x10;
	vm3 =	veq.s32 v14, v9;
	vm5 =	veq.s32 v17, v9  }
0x2d0: {  	v19 =	vld [tilespmem:s20+$0xFFFFFFE0];
	v18 =	vand.u32 $0x7F80, v18;
	vm1 =	veq.s32 v22, v9;
	v12 =	vor.u32 v0, v12  }
0x2d1: {  	v23 =	vld [tilespmem:s20+$0xFFFFFFC0];
	v25 =	vshra.s32 v20, $0x10;
	v20 =	vshrl.u32 v20, $0x1;
	v13 =	vshra.s32 v16, $0x10  }
0x2d2: {  	v14 =	vld [tilespmem:s20+$0x0];
	v24 =	vshra.s32 v15, $0x10;
	v15 =	vshrl.u32 v15, $0x1;
	v16 =	vshrl.u32 v16, $0x1  }
0x2d3: {  	v17 =	vor.u32 v0, v18;
	v18 =	vld [tilespmem:s20+$0xFFFFFF90];
	vm0 =	veq.s32 v25, v9;
	v25 =	vand.u32 $0x7F80, v20  }
0x2d4: {  	v20 =	vshrl.u32 v21, $0x1;
	vm4 =	veq.s32 v24, v9;
	v24 =	vor.u32 v0, v11;
	v11 =	vld [tilespmem:s20+$0xFFFFFFB0]  }
0x2d5: {  	v21 =	vshra.s32 v21, $0x10;
	v15 =	vand.u32 $0x7F80, v15;
	v22 =	vshrl.u32 v19, $0x1  }
0x2d6: {  	v26 =	vand.u32 $0x7F80, v16;
	v27 =	vshra.s32 v19, $0x10;
	v19 =	vshra.s32 v23, $0x10  }
0x2d7: {  	v23 =	vshrl.u32 v23, $0x1;
	v15 =	vor.u32 v0, v15;
	v16 =	vshra.s32 v14, $0x10;
	[tilespmem:v12+s13+$0x0] =	vst.idx.add.s32.msk vm5, v5  }
0x2d8: {  	v14 =	vshrl.u32 v14, $0x1;
	vm2 =	veq.s32 v16, v9;
	v16 =	vand.u32 $0x7F80, v22;
	v22 =	vld [tilespmem:s20+$0x30]  }
0x2d9: {  	[tilespmem:v17+s13+$0x0] =	vst.idx.add.s32.msk vm1, v5;
	v12 =	vshra.s32 v18, $0x10;
	v17 =	vor.u32 v0, v26;
	v28 =	vshra.s32 v11, $0x10  }
0x2da: {  	v29 =	vshrl.u32 v11, $0x1;
	vm1 =	veq.s32 v12, v9;
	v11 =	vand.u32 $0x7F80, v20;
	[tilespmem:v24+s13+$0x0] =	vst.idx.add.s32.msk vm3, v5  }
0x2db: {  	v12 =	vand.u32 $0x7F80, v14;
	v14 =	vshrl.u32 v18, $0x1;
	v20 =	vld [tilespmem:s20+$0xFFFFFFF0];
	v24 =	vand.u32 $0x7F80, v23  }
0x2dc: {  	[tilespmem:v15+s13+$0x0] =	vst.idx.add.s32.msk vm4, v5;
	v11 =	vor.u32 v0, v11;
	v14 =	vand.u32 $0x7F80, v14;
	v18 =	vor.u32 v0, v12  }
0x2dd: {  	v15 =	vor.u32 v0, v25;
	v25 =	vld [tilespmem:s20+$0x20];
	v12 =	vor.u32 v0, v14;
	v14 =	vand.u32 $0x7F80, v29  }
0x2de: {  	s19 =	simm.s32 $0x0;
	v23 =	vld [tilespmem:s20+$0x50];
	vm3 =	veq.s32 v28, v9;
	vm4 =	veq.s32 v27, v9;
	s20 =	simm.s32 $0x10180;
	v14 =	vor.u32 v0, v14  }
.LBB2_28:
0x2df: {  	v26 =	vld [tilespmem:s20+$0x40];
	s19 =	sadd.s32 $0x10, s19;
	vm6 =	veq.s32 v19, v9;
	v19 =	vor.u32 v0, v24;
	vm7 =	veq.s32 v13, v9  }
0x2e0: {  	vm5 =	veq.s32 v21, v9;
	v24 =	vld [tilespmem:s20+$0xFFFFFF90];
	p0 =	slt.u32 s19, $0x770;
	v13 =	vshra.s32 v20, $0x10;
	v20 =	vshrl.u32 v20, $0x1  }
0x2e1: {  	v21 =	vld [tilespmem:s20+$0x70];
	v20 =	vand.u32 $0x7F80, v20;
	v27 =	vshra.s32 v22, $0x10;
	v22 =	vshrl.u32 v22, $0x1  }
0x2e2: {  	v28 =	vld [tilespmem:s20+$0xFFFFFF80];
	v29 =	vshra.s32 v25, $0x10;
	v25 =	vshrl.u32 v25, $0x1;
	vm9 =	veq.s32 v27, v9  }
0x2e3: {  	v22 =	vand.u32 $0x7F80, v22;
	v27 =	vld [tilespmem:s20+$0x60];
	v30 =	vshra.s32 v23, $0x10;
	v23 =	vshrl.u32 v23, $0x1  }
0x2e4: {  	vm10 =	veq.s32 v29, v9;
	v31 =	vld [tilespmem:s20+$0xFFFFFFA0];
	vm8 =	veq.s32 v30, v9;
	v23 =	vand.u32 $0x7F80, v23  }
0x2e5: {  	v25 =	vand.u32 $0x7F80, v25;
	v22 =	vor.u32 v0, v22;
	v29 =	vld [tilespmem:s20+$0xFFFFFFB0];
	v23 =	vor.u32 v0, v23  }
0x2e6: {  	v25 =	vor.u32 v0, v25;
	v30 =	vld [tilespmem:s20+$0xFFFFFFC0];
	v32 =	vshra.s32 v21, $0x10;
	v21 =	vshrl.u32 v21, $0x1  }
0x2e7: {  	v33 =	vshra.s32 v28, $0x10;
	v28 =	vshrl.u32 v28, $0x1;
	v34 =	vld [tilespmem:s20+$0xFFFFFFD0];
	v21 =	vand.u32 $0x7F80, v21  }
0x2e8: {  	v28 =	vand.u32 $0x7F80, v28;
	v35 =	vld [tilespmem:s20+$0x10];
	v36 =	vshra.s32 v27, $0x10;
	v27 =	vshrl.u32 v27, $0x1  }
0x2e9: {  	v37 =	vld [tilespmem:s20+$0xFFFFFFE0];
	v27 =	vand.u32 $0x7F80, v27  }
0x2ea: {  	vm11 =	veq.s32 v13, v9;
	[tilespmem:v22+s13+$0x0] =	vst.idx.add.s32.msk vm9, v5  }
0x2eb: {  	v20 =	vor.u32 v0, v20;
	v22 =	vld [tilespmem:s20+$0x0]  }
0x2ec: {  	v16 =	vor.u32 v0, v16;
	[tilespmem:v25+s13+$0x0] =	vst.idx.add.s32.msk vm10, v5  }
0x2ed: {  	v25 =	vshra.s32 v26, $0x10;
	v26 =	vshrl.u32 v26, $0x1;
	v13 =	vshra.s32 v35, $0x10;
	[tilespmem:v23+s13+$0x0] =	vst.idx.add.s32.msk vm8, v5  }
0x2ee: {  	[tilespmem:v17+s13+$0x0] =	vst.idx.add.s32.msk vm7, v5  }
0x2ef: {  	vm7 =	veq.s32 v32, v9;
	[tilespmem:v18+s13+$0x0] =	vst.idx.add.s32.msk vm2, v5  }
0x2f0: {  	vm8 =	veq.s32 v25, v9;
	v18 =	vor.u32 v0, v21;
	[tilespmem:v20+s13+$0x0] =	vst.idx.add.s32.msk vm11, v5  }
0x2f1: {  	vm9 =	veq.s32 v36, v9;
	v17 =	vshrl.u32 v35, $0x1;
	[tilespmem:v16+s13+$0x0] =	vst.idx.add.s32.msk vm4, v5  }
0x2f2: {  	v20 =	vor.u32 v0, v27;
	vm4 =	veq.s32 v33, v9;
	v16 =	vand.u32 $0x7F80, v26;
	[tilespmem:v15+s13+$0x0] =	vst.idx.add.s32.msk vm0, v5  }
0x2f3: {  	v21 =	vshrl.u32 v37, $0x1;
	v15 =	vor.u32 v0, v28;
	v23 =	vor.u32 v0, v16;
	[tilespmem:v19+s13+$0x0] =	vst.idx.add.s32.msk vm6, v5  }
0x2f4: {  	v25 =	vshrl.u32 v34, $0x1;
	v17 =	vand.u32 $0x7F80, v17;
	v16 =	vshra.s32 v34, $0x10;
	[tilespmem:v14+s13+$0x0] =	vst.idx.add.s32.msk vm3, v5  }
0x2f5: {  	vm0 =	veq.s32 v16, v9;
	v16 =	vshra.s32 v22, $0x10;
	v14 =	vshra.s32 v37, $0x10;
	[tilespmem:v12+s13+$0x0] =	vst.idx.add.s32.msk vm1, v5  }
0x2f6: {  	v25 =	vand.u32 $0x7F80, v25;
	v19 =	vshra.s32 v30, $0x10;
	v12 =	vshrl.u32 v22, $0x1;
	[tilespmem:v11+s13+$0x0] =	vst.idx.add.s32.msk vm5, v5  }
0x2f7: {  	v26 =	vshra.s32 v29, $0x10;
	vm2 =	veq.s32 v16, v9;
	v11 =	vshrl.u32 v31, $0x1;
	[tilespmem:v20+s13+$0x0] =	vst.idx.add.s32.msk vm9, v5  }
0x2f8: {  	v16 =	vand.u32 $0x7F80, v21;
	v22 =	vshrl.u32 v29, $0x1;
	[tilespmem:v15+s13+$0x0] =	vst.idx.add.s32.msk vm4, v5;
	v15 =	vshra.s32 v24, $0x10  }
0x2f9: {  	v12 =	vand.u32 $0x7F80, v12;
	v11 =	vand.u32 $0x7F80, v11;
	vm1 =	veq.s32 v15, v9;
	[tilespmem:v23+s13+$0x0] =	vst.idx.add.s32.msk vm8, v5  }
.Ltmp16:
0x2fa: {  	v17 =	vor.u32 v0, v17;
	v11 =	vor.u32 v0, v11;
	v15 =	vshrl.u32 v24, $0x1;
	[tilespmem:v18+s13+$0x0] =	vst.idx.add.s32.msk vm7, v5;
	(pc) =	sbr.rel @p0 .LBB2_28-.Ltmp16, $4  }
0x2fb: {  	v23 =	vshrl.u32 v30, $0x1;
	v15 =	vand.u32 $0x7F80, v15;
	v18 =	vor.u32 v0, v12;
	v20 =	vld [tilespmem:s20+$0xFFFFFFF0]  }
0x2fc: {  	v24 =	vand.u32 $0x7F80, v22;
	v12 =	vor.u32 v0, v15;
	v15 =	vor.u32 v0, v25;
	v22 =	vld [tilespmem:s20+$0x30]  }
0x2fd: {  	v21 =	vshra.s32 v31, $0x10;
	vm3 =	veq.s32 v26, v9;
	vm4 =	veq.s32 v14, v9;
	v25 =	vld [tilespmem:s20+$0x20]  }
0x2fe: {  	v14 =	vor.u32 v0, v24;
	v24 =	vand.u32 $0x7F80, v23;
	v23 =	vld [tilespmem:s20+$0x50];
	s20 =	sadd.s32 $0x100, s20  }
0x2ff: {  	_ =	sdelay $0x4  }
0x300: {  	vm8 =	veq.s32 v13, v9;
	[tilespmem:v18+s13+$0x0] =	vst.idx.add.s32.msk vm2, v5  }
0x301: {  	v16 =	vor.u32 v0, v16;
	vm2 =	veq.s32 v21, v9;
	s29 =	simm.s32 $0x781;
	[tilespmem:v14+s13+$0x0] =	vst.idx.add.s32.msk vm3, v5;
	s21 =	simm.s32 $0x782  }
0x302: {  	[tilespmem:v12+s13+$0x0] =	vst.idx.add.s32.msk vm1, v5;
	s22 =	simm.s32 $0x78D;
	v14 =	vadd.s32 s29, v0;
	v12 =	vadd.s32 s21, v0;
	v26 =	vshra.s32 v22, $0x10  }
0x303: {  	v18 =	vadd.s32 s22, v0;
	v22 =	vshrl.u32 v22, $0x1;
	vm5 =	veq.s32 v26, v9  }
0x304: {  	v22 =	vand.u32 $0x7F80, v22;
	v26 =	vshra.s32 v23, $0x10;
	v23 =	vshrl.u32 v23, $0x1  }
0x305: {  	s25 =	simm.s32 $0x78A;
	v22 =	vor.u32 v0, v22;
	vm7 =	veq.s32 v26, v9;
	v23 =	vand.u32 $0x7F80, v23  }
0x306: {  	v21 =	vadd.s32 s25, v0;
	v18 =	vand.u32 $0x7FF, v18;
	v13 =	vor.u32 v0, v23  }
0x307: {  	v12 =	vand.u32 $0x7FF, v12;
	v27 =	vshra.s32 v25, $0x10;
	v25 =	vshrl.u32 v25, $0x1  }
0x308: {  	v14 =	vand.u32 $0x7FF, v14;
	v18 =	vor.u32 v6, v18;
	v25 =	vand.u32 $0x7F80, v25  }
0x309: {  	s19 =	simm.s32 $0x784;
	vm6 =	veq.s32 v27, v9;
	v25 =	vor.u32 v0, v25;
	v23 =	vshra.s32 v20, $0x10;
	[tilespmem:v17+s13+$0x0] =	vst.idx.add.s32.msk vm8, v5  }
0x30a: {  	v20 =	vshrl.u32 v20, $0x1;
	v17 =	vadd.s32 s19, v0;
	[tilespmem:v22+s13+$0x0] =	vst.idx.add.s32.msk vm5, v5;
	vm5 =	veq.s32 v19, v9  }
0x30b: {  	s26 =	simm.s32 $0x783;
	v20 =	vand.u32 $0x7F80, v20;
	vm9 =	veq.s32 v23, v9;
	[tilespmem:v13+s13+$0x0] =	vst.idx.add.s32.msk vm7, v5;
	v13 =	vor.u32 v0, v24  }
0x30c: {  	[tilespmem:v15+s13+$0x0] =	vst.idx.add.s32.msk vm0, v5;
	s28 =	simm.s32 $0x789;
	v17 =	vand.u32 $0x7FF, v17;
	v20 =	vor.u32 v0, v20;
	v22 =	vadd.s32 s26, v0  }
0x30d: {  	s20 =	simm.s32 $0x785;
	[tilespmem:v16+s13+$0x0] =	vst.idx.add.s32.msk vm4, v5;
	v23 =	vadd.s32 s28, v0;
	v15 =	vor.u32 v6, v17;
	v22 =	vand.u32 $0x7FF, v22  }
0x30e: {  	v16 =	vadd.s32 s20, v0;
	[tilespmem:v11+s13+$0x0] =	vst.idx.add.s32.msk vm2, v5;
	v23 =	vand.u32 $0x7FF, v23;
	v22 =	vor.u32 v6, v22  }
0x30f: {  	v14 =	vor.u32 v6, v14;
	v16 =	vand.u32 $0x7FF, v16;
	v23 =	vor.u32 v6, v23;
	[tilespmem:v25+s13+$0x0] =	vst.idx.add.s32.msk vm6, v5  }
0x310: {  	s31 =	simm.s32 $0x787;
	s24 =	simm.s32 $0x78E;
	v21 =	vand.u32 $0x7FF, v21;
	v12 =	vor.u32 v6, v12;
	[tilespmem:v13+s13+$0x0] =	vst.idx.add.s32.msk vm5, v5;
	v13 =	vor.u32 v6, v16  }
0x311: {  	s21 =	simm.s32 $0x78B;
	v21 =	vor.u32 v6, v21;
	v17 =	vadd.s32 s31, v0;
	[tilespmem:v20+s13+$0x0] =	vst.idx.add.s32.msk vm9, v5;
	v20 =	vadd.s32 s24, v0  }
0x312: {  	s23 =	simm.s32 $0x78C;
	v11 =	vadd.s32 s21, v0;
	s31 =	simm.s32 $0x786;
	v17 =	vand.u32 $0x7FF, v17;
	v20 =	vand.u32 $0x7FF, v20;
	v15 =	vld.idx.msk [tilespmem:v15+s3+$0x0], $0xffff  }
0x313: {  	v19 =	vadd.s32 s23, v0;
	v28 =	vadd.s32 s31, v0;
	v20 =	vor.u32 v6, v20;
	v22 =	vld.idx.msk [tilespmem:v22+s3+$0x0], $0xffff  }
0x314: {  	s30 =	simm.s32 $0x788;
	s29 =	simm.s32 $0x78F;
	v25 =	vand.u32 $0x7FF, v11;
	v17 =	vor.u32 v6, v17;
	v28 =	vand.u32 $0x7FF, v28;
	v23 =	vld.idx.msk [tilespmem:v23+s3+$0x0], $0xffff  }
0x315: {  	v19 =	vand.u32 $0x7FF, v19;
	v24 =	vadd.s32 s29, v0;
	v16 =	vadd.s32 s30, v0;
	s30 =	simm.s32 $0x780;
	v13 =	vld.idx.msk [tilespmem:v13+s3+$0x0], $0xffff  }
0x316: {  	v25 =	vor.u32 v6, v25;
	v28 =	vor.u32 v6, v28;
	v11 =	vld.idx.msk [tilespmem:v18+s3+$0x0], $0xffff;
	v18 =	vor.u32 s30, v7  }
0x317: {  	v19 =	vor.u32 v6, v19;
	v24 =	vand.u32 $0x7FF, v24;
	v26 =	vshra.s32 v15, $0x1F  }
0x318: {  	v24 =	vor.u32 v6, v24;
	v16 =	vand.u32 $0x7FF, v16;
	v20 =	vld.idx.msk [tilespmem:v20+s3+$0x0], $0xffff;
	v26 =	vand.u32 $0x7FFFFFFF, v26  }
0x319: {  	v16 =	vor.u32 v6, v16;
	v30 =	vshra.s32 v22, $0x1F;
	v15 =	vxor.u32 v15, v26  }
0x31a: {  	v31 =	vshra.s32 v23, $0x1F;
	v26 =	vshrl.u32 v15, $0x1;
	v27 =	vshra.s32 v13, $0x1F  }
0x31b: {  	v18 =	vld.idx.msk [tilespmem:v18+s3+$0x0], $0xffff;
	v30 =	vand.u32 $0x7FFFFFFF, v30;
	v26 =	vand.u32 $0x7F80, v26;
	v27 =	vand.u32 $0x7FFFFFFF, v27  }
0x31c: {  	v25 =	vld.idx.msk [tilespmem:v25+s3+$0x0], $0xffff;
	v31 =	vand.u32 $0x7FFFFFFF, v31;
	v29 =	vor.u32 v0, v26;
	v13 =	vxor.u32 v13, v27  }
0x31d: {  	v26 =	vshra.s32 v20, $0x1F;
	v27 =	vshra.s32 v13, $0x10;
	v13 =	vshrl.u32 v13, $0x1  }
0x31e: {  	v17 =	vld.idx.msk [tilespmem:v17+s3+$0x0], $0xffff;
	v23 =	vxor.u32 v23, v31;
	v26 =	vand.u32 $0x7FFFFFFF, v26;
	v13 =	vand.u32 $0x7F80, v13  }
0x31f: {  	v12 =	vld.idx.msk [tilespmem:v12+s3+$0x0], $0xffff;
	vm2 =	veq.s32 v27, v9;
	v27 =	vshra.s32 v11, $0x1F;
	v32 =	vor.u32 v0, v13  }
0x320: {  	v16 =	vld.idx.msk [tilespmem:v16+s3+$0x0], $0xffff;
	v13 =	vxor.u32 v20, v26;
	v26 =	vxor.u32 v22, v30;
	v20 =	vshra.s32 v18, $0x1F  }
0x321: {  	v22 =	vshra.s32 v25, $0x1F;
	v30 =	vshra.s32 v13, $0x10;
	v13 =	vshrl.u32 v13, $0x1  }
0x322: {  	v22 =	vand.u32 $0x7FFFFFFF, v22;
	v34 =	vshra.s32 v26, $0x10;
	v13 =	vand.u32 $0x7F80, v13  }
0x323: {  	vm3 =	veq.s32 v30, v9;
	v30 =	vshra.s32 v17, $0x1F;
	v33 =	vor.u32 v0, v13  }
0x324: {  	v13 =	vxor.u32 v25, v22;
	v22 =	vld.idx.msk [tilespmem:v24+s3+$0x0], $0xffff;
	v24 =	vand.u32 $0x7FFFFFFF, v20;
	v20 =	vshra.s32 v12, $0x1F  }
0x325: {  	v25 =	vand.u32 $0x7FFFFFFF, v30;
	v30 =	vshra.s32 v16, $0x1F;
	v20 =	vand.u32 $0x7FFFFFFF, v20  }
0x326: {  	v25 =	vxor.u32 v17, v25;
	v30 =	vand.u32 $0x7FFFFFFF, v30;
	v17 =	vshra.s32 v13, $0x10  }
0x327: {  	v31 =	vxor.u32 v12, v20;
	v12 =	vshra.s32 v15, $0x10;
	v15 =	vshrl.u32 v13, $0x1  }
0x328: {  	v13 =	vshra.s32 v25, $0x10;
	v16 =	vxor.u32 v16, v30;
	v30 =	vld.idx.msk [tilespmem:v14+s3+$0x0], $0xffff;
	v14 =	vshrl.u32 v25, $0x1  }
0x329: {  	v25 =	vand.u32 $0x7FFFFFFF, v27;
	vm5 =	veq.s32 v12, v9;
	v12 =	vshra.s32 v16, $0x10  }
0x32a: {  	v16 =	vshrl.u32 v16, $0x1;
	vm0 =	veq.s32 v13, v9;
	v20 =	vshra.s32 v22, $0x1F  }
0x32b: {  	v13 =	vand.u32 $0x7F80, v14;
	v14 =	vshra.s32 v31, $0x10;
	v20 =	vand.u32 $0x7FFFFFFF, v20  }
0x32c: {  	v28 =	vld.idx.msk [tilespmem:v28+s3+$0x0], $0xffff;
	v36 =	vand.u32 $0x7F80, v16;
	v35 =	vxor.u32 v22, v20;
	v22 =	vshrl.u32 v23, $0x1  }
0x32d: {  	[tilespmem:v33+s13+$0x0] =	vst.idx.add.s32.msk vm3, v5;
	vm3 =	veq.s32 v34, v9;
	v20 =	vshra.s32 v23, $0x10;
	v16 =	vand.u32 $0x7F80, v22  }
0x32e: {  	vm6 =	veq.s32 v20, v9;
	v20 =	vld.idx.msk [tilespmem:v21+s3+$0x0], $0xffff;
	v22 =	vand.u32 $0x7F80, v15;
	v15 =	vshra.s32 v30, $0x1F  }
0x32f: {  	v23 =	vshra.s32 v35, $0x10;
	v21 =	vld.idx.msk [tilespmem:v19+s3+$0x0], $0xffff;
	v19 =	vshrl.u32 v35, $0x1;
	v15 =	vand.u32 $0x7FFFFFFF, v15  }
0x330: {  	vm1 =	veq.s32 v23, v9;
	v37 =	vor.u32 v0, v16;
	v15 =	vxor.u32 v30, v15  }
0x331: {  	v23 =	vxor.u32 v18, v24;
	v16 =	vshra.s32 v15, $0x10;
	v15 =	vshrl.u32 v15, $0x1  }
0x332: {  	v18 =	vshra.s32 v28, $0x1F;
	vm4 =	veq.s32 v16, v9;
	v15 =	vand.u32 $0x7F80, v15  }
0x333: {  	[tilespmem:v29+s13+$0x0] =	vst.idx.add.s32.msk vm5, v5;
	v29 =	vshrl.u32 v23, $0x1;
	v16 =	vand.u32 $0x7FFFFFFF, v18;
	v27 =	vor.u32 v0, v15  }
0x334: {  	v18 =	vshrl.u32 v26, $0x1;
	v26 =	vshrl.u32 v31, $0x1;
	v16 =	vxor.u32 v28, v16  }
0x335: {  	v28 =	vshra.s32 v20, $0x1F;
	v30 =	vshra.s32 v21, $0x1F;
	v18 =	vand.u32 $0x7F80, v18  }
0x336: {  	[tilespmem:v32+s13+$0x0] =	vst.idx.add.s32.msk vm2, v5;
	v15 =	vor.u32 v0, v36;
	v24 =	vor.u32 v0, v18;
	v30 =	vand.u32 $0x7FFFFFFF, v30  }
0x337: {  	s19 =	simm.s32 $0x790;
	[tilespmem:v37+s13+$0x0] =	vst.idx.add.s32.msk vm6, v5;
	v18 =	vand.u32 $0x7F80, v29;
	v28 =	vand.u32 $0x7FFFFFFF, v28;
	v21 =	vxor.u32 v21, v30  }
.LBB2_30:
0x338: {  	s20 =	sadd.s32 $0x1, s19;
	s21 =	sadd.s32 $0x2, s19;
	s22 =	sadd.s32 $0x3, s19;
	[tilespmem:v27+s13+$0x0] =	vst.idx.add.s32.msk vm4, v5;
	v22 =	vor.u32 v0, v22;
	v27 =	vshra.s32 v21, $0x10;
	v25 =	vxor.u32 v11, v25  }
0x339: {  	s23 =	sadd.s32 $0xA, s19;
	v20 =	vxor.u32 v20, v28;
	v11 =	vadd.s32 s20, v0;
	v29 =	vadd.s32 s21, v0;
	s20 =	sadd.s32 $0x4, s19;
	s21 =	sadd.s32 $0x5, s19  }
0x33a: {  	s24 =	sadd.s32 $0x8, s19;
	v23 =	vshra.s32 v23, $0x10;
	v28 =	vadd.s32 s20, v0;
	v30 =	vadd.s32 s21, v0;
	s20 =	sadd.s32 $0x6, s19;
	s21 =	sadd.s32 $0x7, s19  }
0x33b: {  	p0 =	slt.u32 s19, $0x7F0;
	v32 =	vadd.s32 s24, v0;
	vm2 =	veq.s32 v23, v9;
	v31 =	vadd.s32 s21, v0;
	s21 =	smov.u32 s19;
	s19 =	sadd.s32 $0x10, s19  }
0x33c: {  	v23 =	vand.u32 $0x7FF, v28;
	v28 =	vand.u32 $0x7FF, v32;
	v32 =	vshra.s32 v20, $0x10;
	s24 =	sadd.s32 $0xB, s21  }
0x33d: {  	v26 =	vand.u32 $0x7F80, v26;
	v30 =	vand.u32 $0x7FF, v30;
	v23 =	vor.u32 v6, v23  }
0x33e: {  	v19 =	vand.u32 $0x7F80, v19;
	v30 =	vor.u32 v6, v30;
	v33 =	vadd.s32 s24, v0;
	s24 =	sadd.s32 $0xC, s21;
	[tilespmem:v24+s13+$0x0] =	vst.idx.add.s32.msk vm3, v5  }
0x33f: {  	v19 =	vor.u32 v0, v19;
	s25 =	sadd.s32 $0xE, s21;
	v24 =	vand.u32 $0x7FF, v31;
	v31 =	vadd.s32 s24, v0;
	s24 =	sadd.s32 $0xD, s21  }
0x340: {  	v35 =	vadd.s32 s25, v0;
	vm3 =	veq.s32 v17, v9;
	v34 =	vadd.s32 s24, v0  }
0x341: {  	v17 =	vadd.s32 s23, v0;
	v35 =	vand.u32 $0x7FF, v35;
	v34 =	vand.u32 $0x7FF, v34  }
0x342: {  	v29 =	vand.u32 $0x7FF, v29;
	v35 =	vor.u32 v6, v35;
	v34 =	vor.u32 v6, v34;
	v23 =	vld.idx.msk [tilespmem:v23+s3+$0x0], $0xffff  }
0x343: {  	v36 =	vadd.s32 s22, v0;
	v11 =	vand.u32 $0x7FF, v11;
	s22 =	sadd.s32 $0x9, s21;
	v33 =	vand.u32 $0x7FF, v33;
	s23 =	sadd.s32 $0xF, s21  }
0x344: {  	vm4 =	veq.s32 v27, v9;
	v37 =	vadd.s32 s22, v0;
	v38 =	vadd.s32 s23, v0;
	v30 =	vld.idx.msk [tilespmem:v30+s3+$0x0], $0xffff  }
0x345: {  	v21 =	vshrl.u32 v21, $0x1;
	v27 =	vand.u32 $0x7FF, v37;
	v37 =	vand.u32 $0x7FF, v38;
	[tilespmem:v19+s13+$0x0] =	vst.idx.add.s32.msk vm1, v5  }
0x346: {  	v27 =	vor.u32 v6, v27;
	v19 =	vor.u32 v6, v11;
	[tilespmem:v22+s13+$0x0] =	vst.idx.add.s32.msk vm3, v5;
	v22 =	vshrl.u32 v25, $0x1  }
0x347: {  	v21 =	vand.u32 $0x7F80, v21;
	v11 =	vand.u32 $0x7FF, v36;
	v36 =	vor.u32 v6, v37;
	v35 =	vld.idx.msk [tilespmem:v35+s3+$0x0], $0xffff  }
0x348: {  	v21 =	vor.u32 v0, v21;
	v37 =	vor.u32 v6, v11;
	v38 =	vshra.s32 v23, $0x1F;
	v11 =	vld.idx.msk [tilespmem:v34+s3+$0x0], $0xffff  }
0x349: {  	v22 =	vand.u32 $0x7F80, v22;
	v34 =	vor.u32 s21, v7;
	v38 =	vand.u32 $0x7FFFFFFF, v38  }
0x34a: {  	v22 =	vor.u32 v0, v22;
	v23 =	vxor.u32 v23, v38;
	v38 =	vshra.s32 v30, $0x1F  }
0x34b: {  	v25 =	vshra.s32 v25, $0x10;
	v39 =	vshrl.u32 v23, $0x1;
	v38 =	vand.u32 $0x7FFFFFFF, v38;
	v27 =	vld.idx.msk [tilespmem:v27+s3+$0x0], $0xffff  }
0x34c: {  	v20 =	vshrl.u32 v20, $0x1;
	v33 =	vor.u32 v6, v33;
	v30 =	vxor.u32 v30, v38  }
0x34d: {  	vm3 =	veq.s32 v32, v9;
	v38 =	vshra.s32 v30, $0x10;
	v30 =	vshrl.u32 v30, $0x1;
	[tilespmem:v21+s13+$0x0] =	vst.idx.add.s32.msk vm4, v5  }
0x34e: {  	v18 =	vor.u32 v0, v18;
	v17 =	vand.u32 $0x7FF, v17;
	vm1 =	veq.s32 v38, v9;
	v21 =	vld.idx.msk [tilespmem:v37+s3+$0x0], $0xffff  }
0x34f: {  	v26 =	vor.u32 v0, v26;
	v24 =	vor.u32 v6, v24;
	v32 =	vshra.s32 v11, $0x1F  }
0x350: {  	v28 =	vor.u32 v6, v28;
	v38 =	vshrl.u32 v16, $0x1;
	v37 =	vand.u32 $0x7F80, v39;
	v34 =	vld.idx.msk [tilespmem:v34+s3+$0x0], $0xffff  }
0x351: {  	v20 =	vand.u32 $0x7F80, v20;
	v39 =	vshra.s32 v35, $0x1F;
	v37 =	vor.u32 v0, v37;
	v33 =	vld.idx.msk [tilespmem:v33+s3+$0x0], $0xffff  }
0x352: {  	v40 =	vadd.s32 s20, v0;
	v30 =	vand.u32 $0x7F80, v30;
	v38 =	vand.u32 $0x7F80, v38  }
0x353: {  	v29 =	vor.u32 v6, v29;
	v40 =	vand.u32 $0x7FF, v40;
	[tilespmem:v18+s13+$0x0] =	vst.idx.add.s32.msk vm2, v5;
	v18 =	vor.u32 v0, v38  }
0x354: {  	vm5 =	veq.s32 v25, v9;
	v38 =	vor.u32 v6, v40;
	v40 =	vshra.s32 v27, $0x1F  }
0x355: {  	v16 =	vshra.s32 v16, $0x10;
	v39 =	vand.u32 $0x7FFFFFFF, v39;
	v25 =	vshra.s32 v21, $0x1F;
	v24 =	vld.idx.msk [tilespmem:v24+s3+$0x0], $0xffff  }
0x356: {  	vm6 =	veq.s32 v14, v9;
	v30 =	vor.u32 v0, v30;
	v25 =	vand.u32 $0x7FFFFFFF, v25  }
0x357: {  	v13 =	vor.u32 v0, v13;
	vm2 =	veq.s32 v16, v9;
	v14 =	vld.idx.msk [tilespmem:v28+s3+$0x0], $0xffff;
	v28 =	vxor.u32 v35, v39  }
0x358: {  	vm4 =	veq.s32 v12, v9;
	v12 =	vor.u32 v0, v20;
	v21 =	vxor.u32 v21, v25;
	v16 =	vld.idx.msk [tilespmem:v29+s3+$0x0], $0xffff  }
0x359: {  	v20 =	vshra.s32 v34, $0x1F;
	v25 =	vshra.s32 v33, $0x1F;
	v29 =	vand.u32 $0x7FF, v31  }
0x35a: {  	v25 =	vand.u32 $0x7FFFFFFF, v25;
	v31 =	vshra.s32 v28, $0x10;
	v28 =	vshrl.u32 v28, $0x1;
	[tilespmem:v22+s13+$0x0] =	vst.idx.add.s32.msk vm5, v5  }
0x35b: {  	v29 =	vor.u32 v6, v29;
	vm5 =	veq.s32 v31, v9;
	v22 =	vand.u32 $0x7F80, v28;
	v28 =	vld.idx.msk [tilespmem:v36+s3+$0x0], $0xffff  }
0x35c: {  	v35 =	vand.u32 $0x7FFFFFFF, v40;
	v31 =	vshra.s32 v24, $0x1F;
	v22 =	vor.u32 v0, v22;
	[tilespmem:v26+s13+$0x0] =	vst.idx.add.s32.msk vm6, v5  }
0x35d: {  	v25 =	vxor.u32 v33, v25;
	v36 =	vshra.s32 v21, $0x10;
	v26 =	vxor.u32 v27, v35;
	[tilespmem:v12+s13+$0x0] =	vst.idx.add.s32.msk vm3, v5  }
0x35e: {  	v27 =	vand.u32 $0x7FFFFFFF, v20;
	v20 =	vor.u32 v6, v17;
	v12 =	vshra.s32 v16, $0x1F;
	[tilespmem:v13+s13+$0x0] =	vst.idx.add.s32.msk vm0, v5  }
0x35f: {  	v17 =	vshra.s32 v14, $0x1F;
	v12 =	vand.u32 $0x7FFFFFFF, v12;
	v13 =	vand.u32 $0x7FFFFFFF, v31;
	[tilespmem:v15+s13+$0x0] =	vst.idx.add.s32.msk vm4, v5  }
0x360: {  	v13 =	vxor.u32 v24, v13;
	v15 =	vand.u32 $0x7FFFFFFF, v17;
	v17 =	vshra.s32 v25, $0x10;
	[tilespmem:v18+s13+$0x0] =	vst.idx.add.s32.msk vm2, v5  }
0x361: {  	v18 =	vxor.u32 v16, v12;
	v12 =	vshra.s32 v23, $0x10;
	v16 =	vshrl.u32 v25, $0x1;
	[tilespmem:v22+s13+$0x0] =	vst.idx.add.s32.msk vm5, v5  }
0x362: {  	v14 =	vxor.u32 v14, v15;
	vm2 =	veq.s32 v12, v9;
	v22 =	vshra.s32 v13, $0x10;
	v19 =	vld.idx.msk [tilespmem:v19+s3+$0x0], $0xffff  }
0x363: {  	v13 =	vshrl.u32 v13, $0x1;
	v12 =	vshra.s32 v14, $0x10;
	v23 =	vshrl.u32 v14, $0x1;
	v15 =	vld.idx.msk [tilespmem:v38+s3+$0x0], $0xffff  }
0x364: {  	vm0 =	veq.s32 v22, v9;
	v13 =	vand.u32 $0x7F80, v13;
	v22 =	vshra.s32 v28, $0x1F;
	[tilespmem:v30+s13+$0x0] =	vst.idx.add.s32.msk vm1, v5  }
0x365: {  	v24 =	vshra.s32 v26, $0x10;
	v25 =	vshrl.u32 v26, $0x1;
	v14 =	vshra.s32 v18, $0x10  }
0x366: {  	v26 =	vand.u32 $0x7F80, v23;
	v23 =	vand.u32 $0x7F80, v25;
	v25 =	vand.u32 $0x7FFFFFFF, v22;
	v20 =	vld.idx.msk [tilespmem:v20+s3+$0x0], $0xffff  }
0x367: {  	vm3 =	veq.s32 v24, v9;
	v22 =	vand.u32 $0x7F80, v16;
	v16 =	vxor.u32 v28, v25;
	v29 =	vld.idx.msk [tilespmem:v29+s3+$0x0], $0xffff  }
0x368: {  	v28 =	vor.u32 v0, v23;
	v23 =	vshra.s32 v16, $0x10;
	v24 =	vshra.s32 v19, $0x1F;
	[tilespmem:v37+s13+$0x0] =	vst.idx.add.s32.msk vm2, v5  }
0x369: {  	v25 =	vand.u32 $0x7FFFFFFF, v32;
	vm1 =	veq.s32 v23, v9;
	v24 =	vand.u32 $0x7FFFFFFF, v24  }
0x36a: {  	v23 =	vxor.u32 v34, v27;
	v24 =	vxor.u32 v19, v24;
	v19 =	vshrl.u32 v16, $0x1  }
0x36b: {  	v27 =	vshra.s32 v15, $0x1F;
	v16 =	vshra.s32 v24, $0x10;
	v24 =	vshrl.u32 v24, $0x1  }
0x36c: {  	vm4 =	veq.s32 v16, v9;
	v16 =	vand.u32 $0x7F80, v24;
	v24 =	vand.u32 $0x7FFFFFFF, v27  }
.Ltmp17:
0x36d: {  	v27 =	vor.u32 v0, v16;
	v16 =	vxor.u32 v15, v24;
	[tilespmem:v28+s13+$0x0] =	vst.idx.add.s32.msk vm3, v5;
	v28 =	vshra.s32 v20, $0x1F;
	(pc) =	sbr.rel @p0 .LBB2_30-.Ltmp17, $4  }
0x36e: {  	v21 =	vshrl.u32 v21, $0x1;
	v15 =	vor.u32 v0, v26;
	v30 =	vshra.s32 v29, $0x1F  }
0x36f: {  	v26 =	vshrl.u32 v18, $0x1;
	v18 =	vand.u32 $0x7F80, v21;
	vm3 =	veq.s32 v36, v9  }
0x370: {  	v21 =	vshrl.u32 v23, $0x1;
	v24 =	vor.u32 v0, v18;
	v30 =	vand.u32 $0x7FFFFFFF, v30  }
0x371: {  	v18 =	vand.u32 $0x7F80, v21;
	v28 =	vand.u32 $0x7FFFFFFF, v28;
	v21 =	vxor.u32 v29, v30  }
0x372: {  	_ = 	snop  }
0x373: {  	v22 =	vor.u32 v0, v22;
	v11 =	vxor.u32 v11, v25;
	v59 =	vshra.s32 v21, $0x10  }
0x374: {  	v20 =	vxor.u32 v20, v28;
	v23 =	vshra.s32 v23, $0x10;
	v19 =	vand.u32 $0x7F80, v19  }
0x375: {  	vm5 =	veq.s32 v17, v9;
	v17 =	vshrl.u32 v21, $0x1;
	v13 =	vor.u32 v0, v13  }
0x376: {  	v61 =	vand.u32 $0x7F80, v26;
	v18 =	vor.u32 v0, v18;
	v19 =	vor.u32 v0, v19  }
0x377: {  	[tilespmem:v24+s13+$0x0] =	vst.idx.add.s32.msk vm3, v5;
	vm3 =	veq.s32 v14, v9;
	v63 =	vshrl.u32 v16, $0x1;
	vm2 =	veq.s32 v23, v9  }
0x378: {  	v16 =	vshra.s32 v16, $0x10;
	vm15 =	veq.s32 v12, v9;
	v60 =	vshra.s32 v20, $0x10  }
0x379: {  	[tilespmem:v27+s13+$0x0] =	vst.idx.add.s32.msk vm4, v5;
	vm6 =	veq.s32 v59, v9;
	v17 =	vand.u32 $0x7F80, v17;
	v14 =	vor.u32 v0, v61  }
0x37a: {  	v62 =	vshrl.u32 v11, $0x1;
	v11 =	vshra.s32 v11, $0x10;
	v20 =	vshrl.u32 v20, $0x1;
	[tilespmem:v13+s13+$0x0] =	vst.idx.add.s32.msk vm0, v5  }
0x37b: {  	v17 =	vor.u32 v0, v17;
	v25 =	vand.u32 $0x7F80, v62;
	vm14 =	veq.s32 v11, v9;
	[tilespmem:v19+s13+$0x0] =	vst.idx.add.s32.msk vm1, v5  }
0x37c: {  	v11 =	vor.u32 v0, v25;
	vm1 =	veq.s32 v60, v9;
	v19 =	vand.u32 $0x7F80, v20;
	[tilespmem:v22+s13+$0x0] =	vst.idx.add.s32.msk vm5, v5  }
0x37d: {  	v12 =	vand.u32 $0x7F80, v63;
	v19 =	vor.u32 v0, v19;
	[tilespmem:v18+s13+$0x0] =	vst.idx.add.s32.msk vm2, v5;
	vm2 =	veq.s32 v16, v9  }
0x37e: {  	v12 =	vor.u32 v0, v12;
	[tilespmem:v14+s13+$0x0] =	vst.idx.add.s32.msk vm3, v5  }
0x37f: {  	[tilespmem:v15+s13+$0x0] =	vst.idx.add.s32.msk vm15, v5  }
0x380: {  	[tilespmem:v17+s13+$0x0] =	vst.idx.add.s32.msk vm6, v5  }
0x381: {  	[tilespmem:v11+s13+$0x0] =	vst.idx.add.s32.msk vm14, v5  }
0x382: {  	[tilespmem:v19+s13+$0x0] =	vst.idx.add.s32.msk vm1, v5  }
0x383: {  	s19 =	simm.s32 $0x17A00;
	[tilespmem:v12+s13+$0x0] =	vst.idx.add.s32.msk vm2, v5  }
0x384: {  	v11 =	vld [tilespmem:s19+$0xFFFFFE00]  }
0x385: {  	v12 =	vld [tilespmem:s19+$0xFFFFFE80]  }
0x386: {  	v13 =	vld [tilespmem:s19+$0xFFFFFF00]  }
0x387: {  	v14 =	vld [tilespmem:s19+$0xFFFFFF80]  }
0x388: {  	v15 =	vimm.s32 $0x0  }
0x389: {  	v8 =	vsub.s32 v8, v10;
	v16 =	vld [tilespmem:s19+$0x0];
	v11 =	vadd.s32 v15, v11  }
0x38a: {  	v10 =	vadd.s32 v11, v12;
	vm0 =	vle.s32 v11, v8  }
0x38b: {  	[tilespmem:s19+$0xFFFFFE00] =	vst v1;
	v12 =	vld [tilespmem:s19+$0x80];
	v11 =	vadd.s32 v10, v13;
	v13 =	vsel vm0, $0x1, v1  }
0x38c: {  	[tilespmem:s19+$0xFFFFFE80] =	vst v1;
	vm0 =	vle.s32 v10, v8;
	v10 =	vadd.s32 v11, v14;
	v14 =	vld [tilespmem:s19+$0x100];
	vm1 =	vle.s32 v11, v8  }
0x38d: {  	s20 =	simm.s32 $0x17E00;
	[tilespmem:s19+$0xFFFFFF00] =	vst v1;
	v17 =	vld [tilespmem:s19+$0x180];
	v11 =	vsel vm0, $0x1, v1;
	v13 =	vadd.s32 v13, v15;
	vm2 =	vle.s32 v10, v8  }
0x38e: {  	[tilespmem:s19+$0xFFFFFF80] =	vst v1;
	v10 =	vadd.s32 v10, v16;
	v16 =	vld [tilespmem:s20+$0xFFFFFE00];
	v11 =	vadd.s32 v11, v13;
	v13 =	vsel vm1, $0x1, v1  }
0x38f: {  	[tilespmem:s19+$0x0] =	vst v1;
	v18 =	vld [tilespmem:s20+$0xFFFFFE80];
	v15 =	vsel vm2, $0x1, v1;
	v11 =	vadd.s32 v13, v11  }
0x390: {  	v19 =	vld [tilespmem:s20+$0xFFFFFF00];
	[tilespmem:s20+$0xFFFFFE80] =	vst v1;
	vm0 =	vle.s32 v10, v8;
	v12 =	vadd.s32 v10, v12;
	v11 =	vadd.s32 v15, v11  }
0x391: {  	[tilespmem:s20+$0xFFFFFF00] =	vst v1;
	v10 =	vld [tilespmem:s20+$0xFFFFFF80];
	v13 =	vsel vm0, $0x1, v1;
	vm1 =	vle.s32 v12, v8;
	v12 =	vadd.s32 v12, v14  }
0x392: {  	[tilespmem:s19+$0x80] =	vst v1;
	v11 =	vadd.s32 v13, v11;
	v13 =	vsel vm1, $0x1, v1;
	v14 =	vadd.s32 v12, v17  }
0x393: {  	[tilespmem:s19+$0x100] =	vst v1;
	v11 =	vadd.s32 v13, v11;
	vm0 =	vle.s32 v12, v8;
	v15 =	vadd.s32 v14, v16;
	v16 =	vld [tilespmem:s20+$0x0]  }
0x394: {  	[tilespmem:s20+$0xFFFFFE00] =	vst v1;
	vm1 =	vle.s32 v15, v8;
	v12 =	vadd.s32 v15, v18;
	v15 =	vsel vm0, $0x1, v1  }
0x395: {  	[tilespmem:s20+$0xFFFFFF80] =	vst v1;
	vm3 =	vle.s32 v14, v8;
	v17 =	vadd.s32 v12, v19;
	v18 =	vadd.s32 v15, v11;
	v11 =	vld [tilespmem:s20+$0x80]  }
0x396: {  	[tilespmem:s20+$0x0] =	vst v1;
	v13 =	vsel vm1, $0x1, v1;
	vm2 =	vle.s32 v12, v8;
	v12 =	vadd.s32 v17, v10  }
0x397: {  	[tilespmem:s20+$0x80] =	vst v1;
	vm0 =	vle.s32 v17, v8;
	v10 =	vld [tilespmem:s20+$0x100];
	v17 =	vsel vm3, $0x1, v1;
	v15 =	vsel vm2, $0x1, v1  }
0x398: {  	s21 =	simm.s32 $0x8;
	s22 =	simm.s32 $0x18200;
	[tilespmem:s20+$0x100] =	vst v1;
	vm1 =	vle.s32 v12, v8;
	v14 =	vadd.s32 v12, v16;
	v12 =	vld [tilespmem:s20+$0x180];
	v16 =	vadd.s32 v17, v18  }
.LBB2_32:
0x399: {  	v17 =	vld [tilespmem:s22+$0xFFFFFE00];
	s21 =	sadd.s32 $0x8, s21;
	v13 =	vadd.s32 v13, v16;
	v16 =	vsel vm1, $0x1, v1;
	[tilespmem:s19+$0x180] =	vst v1;
	s19 =	smov.u32 s20;
	s20 =	smov.u32 s22  }
0x39a: {  	[tilespmem:s22+$0xFFFFFE00] =	vst v1;
	v18 =	vld [tilespmem:s22+$0xFFFFFE80];
	p0 =	slt.u32 s21, $0xF8;
	v13 =	vadd.s32 v15, v13;
	v15 =	vsel vm0, $0x1, v1;
	v11 =	vadd.s32 v14, v11  }
0x39b: {  	vm0 =	vle.s32 v14, v8;
	[tilespmem:s22+$0xFFFFFE80] =	vst v1;
	v19 =	vld [tilespmem:s22+$0xFFFFFF00];
	v13 =	vadd.s32 v15, v13;
	vm1 =	vle.s32 v11, v8  }
0x39c: {  	v15 =	vsel vm0, $0x1, v1;
	[tilespmem:s22+$0xFFFFFF00] =	vst v1;
	v14 =	vld [tilespmem:s22+$0xFFFFFF80];
	v13 =	vadd.s32 v16, v13;
	v10 =	vadd.s32 v11, v10  }
0x39d: {  	[tilespmem:s22+$0xFFFFFF80] =	vst v1;
	v11 =	vadd.s32 v15, v13;
	v13 =	vsel vm1, $0x1, v1;
	v12 =	vadd.s32 v10, v12  }
0x39e: {  	vm0 =	vle.s32 v10, v8;
	v15 =	vadd.s32 v12, v17;
	v16 =	vld [tilespmem:s22+$0x0];
	v17 =	vadd.s32 v13, v11  }
.Ltmp18:
0x39f: {  	vm1 =	vle.s32 v15, v8;
	v10 =	vadd.s32 v15, v18;
	[tilespmem:s22+$0x0] =	vst v1;
	v15 =	vsel vm0, $0x1, v1;
	(pc) =	sbr.rel @p0 .LBB2_32-.Ltmp18, $4  }
0x3a0: {  	v13 =	vsel vm1, $0x1, v1;
	v18 =	vadd.s32 v10, v19;
	v11 =	vld [tilespmem:s22+$0x80];
	v17 =	vadd.s32 v15, v17  }
0x3a1: {  	vm3 =	vle.s32 v12, v8;
	vm2 =	vle.s32 v10, v8;
	v14 =	vadd.s32 v18, v14;
	[tilespmem:s22+$0x80] =	vst v1  }
0x3a2: {  	vm0 =	vle.s32 v18, v8;
	v18 =	vsel vm3, $0x1, v1;
	vm1 =	vle.s32 v14, v8;
	v10 =	vld [tilespmem:s22+$0x100]  }
0x3a3: {  	v15 =	vsel vm2, $0x1, v1;
	s22 =	sadd.s32 $0x400, s22;
	v14 =	vadd.s32 v14, v16;
	[tilespmem:s20+$0x100] =	vst v1;
	v12 =	vld [tilespmem:s20+$0x180];
	v16 =	vadd.s32 v18, v17  }
0x3a4: {  	[tilespmem:s19+$0x180] =	vst v1  }
0x3a5: {  	[tilespmem:s20+$0x180] =	vst v1  }
0x3a6: {  	v17 =	vld [tilespmem:$0x1F800];
	_ =	sdelay $0x4  }
0x3a7: {  	v18 =	vshra.s32 v17, $0x1;
	v17 =	vmul.f32 $5.000000000e-01, v17  }
0x3a8: {  	v18 =	vsub.s32 $0x5F3759DF, v18  }
0x3a9: {  	v19 =	vmul.f32 v18, v17;
	_ =	sdelay $0x1  }
0x3aa: {  	v19 =	vmul.f32 v18, v19;
	_ =	sdelay $0x1  }
0x3ab: {  	v19 =	vsub.f32 $1.500000000e+00, v19;
	_ =	sdelay $0x1  }
0x3ac: {  	v18 =	vmul.f32 v18, v19;
	_ =	sdelay $0x1  }
0x3ad: {  	v19 =	vmul.f32 v18, v17;
	_ =	sdelay $0x1  }
0x3ae: {  	v19 =	vmul.f32 v19, v18;
	_ =	sdelay $0x1  }
0x3af: {  	v13 =	vadd.s32 v13, v16;
	v9 =	vshll.u32 v9, $0x10;
	v19 =	vsub.f32 $1.500000000e+00, v19  }
0x3b0: {  	s19 =	simm.s32 $0x0;
	v13 =	vadd.s32 v15, v13;
	v15 =	vsel vm0, $0x1, v1;
	v11 =	vadd.s32 v14, v11  }
0x3b1: {  	vm0 =	vle.s32 v14, v8;
	v29 =	vor.u32 s19, v7;
	v18 =	vmul.f32 v19, v18  }
0x3b2: {  	v13 =	vadd.s32 v15, v13;
	v15 =	vsel vm1, $0x1, v1;
	vm1 =	vle.s32 v11, v8  }
0x3b3: {  	v13 =	vadd.s32 v15, v13;
	v15 =	vsel vm0, $0x1, v1;
	v17 =	vmul.f32 v18, v17  }
0x3b4: {  	v10 =	vadd.s32 v11, v10;
	v11 =	vadd.s32 v15, v13;
	v13 =	vsel vm1, $0x1, v1  }
0x3b5: {  	s24 =	simm.s32 $0x8;
	v12 =	vadd.s32 v10, v12;
	vm0 =	vle.s32 v10, v8;
	v17 =	vmul.f32 v17, v18  }
0x3b6: {  	s21 =	simm.s32 $0x2;
	v15 =	vadd.s32 s24, v0;
	v10 =	vadd.s32 v13, v11;
	v11 =	vsel vm0, $0x1, v1  }
0x3b7: {  	s23 =	simm.s32 $0xE;
	vm0 =	vle.s32 v12, v8;
	v12 =	vadd.s32 s21, v0;
	v17 =	vsub.f32 $1.500000000e+00, v17  }
0x3b8: {  	s29 =	simm.s32 $0x1;
	v13 =	vadd.s32 s23, v0;
	v8 =	vadd.s32 v11, v10;
	v10 =	vsel vm0, $0x1, v1  }
0x3b9: {  	s28 =	simm.s32 $0xD;
	v11 =	vadd.s32 s29, v0;
	v13 =	vand.u32 $0x7FF, v13;
	v17 =	vmul.f32 v17, v18  }
0x3ba: {  	v8 =	vadd.s32 v10, v8;
	v10 =	vadd.s32 s28, v0;
	v20 =	vand.u32 $0x7FF, v11  }
0x3bb: {  	v11 =	vand.u32 $0x7FF, v12;
	v8 =	vshll.u32 v8, $0x8;
	v16 =	vmul.f32 $1.638000000e+03, v17  }
0x3bc: {  	s22 =	simm.s32 $0xB;
	v10 =	vand.u32 $0x7FF, v10;
	v20 =	vor.u32 v6, v20;
	v8 =	vadd.s32 v9, v8  }
0x3bd: {  	s21 =	simm.s32 $0x7;
	v27 =	vor.u32 v6, v10;
	v10 =	vadd.s32 s22, v0;
	v14 =	vmul.f32 $1.442695020e+00, v16  }
0x3be: {  	s29 =	simm.s32 $0xF;
	v9 =	vshra.s32 v8, $0x1F;
	v10 =	vand.u32 $0x7FF, v10;
	v19 =	vadd.s32 s21, v0  }
0x3bf: {  	s30 =	simm.s32 $0x4;
	v12 =	vand.u32 $0x7FF, v19;
	v19 =	vadd.s32 s29, v0;
	(erf) = vpow2.f32 v14  }
0x3c0: {  	s31 =	simm.s32 $0x5;
	v9 =	vand.u32 $0x7FFFFFFF, v9;
	v19 =	vand.u32 $0x7FF, v19;
	v17 =	vadd.s32 s30, v0  }
0x3c1: {  	s25 =	simm.s32 $0x9;
	v18 =	vadd.s32 s31, v0;
	v30 =	vand.u32 $0x7FF, v17;
	v16 =	vor.u32 v6, v10  }
0x3c2: {  	s30 =	simm.s32 $0x3;
	v17 =	vand.u32 $0x7FF, v18;
	v10 =	vadd.s32 s25, v0;
	v14 =	vor.u32 v6, v13  }
0x3c3: {  	v22 =	vor.u32 v6, v17;
	v17 =	vadd.s32 s30, v0;
	v13 =	vand.u32 $0x7FF, v15  }
0x3c4: {  	v21 =	vld.idx.msk [tilespmem:v27+s3+$0x0], $0xffff;
	v10 =	vand.u32 $0x7FF, v10;
	v17 =	vand.u32 $0x7FF, v17;
	v15 =	vor.u32 v6, v13  }
0x3c5: {  	s26 =	simm.s32 $0x6;
	v10 =	vor.u32 v6, v10;
	v35 =	vor.u32 v6, v17;
	v17 =	vor.u32 v6, v19;
	v19 =	vld.idx.msk [tilespmem:v29+s3+$0x0], $0xffff  }
0x3c6: {  	v12 =	vor.u32 v6, v12;
	v13 =	vadd.s32 s26, v0;
	v24 =	vld.idx.msk [tilespmem:v16+s3+$0x0], $0xffff  }
0x3c7: {  	v11 =	vor.u32 v6, v11;
	v13 =	vand.u32 $0x7FF, v13;
	v18 =	vld.idx.msk [tilespmem:v14+s3+$0x0], $0xffff  }
0x3c8: {  	s28 =	simm.s32 $0xA;
	v8 =	vxor.u32 v8, v9;
	v38 =	vld.idx.msk [tilespmem:v20+s3+$0x0], $0xffff;
	v13 =	vor.u32 v6, v13;
	v9 =	vpop (erf)  }
0x3c9: {  	v23 =	vadd.s32 s28, v0;
	v28 =	vld.idx.msk [tilespmem:v15+s3+$0x0], $0xffff;
	v26 =	vmul.f32 v21, v9  }
0x3ca: {  	v23 =	vand.u32 $0x7FF, v23;
	vm0 =	vge.f32 v21, v8;
	v31 =	vld.idx.msk [tilespmem:v10+s3+$0x0], $0xffff;
	vm3 =	vge.f32 v19, v8  }
0x3cb: {  	s31 =	simm.s32 $0xC;
	v34 =	vmul.f32 v24, v9;
	v32 =	vnsel vm0, $0x0, v26;
	vm0 =	vge.f32 v24, v8;
	v24 =	vld.idx.msk [tilespmem:v12+s3+$0x0], $0xffff  }
0x3cc: {  	v33 =	vld.idx.msk [tilespmem:v11+s3+$0x0], $0xffff;
	v21 =	vadd.s32 s31, v0;
	vm1 =	vge.f32 v18, v8;
	v43 =	vmul.f32 v19, v9  }
0x3cd: {  	v25 =	vld.idx.msk [tilespmem:v13+s3+$0x0], $0xffff;
	v19 =	vmul.f32 v38, v9;
	v21 =	vand.u32 $0x7FF, v21;
	v26 =	vor.u32 v6, v23  }
0x3ce: {  	v63 =	vmul.f32 v28, v9;
	vm2 =	vge.f32 v28, v8;
	v23 =	vmul.f32 v18, v9  }
0x3cf: {  	v28 =	vld.idx.msk [tilespmem:v22+s3+$0x0], $0xffff;
	v21 =	vor.u32 v6, v21;
	v18 =	vor.u32 v6, v30;
	v39 =	vnsel vm0, $0x0, v34  }
0x3d0: {  	v36 =	vld.idx.msk [tilespmem:v35+s3+$0x0], $0xffff;
	vm0 =	vge.f32 v31, v8;
	v41 =	vnsel vm2, $0x0, v63;
	v30 =	vmul.f32 v24, v9  }
0x3d1: {  	[tilespmem:v27+s3+$0x0] =	vst.idx.msk $0xffff, v32;
	v40 =	vnsel vm1, $0x0, v23;
	v23 =	vmul.f32 v33, v9;
	vm2 =	vge.f32 v24, v8  }
0x3d2: {  	s24 =	simm.s32 $0x10;
	vm1 =	vge.f32 v33, v8;
	v42 =	vld.idx.msk [tilespmem:v26+s3+$0x0], $0xffff;
	v24 =	vmul.f32 v25, v9;
	v37 =	vnsel vm2, $0x0, v30  }
.LBB2_34:
0x3d3: {  	s19 =	sadd.s32 $0x1, s24;
	vm2 =	vge.f32 v38, v8  }
0x3d4: {  	s22 =	sadd.s32 $0x2, s24;
	s20 =	sadd.s32 $0x3, s24;
	v33 =	vmul.f32 v28, v9;
	v34 =	vmul.f32 v31, v9;
	v32 =	vmovc v20;
	v30 =	vmovc v22;
	v27 =	vmov v35;
	s21 =	smov.u32 s24  }
0x3d5: {  	s23 =	sadd.s32 $0x6, s24;
	v31 =	vnsel vm3, $0x0, v43;
	v20 =	vadd.s32 s19, v0;
	v22 =	vadd.s32 s22, v0;
	s19 =	sadd.s32 $0x4, s24;
	s22 =	sadd.s32 $0x5, s24;
	v35 =	vld.idx.msk [tilespmem:v18+s3+$0x0], $0xffff;
	[tilespmem:v16+s3+$0x0] =	vst.idx.msk $0xffff, v39  }
0x3d6: {  	s25 =	sadd.s32 $0x9, s24;
	vm4 =	vge.f32 v36, v8;
	v16 =	vadd.s32 s19, v0;
	v38 =	vadd.s32 s22, v0;
	s19 =	sadd.s32 $0x7, s24;
	s22 =	sadd.s32 $0x8, s24;
	[tilespmem:v29+s3+$0x0] =	vst.idx.msk $0xffff, v31;
	v29 =	vld.idx.msk [tilespmem:v17+s3+$0x0], $0xffff  }
0x3d7: {  	s26 =	sadd.s32 $0xB, s24;
	vm3 =	vge.f32 v25, v8;
	v31 =	vadd.s32 s19, v0;
	v39 =	vadd.s32 s22, v0;
	s19 =	sadd.s32 $0xA, s24;
	s22 =	sadd.s32 $0xC, s24;
	[tilespmem:v14+s3+$0x0] =	vst.idx.msk $0xffff, v40  }
0x3d8: {  	s28 =	sadd.s32 $0xE, s21;
	vm7 =	vge.f32 v42, v8;
	v14 =	vadd.s32 s26, v0;
	s26 =	sadd.s32 $0xD, s21;
	v40 =	vadd.s32 s19, v0;
	s19 =	sadd.s32 $0x10, s24;
	[tilespmem:v15+s3+$0x0] =	vst.idx.msk $0xffff, v41  }
0x3d9: {  	p0 =	slt.u32 s24, $0x7F0;
	v25 =	vadd.s32 s28, v0;
	v15 =	vadd.s32 s26, v0;
	s26 =	sadd.s32 $0xF, s21;
	v41 =	vmul.f32 v42, v9  }
0x3da: {  	v36 =	vmul.f32 v36, v9;
	v25 =	vand.u32 $0x7FF, v25;
	v15 =	vand.u32 $0x7FF, v15  }
0x3db: {  	v20 =	vand.u32 $0x7FF, v20;
	v44 =	vor.u32 v6, v15;
	vm6 =	vge.f32 v35, v8;
	v42 =	vld.idx.msk [tilespmem:v21+s3+$0x0], $0xffff  }
0x3dc: {  	v31 =	vand.u32 $0x7FF, v31;
	v43 =	vadd.s32 s26, v0;
	v35 =	vmul.f32 v35, v9  }
0x3dd: {  	v45 =	vand.u32 $0x7FF, v16;
	v14 =	vand.u32 $0x7FF, v14;
	v15 =	vadd.s32 s25, v0  }
0x3de: {  	vm5 =	vge.f32 v28, v8;
	v16 =	vor.u32 v6, v14;
	v14 =	vor.u32 v6, v25  }
0x3df: {  	v25 =	vand.u32 $0x7FF, v39;
	v39 =	vnsel vm7, $0x0, v41;
	v28 =	vand.u32 $0x7FF, v15  }
0x3e0: {  	v15 =	vor.u32 v6, v25;
	vm7 =	vge.f32 v29, v8;
	v46 =	vor.u32 v6, v28;
	v25 =	vld.idx.msk [tilespmem:v44+s3+$0x0], $0xffff  }
0x3e1: {  	v22 =	vand.u32 $0x7FF, v22;
	v28 =	vadd.s32 s23, v0;
	[tilespmem:v26+s3+$0x0] =	vst.idx.msk $0xffff, v39;
	v26 =	vmul.f32 v29, v9  }
0x3e2: {  	vm8 =	vge.f32 v42, v8;
	v39 =	vor.u32 v6, v22;
	v22 =	vand.u32 $0x7FF, v28  }
0x3e3: {  	v28 =	vand.u32 $0x7FF, v38;
	v29 =	vmul.f32 v42, v9;
	v47 =	vor.u32 v6, v22;
	v41 =	vld.idx.msk [tilespmem:v14+s3+$0x0], $0xffff  }
0x3e4: {  	v20 =	vor.u32 v6, v20;
	v22 =	vor.u32 v6, v28;
	v26 =	vnsel vm7, $0x0, v26;
	v28 =	vld.idx.msk [tilespmem:v16+s3+$0x0], $0xffff  }
0x3e5: {  	v38 =	vadd.s32 s20, v0;
	v42 =	vld.idx.msk [tilespmem:v15+s3+$0x0], $0xffff;
	[tilespmem:v12+s3+$0x0] =	vst.idx.msk $0xffff, v37;
	v12 =	vor.u32 v6, v31;
	v37 =	vnsel vm8, $0x0, v29  }
0x3e6: {  	v49 =	vnsel vm4, $0x0, v36;
	v29 =	vor.u32 s21, v7;
	v48 =	vmul.f32 v25, v9;
	v31 =	vld.idx.msk [tilespmem:v46+s3+$0x0], $0xffff;
	[tilespmem:v17+s3+$0x0] =	vst.idx.msk $0xffff, v26  }
0x3e7: {  	v23 =	vnsel vm1, $0x0, v23;
	vm4 =	vge.f32 v25, v8;
	v17 =	vand.u32 $0x7FF, v38;
	[tilespmem:v21+s3+$0x0] =	vst.idx.msk $0xffff, v37  }
0x3e8: {  	v21 =	vadd.s32 s22, v0;
	v48 =	vnsel vm4, $0x0, v48;
	v25 =	vld.idx.msk [tilespmem:v47+s3+$0x0], $0xffff;
	[tilespmem:v11+s3+$0x0] =	vst.idx.msk $0xffff, v23;
	v23 =	vnsel vm6, $0x0, v35;
	v11 =	vmovc v39  }
0x3e9: {  	v26 =	vand.u32 $0x7FF, v43;
	v21 =	vand.u32 $0x7FF, v21;
	v37 =	vld.idx.msk [tilespmem:v39+s3+$0x0], $0xffff;
	[tilespmem:v18+s3+$0x0] =	vst.idx.msk $0xffff, v23;
	v18 =	vnsel vm3, $0x0, v24  }
0x3ea: {  	v23 =	vand.u32 $0x7FF, v40;
	vm1 =	vge.f32 v28, v8;
	v24 =	vmul.f32 v28, v9;
	v38 =	vld.idx.msk [tilespmem:v20+s3+$0x0], $0xffff  }
0x3eb: {  	v35 =	vor.u32 v6, v17;
	v17 =	vor.u32 v6, v26;
	v28 =	vnsel vm0, $0x0, v34;
	v43 =	vld.idx.msk [tilespmem:v12+s3+$0x0], $0xffff  }
0x3ec: {  	v19 =	vnsel vm2, $0x0, v19;
	v26 =	vor.u32 v6, v23;
	v39 =	vnsel vm1, $0x0, v24;
	v34 =	vld.idx.msk [tilespmem:v29+s3+$0x0], $0xffff;
	[tilespmem:v13+s3+$0x0] =	vst.idx.msk $0xffff, v18  }
0x3ed: {  	vm0 =	vge.f32 v31, v8;
	v13 =	vmul.f32 v41, v9;
	v18 =	vnsel vm5, $0x0, v33;
	[tilespmem:v10+s3+$0x0] =	vst.idx.msk $0xffff, v28  }
0x3ee: {  	v24 =	vmul.f32 v42, v9;
	vm1 =	vge.f32 v41, v8;
	v28 =	vld.idx.msk [tilespmem:v22+s3+$0x0], $0xffff;
	[tilespmem:v32+s3+$0x0] =	vst.idx.msk $0xffff, v19  }
.Ltmp19:
0x3ef: {  	v21 =	vor.u32 v6, v21;
	vm2 =	vge.f32 v42, v8;
	v40 =	vnsel vm1, $0x0, v13;
	[tilespmem:v30+s3+$0x0] =	vst.idx.msk $0xffff, v18;
	(pc) =	sbr.rel @p0 .LBB2_34-.Ltmp19, $4  }
0x3f0: {  	v41 =	vnsel vm2, $0x0, v24;
	v10 =	vmovc v46;
	v23 =	vmul.f32 v37, v9;
	v18 =	vor.u32 v6, v45;
	v36 =	vld.idx.msk [tilespmem:v35+s3+$0x0], $0xffff  }
0x3f1: {  	vm2 =	vge.f32 v43, v8;
	v30 =	vmul.f32 v43, v9;
	v42 =	vld.idx.msk [tilespmem:v26+s3+$0x0], $0xffff;
	[tilespmem:v27+s3+$0x0] =	vst.idx.msk $0xffff, v49  }
0x3f2: {  	v24 =	vmul.f32 v25, v9;
	v13 =	vmovc v47;
	vm3 =	vge.f32 v34, v8;
	v43 =	vmul.f32 v34, v9  }
0x3f3: {  	s24 =	smov.u32 s19;
	vm1 =	vge.f32 v37, v8;
	v19 =	vmul.f32 v38, v9;
	v37 =	vnsel vm2, $0x0, v30;
	[tilespmem:v44+s3+$0x0] =	vst.idx.msk $0xffff, v48  }
0x3f4: {  	_ =	sdelay $0x3  }
0x3f5: {  	v6 =	vld.idx.msk [tilespmem:v17+s3+$0x0], $0xffff  }
0x3f6: {  	v7 =	vld.idx.msk [tilespmem:v21+s3+$0x0], $0xffff;
	[tilespmem:v16+s3+$0x0] =	vst.idx.msk $0xffff, v39  }
0x3f7: {  	[tilespmem:v14+s3+$0x0] =	vst.idx.msk $0xffff, v40  }
0x3f8: {  	v27 =	vld.idx.msk [tilespmem:v18+s3+$0x0], $0xffff;
	[tilespmem:v15+s3+$0x0] =	vst.idx.msk $0xffff, v41  }
0x3f9: {  	v57 =	vnsel vm3, $0x0, v43;
	[tilespmem:v12+s3+$0x0] =	vst.idx.msk $0xffff, v37;
	vm13 =	vge.f32 v38, v8;
	v58 =	vmul.f32 v42, v9  }
0x3fa: {  	[tilespmem:v29+s3+$0x0] =	vst.idx.msk $0xffff, v57;
	v63 =	vnsel vm13, $0x0, v19;
	vm2 =	vge.f32 v42, v8;
	v60 =	vmul.f32 v6, v9  }
0x3fb: {  	[tilespmem:v20+s3+$0x0] =	vst.idx.msk $0xffff, v63;
	v59 =	vnsel vm2, $0x0, v58;
	vm9 =	vge.f32 v6, v8;
	v6 =	vmul.f32 v7, v9  }
0x3fc: {  	[tilespmem:v26+s3+$0x0] =	vst.idx.msk $0xffff, v59;
	vm10 =	vge.f32 v7, v8;
	v7 =	vnsel vm9, $0x0, v60  }
0x3fd: {  	v61 =	vmul.f32 v27, v9;
	v6 =	vnsel vm10, $0x0, v6;
	[tilespmem:v17+s3+$0x0] =	vst.idx.msk $0xffff, v7  }
0x3fe: {  	vm11 =	vge.f32 v27, v8;
	v7 =	vnsel vm1, $0x0, v23;
	[tilespmem:v21+s3+$0x0] =	vst.idx.msk $0xffff, v6  }
0x3ff: {  	vm12 =	vge.f32 v25, v8;
	v6 =	vmul.f32 v31, v9;
	[tilespmem:v11+s3+$0x0] =	vst.idx.msk $0xffff, v7;
	v7 =	vnsel vm11, $0x0, v61  }
0x400: {  	v62 =	vmul.f32 v28, v9;
	[tilespmem:v18+s3+$0x0] =	vst.idx.msk $0xffff, v7;
	v7 =	vnsel vm12, $0x0, v24  }
0x401: {  	vm14 =	vge.f32 v28, v8;
	s17 =	sadd.s32 s17, s6;
	s31 =	simm.s32 $0x0;
	v6 =	vnsel vm0, $0x0, v6;
	[tilespmem:v13+s3+$0x0] =	vst.idx.msk $0xffff, v7;
	v7 =	vmul.f32 v36, v9  }
0x402: {  	vm15 =	vge.f32 v36, v8;
	s19 =	sshll.u32 s17, $0x8;
	s17 =	sand.u32 $0x70, s31;
	[tilespmem:v10+s3+$0x0] =	vst.idx.msk $0xffff, v6;
	v6 =	vnsel vm14, $0x0, v62  }
0x403: {  	s16 =	sand.u32 $0x1, s16;
	s20 =	sand.u32 $0xFFFF800, s19;
	s17 =	sadd.s32 s2, s17;
	[tilespmem:v22+s3+$0x0] =	vst.idx.msk $0xffff, v6;
	v7 =	vnsel vm15, $0x0, v7  }
0x404: {  	s16 =	sshll.u32 s16, $0xF;
	s17 =	sadd.s32 s20, s17;
	[tilespmem:v35+s3+$0x0] =	vst.idx.msk $0xffff, v7  }
0x405: {  	[hbm4b:s17+s9] =	stream.strided.scatter [tilespmem:s16], [sflag:$0x2], $0x800, s10, s9, $0x38;
	[tilespmem:$0x1F880] =	vst v63  }
0x406: {  	s19 =	sadd.s32 $0x100, s19;
	s17 =	simm.s32 $0x10  }
.LBB2_36:
0x407: {  	s20 =	sand.u32 $0x70, s17;
	p0 =	seq.s32 s17, $0xF0;
	s17 =	sadd.s32 $0x10, s17  }
.Ltmp20:
0x408: {  	s21 =	sand.u32 $0xFFFF800, s19;
	s20 =	sadd.s32 s2, s20;
	(pc) =	sbr.rel @!p0 .LBB2_36-.Ltmp20, $4  }
0x409: {  	s16 =	sadd.s32 $0x800, s16;
	s20 =	sadd.s32 s21, s20  }
0x40a: {  	[hbm4b:s20+s9] =	stream.strided.scatter [tilespmem:s16], [sflag:$0x2], $0x800, s10, s9, $0x38;
	[tilespmem:$0x1F880] =	vst v63  }
0x40b: {  	_ = 	snop  }
0x40c: {  	s19 =	sadd.s32 $0x100, s19  }
0x40d: {  	p0 =	sne.s32 s18, $0x40  }
.Ltmp21:
0x40e: {  	_ = 	snop;
	(pc) =	sbr.rel @p0 .LBB2_5-.Ltmp21, $1  }
0x40f: {  	_ =	sdelay $0x3  }
0x410: {  	_ =	swait.ge [sflag:s14], $0x800  }
0x411: {  	[sflag:s14] =	ssyncset.done $0x0  }
0x412: {  	[sflag:s14] =	ssyncadd.s32 $0xFFFFF800  }
0x413: {  	_ =	swait.ge [sflag:s14], $0x800  }
0x414: {  	[sflag:s14] =	ssyncset.done $0x0  }
0x415: {  	[sflag:s14] =	ssyncadd.s32 $0xFFFFF800  }
0x416: {  	_ =	swait.ge [sflag:s14], $0x800  }
0x417: {  	[sflag:s14] =	ssyncset.done $0x0  }
0x418: {  	[sflag:s14] =	ssyncadd.s32 $0xFFFFF800  }
0x419: {  	_ =	swait.ge [sflag:s14], $0x800  }
0x41a: {  	[sflag:s14] =	ssyncset.done $0x0  }
0x41b: {  	[sflag:s14] =	ssyncadd.s32 $0xFFFFF800  }
0x41c: {  	_ =	swait.ge [sflag:s14], $0x800  }
0x41d: {  	[sflag:s14] =	ssyncset.done $0x0  }
0x41e: {  	[sflag:s14] =	ssyncadd.s32 $0xFFFFF800  }
0x41f: {  	_ =	swait.ge [sflag:s14], $0x800  }
0x420: {  	[sflag:s14] =	ssyncset.done $0x0  }
0x421: {  	[sflag:s14] =	ssyncadd.s32 $0xFFFFF800  }
0x422: {  	_ =	swait.ge [sflag:s14], $0x800  }
0x423: {  	[sflag:s14] =	ssyncset.done $0x0  }
0x424: {  	[sflag:s14] =	ssyncadd.s32 $0xFFFFF800  }
0x425: {  	_ =	swait.ge [sflag:s14], $0x800  }
0x426: {  	[sflag:s14] =	ssyncset.done $0x0  }
0x427: {  	[sflag:s14] =	ssyncadd.s32 $0xFFFFF800  }
0x428: {  	_ =	swait.ge [sflag:s14], $0x800  }
0x429: {  	[sflag:s14] =	ssyncset.done $0x0  }
0x42a: {  	[sflag:s14] =	ssyncadd.s32 $0xFFFFF800  }
0x42b: {  	_ =	swait.ge [sflag:s14], $0x800  }
0x42c: {  	[sflag:s14] =	ssyncset.done $0x0  }
0x42d: {  	[sflag:s14] =	ssyncadd.s32 $0xFFFFF800  }
0x42e: {  	_ =	swait.ge [sflag:s14], $0x800  }
0x42f: {  	[sflag:s14] =	ssyncset.done $0x0  }
0x430: {  	[sflag:s14] =	ssyncadd.s32 $0xFFFFF800  }
0x431: {  	_ =	swait.ge [sflag:s14], $0x800  }
0x432: {  	[sflag:s14] =	ssyncset.done $0x0  }
0x433: {  	[sflag:s14] =	ssyncadd.s32 $0xFFFFF800  }
0x434: {  	_ =	swait.ge [sflag:s14], $0x800  }
0x435: {  	[sflag:s14] =	ssyncset.done $0x0  }
0x436: {  	[sflag:s14] =	ssyncadd.s32 $0xFFFFF800  }
0x437: {  	_ =	swait.ge [sflag:s14], $0x800  }
0x438: {  	[sflag:s14] =	ssyncset.done $0x0  }
0x439: {  	s15 =	sadd.s32 $0x1, s15;
	[sflag:s14] =	ssyncadd.s32 $0xFFFFF800  }
0x43a: {  	p0 =	seq.s32 s15, s5;
	_ =	swait.ge [sflag:s14], $0x800  }
.Ltmp22:
0x43b: {  	[sflag:s14] =	ssyncset.done $0x0;
	(pc) =	sbr.rel @!p0 .LBB2_1-.Ltmp22, $4  }
0x43c: {  	[sflag:s14] =	ssyncadd.s32 $0xFFFFF800  }
0x43d: {  	_ =	swait.ge [sflag:s14], $0x800  }
0x43e: {  	[sflag:s14] =	ssyncset.done $0x0  }
0x43f: {  	[sflag:s14] =	ssyncadd.s32 $0xFFFFF800  }
0x440: {  	_ =	sfence.sel $0x180000  }
0x441: {  	[bflag:$0x0] =	sbarrier.arrive $0xFFFF  }
0x442: {  	p0 =	sne.s32 s4, $0x0;
	_ =	strace $0x90000047  }
0x443: {  	s0 =	sadd.s32 @!p0 $0x100000, s0;
	[bflag:$0x2] =	sbarrier.arrive $0xFFFF  }
0x444: {  	[sflag:s0] =	ssyncadd.tile.s32 @!p0 $0x1;
	_ =	shalt  }
.Lfunc_end2:
_tile_overlayer_lowered:
.L_overlay_start_2:
0x445: {  	(tag) =	ssettag $0x2  }
0x446: {  	s0 =	rddreg [dreg:$0x0];
	s2 =	stileid.u32  }
0x447: {  	s1 =	rddreg [dreg:$0x1];
	p0 =	sne.s32 s2, $0x0  }
0x448: {  	s3 =	rddreg [dreg:$0x2];
	[bflag:$0x3] =	sbarrier.arrive $0xFFFF;
	s2 =	simm.s32 @!p0 $0x1C03  }
0x449: {  	[timem:s3], [sflag:s2] =	dma.local @!p0 [hbm:s0], s1  }
0x44a: {  	s0 =	simm.s32 @!p0 $0x3  }
0x44b: {  	_ =	swait.ge @!p0 [sflag:s0], s1  }
0x44c: {  	s1 =	ssub.s32 @!p0 $0x0, s1;
	[sflag:s0] =	ssyncset.done @!p0 $0x0  }
0x44d: {  	[sflag:s0] =	ssyncadd.s32 @!p0 s1  }
0x44e: {  	[bflag:$0x3] =	sbarrier.arrive $0xFFFF  }
0x44f: {  	_ =	shalt  }

</sc_bundles>
